<compile_context>
chip_gen: v7x
topology: tpu7x:2x2x1
jax: 0.10.2.dev20260603
libtpu: 0.0.44.dev20260713+nightly
codegen_flags: <defaults>
</compile_context>

<pallas_src>
import functools

import jax
import jax.numpy as jnp
from jax import lax
from jax.experimental import pallas as pl
from jax.experimental.pallas import tpu as pltpu
from jax.experimental.pallas import tpu_sc as plsc

_NUM_TOKENS = 4096
_MODEL_DIM = 4096
_NUM_EXPERTS = 64
_CAPACITY = 128

_B1 = 256
_NB1 = _NUM_TOKENS // _B1
_B2 = 256
_NB2 = _NUM_TOKENS // _B2

_GUMBEL_CACHE = None


def _gumbel_const():
    global _GUMBEL_CACHE
    if _GUMBEL_CACHE is None:
        _GUMBEL_CACHE = jax.random.gumbel(
            jax.random.key(42), (_NUM_TOKENS, _NUM_EXPERTS), jnp.float32)
    return _GUMBEL_CACHE


def _pattern_const():
    eye = jnp.eye(_CAPACITY, dtype=jnp.bool_)
    return jnp.concatenate(
        [eye, jnp.zeros((1, _CAPACITY), jnp.bool_)], axis=0)


def _phase1_body(x_ref, wg_ref, gum_ref,
                 l1_ref, l2_ref, i1_ref, i2_ref, lc1_ref, lc2_ref,
                 cnt_ref, laux_ref,
                 accg_ref, c1_ref, c2_ref):
    i = pl.program_id(0)

    @pl.when(i == 0)
    def _init():
        accg_ref[...] = jnp.zeros_like(accg_ref)
        c1_ref[...] = jnp.zeros_like(c1_ref)
        c2_ref[...] = jnp.zeros_like(c2_ref)

    logits = jnp.dot(x_ref[...], wg_ref[...],
                     preferred_element_type=jnp.float32)
    iota_e = jax.lax.broadcasted_iota(jnp.int32, (_B1, _NUM_EXPERTS), 1)

    m1 = jnp.max(logits, axis=1, keepdims=True)
    idx1 = jnp.min(jnp.where(logits == m1, iota_e, _NUM_EXPERTS),
                   axis=1, keepdims=True)
    eq1 = iota_e == idx1

    e = jnp.exp(logits - m1)
    gates = e / jnp.sum(e, axis=1, keepdims=True)
    accg_ref[...] += jnp.sum(gates, axis=0, keepdims=True)

    lw = logits + gum_ref[...]
    lw1 = jnp.where(eq1, -jnp.inf, lw)
    m2 = jnp.max(lw1, axis=1, keepdims=True)
    idx2 = jnp.min(jnp.where(lw1 == m2, iota_e, _NUM_EXPERTS),
                   axis=1, keepdims=True)
    eq2 = iota_e == idx2
    l2v = jnp.sum(jnp.where(eq2, logits, 0.0), axis=1, keepdims=True)

    m1f = eq1.astype(jnp.float32)
    m2f = eq2.astype(jnp.float32)
    r = jax.lax.broadcasted_iota(jnp.int32, (_B1, _B1), 0)
    c = jax.lax.broadcasted_iota(jnp.int32, (_B1, _B1), 1)
    tri = (r >= c).astype(jnp.float32)
    cum1 = jnp.dot(tri, m1f, preferred_element_type=jnp.float32)
    cum2 = jnp.dot(tri, m2f, preferred_element_type=jnp.float32)

    c1p = c1_ref[...].astype(jnp.float32)
    c2p = c2_ref[...].astype(jnp.float32)
    loc1 = jnp.sum((c1p + cum1 - 1.0) * m1f, axis=1,
                   keepdims=True).astype(jnp.int32)
    loc2 = jnp.sum((c2p + cum2 - 1.0) * m2f, axis=1,
                   keepdims=True).astype(jnp.int32)

    c1_ref[...] += jnp.sum(eq1.astype(jnp.int32), axis=0, keepdims=True)
    c2_ref[...] += jnp.sum(eq2.astype(jnp.int32), axis=0, keepdims=True)

    l1_ref[...] = m1
    l2_ref[...] = l2v
    i1_ref[...] = idx1
    i2_ref[...] = idx2
    lc1_ref[...] = loc1
    lc2_ref[...] = loc2

    @pl.when(i == _NB1 - 1)
    def _finalize():
        cnt = c1_ref[...]
        cnt_ref[...] = cnt
        me = accg_ref[...] / _NUM_TOKENS
        ce = cnt.astype(jnp.float32) / _NUM_TOKENS
        laux_ref[...] = (jnp.sum(me * ce) * _NUM_EXPERTS).reshape(1, 1)


def _phase2_body(l1_ref, l2_ref, i1_ref, i2_ref, lc1_ref, lc2_ref, cnt_ref,
                 outc_ref, pid_ref):
    l1 = l1_ref[...]
    l2 = l2_ref[...]
    idx1 = i1_ref[...]
    idx2 = i2_ref[...]
    loc1 = lc1_ref[...]
    cnt = cnt_ref[...]

    iota_e = jax.lax.broadcasted_iota(jnp.int32, (_B2, _NUM_EXPERTS), 1)
    eq1 = iota_e == idx1
    eq2 = iota_e == idx2
    add2 = jnp.sum(jnp.where(eq2, cnt, 0), axis=1, keepdims=True)
    loc2 = lc2_ref[...] + add2

    k1 = (loc1 < _CAPACITY).astype(jnp.float32)
    k2 = (loc2 < _CAPACITY).astype(jnp.float32)
    b = jnp.exp(l2 - l1)
    denom = k1 + k2 * b
    inv = jnp.where(denom > 0, 1.0 / jnp.where(denom > 0, denom, 1.0), 0.0)
    w1 = k1 * inv
    w2 = k2 * b * inv

    iota_c = jax.lax.broadcasted_iota(jnp.int32, (_B2, _CAPACITY), 1)
    oh_c1 = (iota_c == loc1).astype(jnp.float32)
    oh_c2 = (iota_c == loc2).astype(jnp.float32)

    t1 = (w1 * eq1.astype(jnp.float32))[:, :, None] * oh_c1[:, None, :]
    t2 = (w2 * eq2.astype(jnp.float32))[:, :, None] * oh_c2[:, None, :]
    outc_ref[...] = t1 + t2

    keep1 = jnp.logical_and(eq1, loc1 < _CAPACITY)
    keep2 = jnp.logical_and(eq2, loc2 < _CAPACITY)
    pid = jnp.where(keep1, loc1, jnp.where(keep2, loc2, _CAPACITY))
    pid_ref[...] = pid


def _make_mask_kernel():
    info = plsc.get_sparse_core_info()
    nc, ns = info.num_cores, info.num_subcores
    nw = nc * ns
    rows = _NUM_TOKENS * _NUM_EXPERTS
    rows_w = rows // nw
    chunk = 512
    sub = 128
    mesh = plsc.VectorSubcoreMesh(core_axis_name="c", subcore_axis_name="s")

    @functools.partial(
        pl.kernel, mesh=mesh,
        out_type=jax.ShapeDtypeStruct((rows, _CAPACITY), jnp.bool_),
        scratch_types=[
            pltpu.VMEM((rows_w,), jnp.int32),
            pltpu.VMEM((chunk, _CAPACITY), jnp.bool_),
            pltpu.SemaphoreType.DMA,
        ],
    )
    def mask_kernel(pid_hbm, pat_hbm, out_hbm, pv, stag, sem):
        wid = lax.axis_index("s") * nc + lax.axis_index("c")
        rbase = wid * rows_w
        pltpu.sync_copy(pid_hbm.at[pl.ds(rbase, rows_w)], pv)
        for c in range(rows_w // chunk):
            cps = []
            for b in range(chunk // sub):
                off = c * chunk + b * sub
                cps.append(pltpu.async_copy(
                    pat_hbm.at[pv.at[pl.ds(off, sub)]],
                    stag.at[pl.ds(b * sub, sub)], sem))
            for cp in cps:
                cp.wait()
            pltpu.sync_copy(stag, out_hbm.at[pl.ds(rbase + c * chunk, chunk)])

    return mask_kernel


def kernel(input, wg):
    gum = _gumbel_const()
    f32 = jnp.float32
    i32 = jnp.int32
    tok_spec = pl.BlockSpec((_B1, 1), lambda i: (i, 0))
    l1, l2, i1, i2, lc1, lc2, cnt, laux = pl.pallas_call(
        _phase1_body,
        grid=(_NB1,),
        in_specs=[
            pl.BlockSpec((_B1, _MODEL_DIM), lambda i: (i, 0)),
            pl.BlockSpec((_MODEL_DIM, _NUM_EXPERTS), lambda i: (0, 0)),
            pl.BlockSpec((_B1, _NUM_EXPERTS), lambda i: (i, 0)),
        ],
        out_specs=[
            tok_spec, tok_spec, tok_spec, tok_spec, tok_spec, tok_spec,
            pl.BlockSpec((1, _NUM_EXPERTS), lambda i: (0, 0)),
            pl.BlockSpec((1, 1), lambda i: (0, 0)),
        ],
        out_shape=[
            jax.ShapeDtypeStruct((_NUM_TOKENS, 1), f32),
            jax.ShapeDtypeStruct((_NUM_TOKENS, 1), f32),
            jax.ShapeDtypeStruct((_NUM_TOKENS, 1), i32),
            jax.ShapeDtypeStruct((_NUM_TOKENS, 1), i32),
            jax.ShapeDtypeStruct((_NUM_TOKENS, 1), i32),
            jax.ShapeDtypeStruct((_NUM_TOKENS, 1), i32),
            jax.ShapeDtypeStruct((1, _NUM_EXPERTS), i32),
            jax.ShapeDtypeStruct((1, 1), f32),
        ],
        scratch_shapes=[
            pltpu.VMEM((1, _NUM_EXPERTS), f32),
            pltpu.VMEM((1, _NUM_EXPERTS), i32),
            pltpu.VMEM((1, _NUM_EXPERTS), i32),
        ],
    )(input, wg, gum)

    tok2_spec = pl.BlockSpec((_B2, 1), lambda i: (i, 0))
    out3_spec = pl.BlockSpec((_B2, _NUM_EXPERTS, _CAPACITY),
                             lambda i: (i, 0, 0))
    outc, pid = pl.pallas_call(
        _phase2_body,
        grid=(_NB2,),
        in_specs=[
            tok2_spec, tok2_spec, tok2_spec, tok2_spec, tok2_spec, tok2_spec,
            pl.BlockSpec((1, _NUM_EXPERTS), lambda i: (0, 0)),
        ],
        out_specs=[out3_spec, pl.BlockSpec((_B2, _NUM_EXPERTS),
                                           lambda i: (i, 0))],
        out_shape=[
            jax.ShapeDtypeStruct((_NUM_TOKENS, _NUM_EXPERTS, _CAPACITY), f32),
            jax.ShapeDtypeStruct((_NUM_TOKENS, _NUM_EXPERTS), i32),
        ],
        compiler_params=pltpu.CompilerParams(
            dimension_semantics=("parallel",)),
    )(l1, l2, i1, i2, lc1, lc2, cnt)

    mask2d = _make_mask_kernel()(
        pid.reshape(_NUM_TOKENS * _NUM_EXPERTS), _pattern_const())
    outm = mask2d.reshape(_NUM_TOKENS, _NUM_EXPERTS, _CAPACITY)

    return laux[0, 0], outc, outm, cnt[0]

# --- scband reference (transcript-rebuilt; emitter-appended) ---
"""Pipeline reference for scband-top-kgate-13159779794953 (READ-ONLY COPY).

The authoritative reference and input builder live on the scoring server;
editing this copy changes nothing except your own understanding.
"""

import jax, jax.numpy as jnp
import numpy as np

NUM_TOKENS = 4096
MODEL_DIM = 4096
NUM_EXPERTS = 64
CAPACITY_FACTOR = 1.0
MIN_CAPACITY = 4


def _capacity_static():
    cap = int(np.ceil(NUM_TOKENS / NUM_EXPERTS * CAPACITY_FACTOR * 2.0))
    if cap < MIN_CAPACITY:
        cap = MIN_CAPACITY
    return cap


def setup_inputs(seed: int = 0) -> dict:
    key = jax.random.key(seed)
    k1, k2 = jax.random.split(key)
    x = jax.random.normal(k1, (NUM_TOKENS, MODEL_DIM), dtype=jnp.float32)
    wg = jax.random.normal(k2, (MODEL_DIM, NUM_EXPERTS), dtype=jnp.float32) * 0.02
    return {"input": x, "wg": wg}


def _top2gating(logits):
    gates = jax.nn.softmax(logits, axis=1)
    num_experts = NUM_EXPERTS
    capacity = _capacity_static()
    indices1_s = jnp.argmax(gates, axis=1)
    mask1 = jax.nn.one_hot(indices1_s, num_experts, dtype=jnp.int32)
    gumbel = jax.random.gumbel(jax.random.key(42), logits.shape, dtype=logits.dtype)
    logits_w_noise = logits + gumbel
    logits_except1 = jnp.where(mask1.astype(bool), -jnp.inf, logits_w_noise)
    indices2_s = jnp.argmax(logits_except1, axis=1)
    mask2 = jax.nn.one_hot(indices2_s, num_experts, dtype=jnp.int32)
    locations1 = jnp.cumsum(mask1, axis=0) - 1
    locations2 = jnp.cumsum(mask2, axis=0) - 1
    locations2 = locations2 + jnp.sum(mask1, axis=0, keepdims=True)
    exp_counts = jnp.sum(mask1, axis=0)
    me = jnp.mean(gates, axis=0)
    ce = jnp.mean(mask1.astype(jnp.float32), axis=0)
    l_aux = jnp.mean(me * ce) * num_experts * num_experts
    mask1 = mask1 * (locations1 < capacity).astype(jnp.int32)
    mask2 = mask2 * (locations2 < capacity).astype(jnp.int32)
    locations1_s = jnp.sum(locations1 * mask1, axis=1)
    locations2_s = jnp.sum(locations2 * mask2, axis=1)
    mask1_float = mask1.astype(jnp.float32)
    mask2_float = mask2.astype(jnp.float32)
    gates1_s = jnp.sum(gates * mask1_float, axis=1)
    gates2_s = jnp.sum(gates * mask2_float, axis=1)
    denom_s = gates1_s + gates2_s
    denom_s = jnp.maximum(denom_s, jnp.finfo(denom_s.dtype).eps)
    gates1_s = gates1_s / denom_s
    gates2_s = gates2_s / denom_s
    gates1 = gates1_s[:, None] * mask1_float
    gates2 = gates2_s[:, None] * mask2_float
    locations1_sc = jax.nn.one_hot(locations1_s, capacity, dtype=jnp.float32)
    locations2_sc = jax.nn.one_hot(locations2_s, capacity, dtype=jnp.float32)
    combine1_sec = gates1[:, :, None] * locations1_sc[:, None, :]
    combine2_sec = gates2[:, :, None] * locations2_sc[:, None, :]
    combine_weights = combine1_sec + combine2_sec
    dispatch_mask = combine_weights.astype(bool)
    return l_aux, combine_weights, dispatch_mask, exp_counts


def reference(input, wg):
    logits = input.astype(jnp.float32) @ wg
    return _top2gating(logits)

if __name__ == "__main__":
    import jax
    _d = setup_inputs()
    print(jax.jit(kernel)(*tuple(_d.values())))

</pallas_src>

<mosaic_0001>
#map = affine_map<(d0, d1) -> (0)>
#map1 = affine_map<(d0, d1) -> (0, 0)>
module attributes {stable_mosaic.version = 14 : i64} {
  func.func @mask_kernel(%arg0: i32, %arg1: i32, %arg2: memref<262144xi32, #tpu.memory_space<hbm>>, %arg3: memref<129x128xi32, #tpu.memory_space<hbm>>, %arg4: memref<262144x128xi32, #tpu.memory_space<hbm>>, %arg5: memref<8192xi32, #tpu.memory_space<vmem>>, %arg6: memref<512x128xi32, #tpu.memory_space<vmem>>, %arg7: memref<!tpu.dma_semaphore, #tpu.memory_space<semaphore_mem>>) attributes {dimension_semantics = [#tpu.dimension_semantics<core_parallel>, #tpu.dimension_semantics<subcore_parallel>], iteration_bounds = array<i64: 2, 16>, scalar_prefetch = 0 : i64, scratch_operands = 3 : i64, tpu.core_type = #tpu.core_type<sc_vector_subcore>, window_params = [{transform_indices = #map}, {transform_indices = #map1}, {transform_indices = #map1}]} {
    %mul3A = arith.constant 2 : i32
    %mul3A_0 = arith.muli %arg1, %mul3A : i32
    %add3A = arith.addi %mul3A_0, %arg0 : i32
    %mul3A_1 = arith.constant 8192 : i32
    %mul3A_2 = arith.muli %add3A, %mul3A_1 : i32
    "tpu.region"() ({
      %run_scoped3A = tpu.sem_alloc : memref<!tpu.dma_semaphore, #tpu.memory_space<semaphore_mem>>
      %dma_start3A_1057 = tpu.memref_slice %arg2[%mul3A_2] : memref<262144xi32, #tpu.memory_space<hbm>> -> memref<8192xi32, #tpu.memory_space<hbm>>
      %dma_start3A_1058 = tpu.memref_slice %arg2[%mul3A_2] : memref<262144xi32, #tpu.memory_space<hbm>> -> memref<8192xi32, #tpu.memory_space<hbm>>
      tpu.enqueue_dma source(%dma_start3A_1058 : memref<8192xi32, #tpu.memory_space<hbm>>) target(%arg5 : memref<8192xi32, #tpu.memory_space<vmem>>) target_semaphore(%run_scoped3A : memref<!tpu.dma_semaphore, #tpu.memory_space<semaphore_mem>>)
      %dma_wait3A_1059 = tpu.memref_slice %arg2[%mul3A_2] : memref<262144xi32, #tpu.memory_space<hbm>> -> memref<8192xi32, #tpu.memory_space<hbm>>
      %dma_wait3A_1060 = tpu.memref_slice %arg2[%mul3A_2] : memref<262144xi32, #tpu.memory_space<hbm>> -> memref<8192xi32, #tpu.memory_space<hbm>>
      tpu.wait_dma2 semaphore(%run_scoped3A : memref<!tpu.dma_semaphore, #tpu.memory_space<semaphore_mem>>) src(%dma_wait3A_1060 : memref<8192xi32, #tpu.memory_space<hbm>>) dst(%arg5 : memref<8192xi32, #tpu.memory_space<vmem>>)
      tpu.yield
    }) : () -> ()
    %dma_start3A = arith.constant 0 : i32
    %dma_start3A_3 = arith.constant 0 : i32
    %dma_start3A_4 = tpu.memref_slice %arg6[%dma_start3A, %dma_start3A_3] : memref<512x128xi32, #tpu.memory_space<vmem>> -> memref<128x128xi32, #tpu.memory_space<vmem>>
    %dma_start3A_5 = arith.constant 0 : i32
    %dma_start3A_6 = tpu.memref_slice %arg5[%dma_start3A_5] : memref<8192xi32, #tpu.memory_space<vmem>> -> memref<128xi32, #tpu.memory_space<vmem>>
    %dma_start3A_7 = arith.constant 0 : i32
    %dma_start3A_8 = arith.constant 0 : i32
    %dma_start3A_9 = tpu.memref_slice %arg3[%dma_start3A_7, %dma_start3A_8] : memref<129x128xi32, #tpu.memory_space<hbm>> -> memref<129x128xi32, #tpu.memory_space<hbm>>
    tpu.enqueue_indirect_dma source(%dma_start3A_9 : memref<129x128xi32, #tpu.memory_space<hbm>>) target(%dma_start3A_4 : memref<128x128xi32, #tpu.memory_space<vmem>>) offsets(%dma_start3A_6 : memref<128xi32, #tpu.memory_space<vmem>>) semaphore(%arg7 : memref<!tpu.dma_semaphore, #tpu.memory_space<semaphore_mem>>)
    %dma_start3A_10 = arith.constant 128 : i32
    %dma_start3A_11 = arith.constant 0 : i32
    %dma_start3A_12 = tpu.memref_slice %arg6[%dma_start3A_10, %dma_start3A_11] : memref<512x128xi32, #tpu.memory_space<vmem>> -> memref<128x128xi32, #tpu.memory_space<vmem>>
    %dma_start3A_13 = arith.constant 128 : i32
    %dma_start3A_14 = tpu.memref_slice %arg5[%dma_start3A_13] : memref<8192xi32, #tpu.memory_space<vmem>> -> memref<128xi32, #tpu.memory_space<vmem>>
    %dma_start3A_15 = arith.constant 0 : i32
    %dma_start3A_16 = arith.constant 0 : i32
    %dma_start3A_17 = tpu.memref_slice %arg3[%dma_start3A_15, %dma_start3A_16] : memref<129x128xi32, #tpu.memory_space<hbm>> -> memref<129x128xi32, #tpu.memory_space<hbm>>
    tpu.enqueue_indirect_dma source(%dma_start3A_17 : memref<129x128xi32, #tpu.memory_space<hbm>>) target(%dma_start3A_12 : memref<128x128xi32, #tpu.memory_space<vmem>>) offsets(%dma_start3A_14 : memref<128xi32, #tpu.memory_space<vmem>>) semaphore(%arg7 : memref<!tpu.dma_semaphore, #tpu.memory_space<semaphore_mem>>)
    %dma_start3A_18 = arith.constant 256 : i32
    %dma_start3A_19 = arith.constant 0 : i32
    %dma_start3A_20 = tpu.memref_slice %arg6[%dma_start3A_18, %dma_start3A_19] : memref<512x128xi32, #tpu.memory_space<vmem>> -> memref<128x128xi32, #tpu.memory_space<vmem>>
    %dma_start3A_21 = arith.constant 256 : i32
    %dma_start3A_22 = tpu.memref_slice %arg5[%dma_start3A_21] : memref<8192xi32, #tpu.memory_space<vmem>> -> memref<128xi32, #tpu.memory_space<vmem>>
    %dma_start3A_23 = arith.constant 0 : i32
    %dma_start3A_24 = arith.constant 0 : i32
    %dma_start3A_25 = tpu.memref_slice %arg3[%dma_start3A_23, %dma_start3A_24] : memref<129x128xi32, #tpu.memory_space<hbm>> -> memref<129x128xi32, #tpu.memory_space<hbm>>
    tpu.enqueue_indirect_dma source(%dma_start3A_25 : memref<129x128xi32, #tpu.memory_space<hbm>>) target(%dma_start3A_20 : memref<128x128xi32, #tpu.memory_space<vmem>>) offsets(%dma_start3A_22 : memref<128xi32, #tpu.memory_space<vmem>>) semaphore(%arg7 : memref<!tpu.dma_semaphore, #tpu.memory_space<semaphore_mem>>)
    %dma_start3A_26 = arith.constant 384 : i32
    %dma_start3A_27 = arith.constant 0 : i32
    %dma_start3A_28 = tpu.memref_slice %arg6[%dma_start3A_26, %dma_start3A_27] : memref<512x128xi32, #tpu.memory_space<vmem>> -> memref<128x128xi32, #tpu.memory_space<vmem>>
    %dma_start3A_29 = arith.constant 384 : i32
    %dma_start3A_30 = tpu.memref_slice %arg5[%dma_start3A_29] : memref<8192xi32, #tpu.memory_space<vmem>> -> memref<128xi32, #tpu.memory_space<vmem>>
    %dma_start3A_31 = arith.constant 0 : i32
    %dma_start3A_32 = arith.constant 0 : i32
    %dma_start3A_33 = tpu.memref_slice %arg3[%dma_start3A_31, %dma_start3A_32] : memref<129x128xi32, #tpu.memory_space<hbm>> -> memref<129x128xi32, #tpu.memory_space<hbm>>
    tpu.enqueue_indirect_dma source(%dma_start3A_33 : memref<129x128xi32, #tpu.memory_space<hbm>>) target(%dma_start3A_28 : memref<128x128xi32, #tpu.memory_space<vmem>>) offsets(%dma_start3A_30 : memref<128xi32, #tpu.memory_space<vmem>>) semaphore(%arg7 : memref<!tpu.dma_semaphore, #tpu.memory_space<semaphore_mem>>)
    %dma_wait3A = arith.constant 0 : i32
    %dma_wait3A_34 = arith.constant 0 : i32
    %dma_wait3A_35 = tpu.memref_slice %arg6[%dma_wait3A, %dma_wait3A_34] : memref<512x128xi32, #tpu.memory_space<vmem>> -> memref<128x128xi32, #tpu.memory_space<vmem>>
    %dma_wait3A_36 = arith.constant 0 : i32
    %dma_wait3A_37 = tpu.memref_slice %arg5[%dma_wait3A_36] : memref<8192xi32, #tpu.memory_space<vmem>> -> memref<128xi32, #tpu.memory_space<vmem>>
    %dma_wait3A_38 = arith.constant 0 : i32
    %dma_wait3A_39 = arith.constant 0 : i32
    %dma_wait3A_40 = tpu.memref_slice %arg3[%dma_wait3A_38, %dma_wait3A_39] : memref<129x128xi32, #tpu.memory_space<hbm>> -> memref<129x128xi32, #tpu.memory_space<hbm>>
    tpu.wait_indirect_dma semaphore(%arg7 : memref<!tpu.dma_semaphore, #tpu.memory_space<semaphore_mem>>) src(%dma_wait3A_40 : memref<129x128xi32, #tpu.memory_space<hbm>>) dst(%dma_wait3A_35 : memref<128x128xi32, #tpu.memory_space<vmem>>)
    %dma_wait3A_41 = arith.constant 128 : i32
    %dma_wait3A_42 = arith.constant 0 : i32
    %dma_wait3A_43 = tpu.memref_slice %arg6[%dma_wait3A_41, %dma_wait3A_42] : memref<512x128xi32, #tpu.memory_space<vmem>> -> memref<128x128xi32, #tpu.memory_space<vmem>>
    %dma_wait3A_44 = arith.constant 128 : i32
    %dma_wait3A_45 = tpu.memref_slice %arg5[%dma_wait3A_44] : memref<8192xi32, #tpu.memory_space<vmem>> -> memref<128xi32, #tpu.memory_space<vmem>>
    %dma_wait3A_46 = arith.constant 0 : i32
    %dma_wait3A_47 = arith.constant 0 : i32
    %dma_wait3A_48 = tpu.memref_slice %arg3[%dma_wait3A_46, %dma_wait3A_47] : memref<129x128xi32, #tpu.memory_space<hbm>> -> memref<129x128xi32, #tpu.memory_space<hbm>>
    tpu.wait_indirect_dma semaphore(%arg7 : memref<!tpu.dma_semaphore, #tpu.memory_space<semaphore_mem>>) src(%dma_wait3A_48 : memref<129x128xi32, #tpu.memory_space<hbm>>) dst(%dma_wait3A_43 : memref<128x128xi32, #tpu.memory_space<vmem>>)
    %dma_wait3A_49 = arith.constant 256 : i32
    %dma_wait3A_50 = arith.constant 0 : i32
    %dma_wait3A_51 = tpu.memref_slice %arg6[%dma_wait3A_49, %dma_wait3A_50] : memref<512x128xi32, #tpu.memory_space<vmem>> -> memref<128x128xi32, #tpu.memory_space<vmem>>
    %dma_wait3A_52 = arith.constant 256 : i32
    %dma_wait3A_53 = tpu.memref_slice %arg5[%dma_wait3A_52] : memref<8192xi32, #tpu.memory_space<vmem>> -> memref<128xi32, #tpu.memory_space<vmem>>
    %dma_wait3A_54 = arith.constant 0 : i32
    %dma_wait3A_55 = arith.constant 0 : i32
    %dma_wait3A_56 = tpu.memref_slice %arg3[%dma_wait3A_54, %dma_wait3A_55] : memref<129x128xi32, #tpu.memory_space<hbm>> -> memref<129x128xi32, #tpu.memory_space<hbm>>
    tpu.wait_indirect_dma semaphore(%arg7 : memref<!tpu.dma_semaphore, #tpu.memory_space<semaphore_mem>>) src(%dma_wait3A_56 : memref<129x128xi32, #tpu.memory_space<hbm>>) dst(%dma_wait3A_51 : memref<128x128xi32, #tpu.memory_space<vmem>>)
    %dma_wait3A_57 = arith.constant 384 : i32
    %dma_wait3A_58 = arith.constant 0 : i32
    %dma_wait3A_59 = tpu.memref_slice %arg6[%dma_wait3A_57, %dma_wait3A_58] : memref<512x128xi32, #tpu.memory_space<vmem>> -> memref<128x128xi32, #tpu.memory_space<vmem>>
    %dma_wait3A_60 = arith.constant 384 : i32
    %dma_wait3A_61 = tpu.memref_slice %arg5[%dma_wait3A_60] : memref<8192xi32, #tpu.memory_space<vmem>> -> memref<128xi32, #tpu.memory_space<vmem>>
    %dma_wait3A_62 = arith.constant 0 : i32
    %dma_wait3A_63 = arith.constant 0 : i32
    %dma_wait3A_64 = tpu.memref_slice %arg3[%dma_wait3A_62, %dma_wait3A_63] : memref<129x128xi32, #tpu.memory_space<hbm>> -> memref<129x128xi32, #tpu.memory_space<hbm>>
    tpu.wait_indirect_dma semaphore(%arg7 : memref<!tpu.dma_semaphore, #tpu.memory_space<semaphore_mem>>) src(%dma_wait3A_64 : memref<129x128xi32, #tpu.memory_space<hbm>>) dst(%dma_wait3A_59 : memref<128x128xi32, #tpu.memory_space<vmem>>)
    %add3A_65 = arith.constant 0 : i32
    %add3A_66 = arith.addi %mul3A_2, %add3A_65 : i32
    "tpu.region"() ({
      %run_scoped3A = tpu.sem_alloc : memref<!tpu.dma_semaphore, #tpu.memory_space<semaphore_mem>>
      %dma_start3A_1057 = arith.constant 0 : i32
      %dma_start3A_1058 = tpu.memref_slice %arg4[%add3A_66, %dma_start3A_1057] : memref<262144x128xi32, #tpu.memory_space<hbm>> -> memref<512x128xi32, #tpu.memory_space<hbm>>
      %dma_start3A_1059 = arith.constant 0 : i32
      %dma_start3A_1060 = tpu.memref_slice %arg4[%add3A_66, %dma_start3A_1059] : memref<262144x128xi32, #tpu.memory_space<hbm>> -> memref<512x128xi32, #tpu.memory_space<hbm>>
      tpu.enqueue_dma source(%arg6 : memref<512x128xi32, #tpu.memory_space<vmem>>) target(%dma_start3A_1060 : memref<512x128xi32, #tpu.memory_space<hbm>>) target_semaphore(%run_scoped3A : memref<!tpu.dma_semaphore, #tpu.memory_space<semaphore_mem>>)
      %dma_wait3A_1061 = arith.constant 0 : i32
      %dma_wait3A_1062 = tpu.memref_slice %arg4[%add3A_66, %dma_wait3A_1061] : memref<262144x128xi32, #tpu.memory_space<hbm>> -> memref<512x128xi32, #tpu.memory_space<hbm>>
      %dma_wait3A_1063 = arith.constant 0 : i32
      %dma_wait3A_1064 = tpu.memref_slice %arg4[%add3A_66, %dma_wait3A_1063] : memref<262144x128xi32, #tpu.memory_space<hbm>> -> memref<512x128xi32, #tpu.memory_space<hbm>>
      tpu.wait_dma2 semaphore(%run_scoped3A : memref<!tpu.dma_semaphore, #tpu.memory_space<semaphore_mem>>) src(%arg6 : memref<512x128xi32, #tpu.memory_space<vmem>>) dst(%dma_wait3A_1064 : memref<512x128xi32, #tpu.memory_space<hbm>>)
      tpu.yield
    }) : () -> ()
    %dma_start3A_67 = arith.constant 0 : i32
    %dma_start3A_68 = arith.constant 0 : i32
    %dma_start3A_69 = tpu.memref_slice %arg6[%dma_start3A_67, %dma_start3A_68] : memref<512x128xi32, #tpu.memory_space<vmem>> -> memref<128x128xi32, #tpu.memory_space<vmem>>
    %dma_start3A_70 = arith.constant 512 : i32
    %dma_start3A_71 = tpu.memref_slice %arg5[%dma_start3A_70] : memref<8192xi32, #tpu.memory_space<vmem>> -> memref<128xi32, #tpu.memory_space<vmem>>
    %dma_start3A_72 = arith.constant 0 : i32
    %dma_start3A_73 = arith.constant 0 : i32
    %dma_start3A_74 = tpu.memref_slice %arg3[%dma_start3A_72, %dma_start3A_73] : memref<129x128xi32, #tpu.memory_space<hbm>> -> memref<129x128xi32, #tpu.memory_space<hbm>>
    tpu.enqueue_indirect_dma source(%dma_start3A_74 : memref<129x128xi32, #tpu.memory_space<hbm>>) target(%dma_start3A_69 : memref<128x128xi32, #tpu.memory_space<vmem>>) offsets(%dma_start3A_71 : memref<128xi32, #tpu.memory_space<vmem>>) semaphore(%arg7 : memref<!tpu.dma_semaphore, #tpu.memory_space<semaphore_mem>>)
    %dma_start3A_75 = arith.constant 128 : i32
    %dma_start3A_76 = arith.constant 0 : i32
    %dma_start3A_77 = tpu.memref_slice %arg6[%dma_start3A_75, %dma_start3A_76] : memref<512x128xi32, #tpu.memory_space<vmem>> -> memref<128x128xi32, #tpu.memory_space<vmem>>
    %dma_start3A_78 = arith.constant 640 : i32
    %dma_start3A_79 = tpu.memref_slice %arg5[%dma_start3A_78] : memref<8192xi32, #tpu.memory_space<vmem>> -> memref<128xi32, #tpu.memory_space<vmem>>
    %dma_start3A_80 = arith.constant 0 : i32
    %dma_start3A_81 = arith.constant 0 : i32
    %dma_start3A_82 = tpu.memref_slice %arg3[%dma_start3A_80, %dma_start3A_81] : memref<129x128xi32, #tpu.memory_space<hbm>> -> memref<129x128xi32, #tpu.memory_space<hbm>>
    tpu.enqueue_indirect_dma source(%dma_start3A_82 : memref<129x128xi32, #tpu.memory_space<hbm>>) target(%dma_start3A_77 : memref<128x128xi32, #tpu.memory_space<vmem>>) offsets(%dma_start3A_79 : memref<128xi32, #tpu.memory_space<vmem>>) semaphore(%arg7 : memref<!tpu.dma_semaphore, #tpu.memory_space<semaphore_mem>>)
    %dma_start3A_83 = arith.constant 256 : i32
    %dma_start3A_84 = arith.constant 0 : i32
    %dma_start3A_85 = tpu.memref_slice %arg6[%dma_start3A_83, %dma_start3A_84] : memref<512x128xi32, #tpu.memory_space<vmem>> -> memref<128x128xi32, #tpu.memory_space<vmem>>
    %dma_start3A_86 = arith.constant 768 : i32
    %dma_start3A_87 = tpu.memref_slice %arg5[%dma_start3A_86] : memref<8192xi32, #tpu.memory_space<vmem>> -> memref<128xi32, #tpu.memory_space<vmem>>
    %dma_start3A_88 = arith.constant 0 : i32
    %dma_start3A_89 = arith.constant 0 : i32
    %dma_start3A_90 = tpu.memref_slice %arg3[%dma_start3A_88, %dma_start3A_89] : memref<129x128xi32, #tpu.memory_space<hbm>> -> memref<129x128xi32, #tpu.memory_space<hbm>>
    tpu.enqueue_indirect_dma source(%dma_start3A_90 : memref<129x128xi32, #tpu.memory_space<hbm>>) target(%dma_start3A_85 : memref<128x128xi32, #tpu.memory_space<vmem>>) offsets(%dma_start3A_87 : memref<128xi32, #tpu.memory_space<vmem>>) semaphore(%arg7 : memref<!tpu.dma_semaphore, #tpu.memory_space<semaphore_mem>>)
    %dma_start3A_91 = arith.constant 384 : i32
    %dma_start3A_92 = arith.constant 0 : i32
    %dma_start3A_93 = tpu.memref_slice %arg6[%dma_start3A_91, %dma_start3A_92] : memref<512x128xi32, #tpu.memory_space<vmem>> -> memref<128x128xi32, #tpu.memory_space<vmem>>
    %dma_start3A_94 = arith.constant 896 : i32
    %dma_start3A_95 = tpu.memref_slice %arg5[%dma_start3A_94] : memref<8192xi32, #tpu.memory_space<vmem>> -> memref<128xi32, #tpu.memory_space<vmem>>
    %dma_start3A_96 = arith.constant 0 : i32
    %dma_start3A_97 = arith.constant 0 : i32
    %dma_start3A_98 = tpu.memref_slice %arg3[%dma_start3A_96, %dma_start3A_97] : memref<129x128xi32, #tpu.memory_space<hbm>> -> memref<129x128xi32, #tpu.memory_space<hbm>>
    tpu.enqueue_indirect_dma source(%dma_start3A_98 : memref<129x128xi32, #tpu.memory_space<hbm>>) target(%dma_start3A_93 : memref<128x128xi32, #tpu.memory_space<vmem>>) offsets(%dma_start3A_95 : memref<128xi32, #tpu.memory_space<vmem>>) semaphore(%arg7 : memref<!tpu.dma_semaphore, #tpu.memory_space<semaphore_mem>>)
    %dma_wait3A_99 = arith.constant 0 : i32
    %dma_wait3A_100 = arith.constant 0 : i32
    %dma_wait3A_101 = tpu.memref_slice %arg6[%dma_wait3A_99, %dma_wait3A_100] : memref<512x128xi32, #tpu.memory_space<vmem>> -> memref<128x128xi32, #tpu.memory_space<vmem>>
    %dma_wait3A_102 = arith.constant 512 : i32
    %dma_wait3A_103 = tpu.memref_slice %arg5[%dma_wait3A_102] : memref<8192xi32, #tpu.memory_space<vmem>> -> memref<128xi32, #tpu.memory_space<vmem>>
    %dma_wait3A_104 = arith.constant 0 : i32
    %dma_wait3A_105 = arith.constant 0 : i32
    %dma_wait3A_106 = tpu.memref_slice %arg3[%dma_wait3A_104, %dma_wait3A_105] : memref<129x128xi32, #tpu.memory_space<hbm>> -> memref<129x128xi32, #tpu.memory_space<hbm>>
    tpu.wait_indirect_dma semaphore(%arg7 : memref<!tpu.dma_semaphore, #tpu.memory_space<semaphore_mem>>) src(%dma_wait3A_106 : memref<129x128xi32, #tpu.memory_space<hbm>>) dst(%dma_wait3A_101 : memref<128x128xi32, #tpu.memory_space<vmem>>)
    %dma_wait3A_107 = arith.constant 128 : i32
    %dma_wait3A_108 = arith.constant 0 : i32
    %dma_wait3A_109 = tpu.memref_slice %arg6[%dma_wait3A_107, %dma_wait3A_108] : memref<512x128xi32, #tpu.memory_space<vmem>> -> memref<128x128xi32, #tpu.memory_space<vmem>>
    %dma_wait3A_110 = arith.constant 640 : i32
    %dma_wait3A_111 = tpu.memref_slice %arg5[%dma_wait3A_110] : memref<8192xi32, #tpu.memory_space<vmem>> -> memref<128xi32, #tpu.memory_space<vmem>>
    %dma_wait3A_112 = arith.constant 0 : i32
    %dma_wait3A_113 = arith.constant 0 : i32
    %dma_wait3A_114 = tpu.memref_slice %arg3[%dma_wait3A_112, %dma_wait3A_113] : memref<129x128xi32, #tpu.memory_space<hbm>> -> memref<129x128xi32, #tpu.memory_space<hbm>>
    tpu.wait_indirect_dma semaphore(%arg7 : memref<!tpu.dma_semaphore, #tpu.memory_space<semaphore_mem>>) src(%dma_wait3A_114 : memref<129x128xi32, #tpu.memory_space<hbm>>) dst(%dma_wait3A_109 : memref<128x128xi32, #tpu.memory_space<vmem>>)
    %dma_wait3A_115 = arith.constant 256 : i32
    %dma_wait3A_116 = arith.constant 0 : i32
    %dma_wait3A_117 = tpu.memref_slice %arg6[%dma_wait3A_115, %dma_wait3A_116] : memref<512x128xi32, #tpu.memory_space<vmem>> -> memref<128x128xi32, #tpu.memory_space<vmem>>
    %dma_wait3A_118 = arith.constant 768 : i32
    %dma_wait3A_119 = tpu.memref_slice %arg5[%dma_wait3A_118] : memref<8192xi32, #tpu.memory_space<vmem>> -> memref<128xi32, #tpu.memory_space<vmem>>
    %dma_wait3A_120 = arith.constant 0 : i32
    %dma_wait3A_121 = arith.constant 0 : i32
    %dma_wait3A_122 = tpu.memref_slice %arg3[%dma_wait3A_120, %dma_wait3A_121] : memref<129x128xi32, #tpu.memory_space<hbm>> -> memref<129x128xi32, #tpu.memory_space<hbm>>
    tpu.wait_indirect_dma semaphore(%arg7 : memref<!tpu.dma_semaphore, #tpu.memory_space<semaphore_mem>>) src(%dma_wait3A_122 : memref<129x128xi32, #tpu.memory_space<hbm>>) dst(%dma_wait3A_117 : memref<128x128xi32, #tpu.memory_space<vmem>>)
    %dma_wait3A_123 = arith.constant 384 : i32
    %dma_wait3A_124 = arith.constant 0 : i32
    %dma_wait3A_125 = tpu.memref_slice %arg6[%dma_wait3A_123, %dma_wait3A_124] : memref<512x128xi32, #tpu.memory_space<vmem>> -> memref<128x128xi32, #tpu.memory_space<vmem>>
    %dma_wait3A_126 = arith.constant 896 : i32
    %dma_wait3A_127 = tpu.memref_slice %arg5[%dma_wait3A_126] : memref<8192xi32, #tpu.memory_space<vmem>> -> memref<128xi32, #tpu.memory_space<vmem>>
    %dma_wait3A_128 = arith.constant 0 : i32
    %dma_wait3A_129 = arith.constant 0 : i32
    %dma_wait3A_130 = tpu.memref_slice %arg3[%dma_wait3A_128, %dma_wait3A_129] : memref<129x128xi32, #tpu.memory_space<hbm>> -> memref<129x128xi32, #tpu.memory_space<hbm>>
    tpu.wait_indirect_dma semaphore(%arg7 : memref<!tpu.dma_semaphore, #tpu.memory_space<semaphore_mem>>) src(%dma_wait3A_130 : memref<129x128xi32, #tpu.memory_space<hbm>>) dst(%dma_wait3A_125 : memref<128x128xi32, #tpu.memory_space<vmem>>)
    %add3A_131 = arith.constant 512 : i32
    %add3A_132 = arith.addi %mul3A_2, %add3A_131 : i32
    "tpu.region"() ({
      %run_scoped3A = tpu.sem_alloc : memref<!tpu.dma_semaphore, #tpu.memory_space<semaphore_mem>>
      %dma_start3A_1057 = arith.constant 0 : i32
      %dma_start3A_1058 = tpu.memref_slice %arg4[%add3A_132, %dma_start3A_1057] : memref<262144x128xi32, #tpu.memory_space<hbm>> -> memref<512x128xi32, #tpu.memory_space<hbm>>
      %dma_start3A_1059 = arith.constant 0 : i32
      %dma_start3A_1060 = tpu.memref_slice %arg4[%add3A_132, %dma_start3A_1059] : memref<262144x128xi32, #tpu.memory_space<hbm>> -> memref<512x128xi32, #tpu.memory_space<hbm>>
      tpu.enqueue_dma source(%arg6 : memref<512x128xi32, #tpu.memory_space<vmem>>) target(%dma_start3A_1060 : memref<512x128xi32, #tpu.memory_space<hbm>>) target_semaphore(%run_scoped3A : memref<!tpu.dma_semaphore, #tpu.memory_space<semaphore_mem>>)
      %dma_wait3A_1061 = arith.constant 0 : i32
      %dma_wait3A_1062 = tpu.memref_slice %arg4[%add3A_132, %dma_wait3A_1061] : memref<262144x128xi32, #tpu.memory_space<hbm>> -> memref<512x128xi32, #tpu.memory_space<hbm>>
      %dma_wait3A_1063 = arith.constant 0 : i32
      %dma_wait3A_1064 = tpu.memref_slice %arg4[%add3A_132, %dma_wait3A_1063] : memref<262144x128xi32, #tpu.memory_space<hbm>> -> memref<512x128xi32, #tpu.memory_space<hbm>>
      tpu.wait_dma2 semaphore(%run_scoped3A : memref<!tpu.dma_semaphore, #tpu.memory_space<semaphore_mem>>) src(%arg6 : memref<512x128xi32, #tpu.memory_space<vmem>>) dst(%dma_wait3A_1064 : memref<512x128xi32, #tpu.memory_space<hbm>>)
      tpu.yield
    }) : () -> ()
    %dma_start3A_133 = arith.constant 0 : i32
    %dma_start3A_134 = arith.constant 0 : i32
    %dma_start3A_135 = tpu.memref_slice %arg6[%dma_start3A_133, %dma_start3A_134] : memref<512x128xi32, #tpu.memory_space<vmem>> -> memref<128x128xi32, #tpu.memory_space<vmem>>
    %dma_start3A_136 = arith.constant 1024 : i32
    %dma_start3A_137 = tpu.memref_slice %arg5[%dma_start3A_136] : memref<8192xi32, #tpu.memory_space<vmem>> -> memref<128xi32, #tpu.memory_space<vmem>>
    %dma_start3A_138 = arith.constant 0 : i32
    %dma_start3A_139 = arith.constant 0 : i32
    %dma_start3A_140 = tpu.memref_slice %arg3[%dma_start3A_138, %dma_start3A_139] : memref<129x128xi32, #tpu.memory_space<hbm>> -> memref<129x128xi32, #tpu.memory_space<hbm>>
    tpu.enqueue_indirect_dma source(%dma_start3A_140 : memref<129x128xi32, #tpu.memory_space<hbm>>) target(%dma_start3A_135 : memref<128x128xi32, #tpu.memory_space<vmem>>) offsets(%dma_start3A_137 : memref<128xi32, #tpu.memory_space<vmem>>) semaphore(%arg7 : memref<!tpu.dma_semaphore, #tpu.memory_space<semaphore_mem>>)
    %dma_start3A_141 = arith.constant 128 : i32
    %dma_start3A_142 = arith.constant 0 : i32
    %dma_start3A_143 = tpu.memref_slice %arg6[%dma_start3A_141, %dma_start3A_142] : memref<512x128xi32, #tpu.memory_space<vmem>> -> memref<128x128xi32, #tpu.memory_space<vmem>>
    %dma_start3A_144 = arith.constant 1152 : i32
    %dma_start3A_145 = tpu.memref_slice %arg5[%dma_start3A_144] : memref<8192xi32, #tpu.memory_space<vmem>> -> memref<128xi32, #tpu.memory_space<vmem>>
    %dma_start3A_146 = arith.constant 0 : i32
    %dma_start3A_147 = arith.constant 0 : i32
    %dma_start3A_148 = tpu.memref_slice %arg3[%dma_start3A_146, %dma_start3A_147] : memref<129x128xi32, #tpu.memory_space<hbm>> -> memref<129x128xi32, #tpu.memory_space<hbm>>
    tpu.enqueue_indirect_dma source(%dma_start3A_148 : memref<129x128xi32, #tpu.memory_space<hbm>>) target(%dma_start3A_143 : memref<128x128xi32, #tpu.memory_space<vmem>>) offsets(%dma_start3A_145 : memref<128xi32, #tpu.memory_space<vmem>>) semaphore(%arg7 : memref<!tpu.dma_semaphore, #tpu.memory_space<semaphore_mem>>)
    %dma_start3A_149 = arith.constant 256 : i32
    %dma_start3A_150 = arith.constant 0 : i32
    %dma_start3A_151 = tpu.memref_slice %arg6[%dma_start3A_149, %dma_start3A_150] : memref<512x128xi32, #tpu.memory_space<vmem>> -> memref<128x128xi32, #tpu.memory_space<vmem>>
    %dma_start3A_152 = arith.constant 1280 : i32
    %dma_start3A_153 = tpu.memref_slice %arg5[%dma_start3A_152] : memref<8192xi32, #tpu.memory_space<vmem>> -> memref<128xi32, #tpu.memory_space<vmem>>
    %dma_start3A_154 = arith.constant 0 : i32
    %dma_start3A_155 = arith.constant 0 : i32
    %dma_start3A_156 = tpu.memref_slice %arg3[%dma_start3A_154, %dma_start3A_155] : memref<129x128xi32, #tpu.memory_space<hbm>> -> memref<129x128xi32, #tpu.memory_space<hbm>>
    tpu.enqueue_indirect_dma source(%dma_start3A_156 : memref<129x128xi32, #tpu.memory_space<hbm>>) target(%dma_start3A_151 : memref<128x128xi32, #tpu.memory_space<vmem>>) offsets(%dma_start3A_153 : memref<128xi32, #tpu.memory_space<vmem>>) semaphore(%arg7 : memref<!tpu.dma_semaphore, #tpu.memory_space<semaphore_mem>>)
    %dma_start3A_157 = arith.constant 384 : i32
    %dma_start3A_158 = arith.constant 0 : i32
    %dma_start3A_159 = tpu.memref_slice %arg6[%dma_start3A_157, %dma_start3A_158] : memref<512x128xi32, #tpu.memory_space<vmem>> -> memref<128x128xi32, #tpu.memory_space<vmem>>
    %dma_start3A_160 = arith.constant 1408 : i32
    %dma_start3A_161 = tpu.memref_slice %arg5[%dma_start3A_160] : memref<8192xi32, #tpu.memory_space<vmem>> -> memref<128xi32, #tpu.memory_space<vmem>>
    %dma_start3A_162 = arith.constant 0 : i32
    %dma_start3A_163 = arith.constant 0 : i32
    %dma_start3A_164 = tpu.memref_slice %arg3[%dma_start3A_162, %dma_start3A_163] : memref<129x128xi32, #tpu.memory_space<hbm>> -> memref<129x128xi32, #tpu.memory_space<hbm>>
    tpu.enqueue_indirect_dma source(%dma_start3A_164 : memref<129x128xi32, #tpu.memory_space<hbm>>) target(%dma_start3A_159 : memref<128x128xi32, #tpu.memory_space<vmem>>) offsets(%dma_start3A_161 : memref<128xi32, #tpu.memory_space<vmem>>) semaphore(%arg7 : memref<!tpu.dma_semaphore, #tpu.memory_space<semaphore_mem>>)
    %dma_wait3A_165 = arith.constant 0 : i32
    %dma_wait3A_166 = arith.constant 0 : i32
    %dma_wait3A_167 = tpu.memref_slice %arg6[%dma_wait3A_165, %dma_wait3A_166] : memref<512x128xi32, #tpu.memory_space<vmem>> -> memref<128x128xi32, #tpu.memory_space<vmem>>
    %dma_wait3A_168 = arith.constant 1024 : i32
    %dma_wait3A_169 = tpu.memref_slice %arg5[%dma_wait3A_168] : memref<8192xi32, #tpu.memory_space<vmem>> -> memref<128xi32, #tpu.memory_space<vmem>>
    %dma_wait3A_170 = arith.constant 0 : i32
    %dma_wait3A_171 = arith.constant 0 : i32
    %dma_wait3A_172 = tpu.memref_slice %arg3[%dma_wait3A_170, %dma_wait3A_171] : memref<129x128xi32, #tpu.memory_space<hbm>> -> memref<129x128xi32, #tpu.memory_space<hbm>>
    tpu.wait_indirect_dma semaphore(%arg7 : memref<!tpu.dma_semaphore, #tpu.memory_space<semaphore_mem>>) src(%dma_wait3A_172 : memref<129x128xi32, #tpu.memory_space<hbm>>) dst(%dma_wait3A_167 : memref<128x128xi32, #tpu.memory_space<vmem>>)
    %dma_wait3A_173 = arith.constant 128 : i32
    %dma_wait3A_174 = arith.constant 0 : i32
    %dma_wait3A_175 = tpu.memref_slice %arg6[%dma_wait3A_173, %dma_wait3A_174] : memref<512x128xi32, #tpu.memory_space<vmem>> -> memref<128x128xi32, #tpu.memory_space<vmem>>
    %dma_wait3A_176 = arith.constant 1152 : i32
    %dma_wait3A_177 = tpu.memref_slice %arg5[%dma_wait3A_176] : memref<8192xi32, #tpu.memory_space<vmem>> -> memref<128xi32, #tpu.memory_space<vmem>>
    %dma_wait3A_178 = arith.constant 0 : i32
    %dma_wait3A_179 = arith.constant 0 : i32
    %dma_wait3A_180 = tpu.memref_slice %arg3[%dma_wait3A_178, %dma_wait3A_179] : memref<129x128xi32, #tpu.memory_space<hbm>> -> memref<129x128xi32, #tpu.memory_space<hbm>>
    tpu.wait_indirect_dma semaphore(%arg7 : memref<!tpu.dma_semaphore, #tpu.memory_space<semaphore_mem>>) src(%dma_wait3A_180 : memref<129x128xi32, #tpu.memory_space<hbm>>) dst(%dma_wait3A_175 : memref<128x128xi32, #tpu.memory_space<vmem>>)
    %dma_wait3A_181 = arith.constant 256 : i32
    %dma_wait3A_182 = arith.constant 0 : i32
    %dma_wait3A_183 = tpu.memref_slice %arg6[%dma_wait3A_181, %dma_wait3A_182] : memref<512x128xi32, #tpu.memory_space<vmem>> -> memref<128x128xi32, #tpu.memory_space<vmem>>
    %dma_wait3A_184 = arith.constant 1280 : i32
    %dma_wait3A_185 = tpu.memref_slice %arg5[%dma_wait3A_184] : memref<8192xi32, #tpu.memory_space<vmem>> -> memref<128xi32, #tpu.memory_space<vmem>>
    %dma_wait3A_186 = arith.constant 0 : i32
    %dma_wait3A_187 = arith.constant 0 : i32
    %dma_wait3A_188 = tpu.memref_slice %arg3[%dma_wait3A_186, %dma_wait3A_187] : memref<129x128xi32, #tpu.memory_space<hbm>> -> memref<129x128xi32, #tpu.memory_space<hbm>>
    tpu.wait_indirect_dma semaphore(%arg7 : memref<!tpu.dma_semaphore, #tpu.memory_space<semaphore_mem>>) src(%dma_wait3A_188 : memref<129x128xi32, #tpu.memory_space<hbm>>) dst(%dma_wait3A_183 : memref<128x128xi32, #tpu.memory_space<vmem>>)
    %dma_wait3A_189 = arith.constant 384 : i32
    %dma_wait3A_190 = arith.constant 0 : i32
    %dma_wait3A_191 = tpu.memref_slice %arg6[%dma_wait3A_189, %dma_wait3A_190] : memref<512x128xi32, #tpu.memory_space<vmem>> -> memref<128x128xi32, #tpu.memory_space<vmem>>
    %dma_wait3A_192 = arith.constant 1408 : i32
    %dma_wait3A_193 = tpu.memref_slice %arg5[%dma_wait3A_192] : memref<8192xi32, #tpu.memory_space<vmem>> -> memref<128xi32, #tpu.memory_space<vmem>>
    %dma_wait3A_194 = arith.constant 0 : i32
    %dma_wait3A_195 = arith.constant 0 : i32
    %dma_wait3A_196 = tpu.memref_slice %arg3[%dma_wait3A_194, %dma_wait3A_195] : memref<129x128xi32, #tpu.memory_space<hbm>> -> memref<129x128xi32, #tpu.memory_space<hbm>>
    tpu.wait_indirect_dma semaphore(%arg7 : memref<!tpu.dma_semaphore, #tpu.memory_space<semaphore_mem>>) src(%dma_wait3A_196 : memref<129x128xi32, #tpu.memory_space<hbm>>) dst(%dma_wait3A_191 : memref<128x128xi32, #tpu.memory_space<vmem>>)
    %add3A_197 = arith.constant 1024 : i32
    %add3A_198 = arith.addi %mul3A_2, %add3A_197 : i32
    "tpu.region"() ({
      %run_scoped3A = tpu.sem_alloc : memref<!tpu.dma_semaphore, #tpu.memory_space<semaphore_mem>>
      %dma_start3A_1057 = arith.constant 0 : i32
      %dma_start3A_1058 = tpu.memref_slice %arg4[%add3A_198, %dma_start3A_1057] : memref<262144x128xi32, #tpu.memory_space<hbm>> -> memref<512x128xi32, #tpu.memory_space<hbm>>
      %dma_start3A_1059 = arith.constant 0 : i32
      %dma_start3A_1060 = tpu.memref_slice %arg4[%add3A_198, %dma_start3A_1059] : memref<262144x128xi32, #tpu.memory_space<hbm>> -> memref<512x128xi32, #tpu.memory_space<hbm>>
      tpu.enqueue_dma source(%arg6 : memref<512x128xi32, #tpu.memory_space<vmem>>) target(%dma_start3A_1060 : memref<512x128xi32, #tpu.memory_space<hbm>>) target_semaphore(%run_scoped3A : memref<!tpu.dma_semaphore, #tpu.memory_space<semaphore_mem>>)
      %dma_wait3A_1061 = arith.constant 0 : i32
      %dma_wait3A_1062 = tpu.memref_slice %arg4[%add3A_198, %dma_wait3A_1061] : memref<262144x128xi32, #tpu.memory_space<hbm>> -> memref<512x128xi32, #tpu.memory_space<hbm>>
      %dma_wait3A_1063 = arith.constant 0 : i32
      %dma_wait3A_1064 = tpu.memref_slice %arg4[%add3A_198, %dma_wait3A_1063] : memref<262144x128xi32, #tpu.memory_space<hbm>> -> memref<512x128xi32, #tpu.memory_space<hbm>>
      tpu.wait_dma2 semaphore(%run_scoped3A : memref<!tpu.dma_semaphore, #tpu.memory_space<semaphore_mem>>) src(%arg6 : memref<512x128xi32, #tpu.memory_space<vmem>>) dst(%dma_wait3A_1064 : memref<512x128xi32, #tpu.memory_space<hbm>>)
      tpu.yield
    }) : () -> ()
    %dma_start3A_199 = arith.constant 0 : i32
    %dma_start3A_200 = arith.constant 0 : i32
    %dma_start3A_201 = tpu.memref_slice %arg6[%dma_start3A_199, %dma_start3A_200] : memref<512x128xi32, #tpu.memory_space<vmem>> -> memref<128x128xi32, #tpu.memory_space<vmem>>
    %dma_start3A_202 = arith.constant 1536 : i32
    %dma_start3A_203 = tpu.memref_slice %arg5[%dma_start3A_202] : memref<8192xi32, #tpu.memory_space<vmem>> -> memref<128xi32, #tpu.memory_space<vmem>>
    %dma_start3A_204 = arith.constant 0 : i32
    %dma_start3A_205 = arith.constant 0 : i32
    %dma_start3A_206 = tpu.memref_slice %arg3[%dma_start3A_204, %dma_start3A_205] : memref<129x128xi32, #tpu.memory_space<hbm>> -> memref<129x128xi32, #tpu.memory_space<hbm>>
    tpu.enqueue_indirect_dma source(%dma_start3A_206 : memref<129x128xi32, #tpu.memory_space<hbm>>) target(%dma_start3A_201 : memref<128x128xi32, #tpu.memory_space<vmem>>) offsets(%dma_start3A_203 : memref<128xi32, #tpu.memory_space<vmem>>) semaphore(%arg7 : memref<!tpu.dma_semaphore, #tpu.memory_space<semaphore_mem>>)
    %dma_start3A_207 = arith.constant 128 : i32
    %dma_start3A_208 = arith.constant 0 : i32
    %dma_start3A_209 = tpu.memref_slice %arg6[%dma_start3A_207, %dma_start3A_208] : memref<512x128xi32, #tpu.memory_space<vmem>> -> memref<128x128xi32, #tpu.memory_space<vmem>>
    %dma_start3A_210 = arith.constant 1664 : i32
    %dma_start3A_211 = tpu.memref_slice %arg5[%dma_start3A_210] : memref<8192xi32, #tpu.memory_space<vmem>> -> memref<128xi32, #tpu.memory_space<vmem>>
    %dma_start3A_212 = arith.constant 0 : i32
    %dma_start3A_213 = arith.constant 0 : i32
    %dma_start3A_214 = tpu.memref_slice %arg3[%dma_start3A_212, %dma_start3A_213] : memref<129x128xi32, #tpu.memory_space<hbm>> -> memref<129x128xi32, #tpu.memory_space<hbm>>
    tpu.enqueue_indirect_dma source(%dma_start3A_214 : memref<129x128xi32, #tpu.memory_space<hbm>>) target(%dma_start3A_209 : memref<128x128xi32, #tpu.memory_space<vmem>>) offsets(%dma_start3A_211 : memref<128xi32, #tpu.memory_space<vmem>>) semaphore(%arg7 : memref<!tpu.dma_semaphore, #tpu.memory_space<semaphore_mem>>)
    %dma_start3A_215 = arith.constant 256 : i32
    %dma_start3A_216 = arith.constant 0 : i32
    %dma_start3A_217 = tpu.memref_slice %arg6[%dma_start3A_215, %dma_start3A_216] : memref<512x128xi32, #tpu.memory_space<vmem>> -> memref<128x128xi32, #tpu.memory_space<vmem>>
    %dma_start3A_218 = arith.constant 1792 : i32
    %dma_start3A_219 = tpu.memref_slice %arg5[%dma_start3A_218] : memref<8192xi32, #tpu.memory_space<vmem>> -> memref<128xi32, #tpu.memory_space<vmem>>
    %dma_start3A_220 = arith.constant 0 : i32
    %dma_start3A_221 = arith.constant 0 : i32
    %dma_start3A_222 = tpu.memref_slice %arg3[%dma_start3A_220, %dma_start3A_221] : memref<129x128xi32, #tpu.memory_space<hbm>> -> memref<129x128xi32, #tpu.memory_space<hbm>>
    tpu.enqueue_indirect_dma source(%dma_start3A_222 : memref<129x128xi32, #tpu.memory_space<hbm>>) target(%dma_start3A_217 : memref<128x128xi32, #tpu.memory_space<vmem>>) offsets(%dma_start3A_219 : memref<128xi32, #tpu.memory_space<vmem>>) semaphore(%arg7 : memref<!tpu.dma_semaphore, #tpu.memory_space<semaphore_mem>>)
    %dma_start3A_223 = arith.constant 384 : i32
    %dma_start3A_224 = arith.constant 0 : i32
    %dma_start3A_225 = tpu.memref_slice %arg6[%dma_start3A_223, %dma_start3A_224] : memref<512x128xi32, #tpu.memory_space<vmem>> -> memref<128x128xi32, #tpu.memory_space<vmem>>
    %dma_start3A_226 = arith.constant 1920 : i32
    %dma_start3A_227 = tpu.memref_slice %arg5[%dma_start3A_226] : memref<8192xi32, #tpu.memory_space<vmem>> -> memref<128xi32, #tpu.memory_space<vmem>>
    %dma_start3A_228 = arith.constant 0 : i32
    %dma_start3A_229 = arith.constant 0 : i32
    %dma_start3A_230 = tpu.memref_slice %arg3[%dma_start3A_228, %dma_start3A_229] : memref<129x128xi32, #tpu.memory_space<hbm>> -> memref<129x128xi32, #tpu.memory_space<hbm>>
    tpu.enqueue_indirect_dma source(%dma_start3A_230 : memref<129x128xi32, #tpu.memory_space<hbm>>) target(%dma_start3A_225 : memref<128x128xi32, #tpu.memory_space<vmem>>) offsets(%dma_start3A_227 : memref<128xi32, #tpu.memory_space<vmem>>) semaphore(%arg7 : memref<!tpu.dma_semaphore, #tpu.memory_space<semaphore_mem>>)
    %dma_wait3A_231 = arith.constant 0 : i32
    %dma_wait3A_232 = arith.constant 0 : i32
    %dma_wait3A_233 = tpu.memref_slice %arg6[%dma_wait3A_231, %dma_wait3A_232] : memref<512x128xi32, #tpu.memory_space<vmem>> -> memref<128x128xi32, #tpu.memory_space<vmem>>
    %dma_wait3A_234 = arith.constant 1536 : i32
    %dma_wait3A_235 = tpu.memref_slice %arg5[%dma_wait3A_234] : memref<8192xi32, #tpu.memory_space<vmem>> -> memref<128xi32, #tpu.memory_space<vmem>>
    %dma_wait3A_236 = arith.constant 0 : i32
    %dma_wait3A_237 = arith.constant 0 : i32
    %dma_wait3A_238 = tpu.memref_slice %arg3[%dma_wait3A_236, %dma_wait3A_237] : memref<129x128xi32, #tpu.memory_space<hbm>> -> memref<129x128xi32, #tpu.memory_space<hbm>>
    tpu.wait_indirect_dma semaphore(%arg7 : memref<!tpu.dma_semaphore, #tpu.memory_space<semaphore_mem>>) src(%dma_wait3A_238 : memref<129x128xi32, #tpu.memory_space<hbm>>) dst(%dma_wait3A_233 : memref<128x128xi32, #tpu.memory_space<vmem>>)
    %dma_wait3A_239 = arith.constant 128 : i32
    %dma_wait3A_240 = arith.constant 0 : i32
    %dma_wait3A_241 = tpu.memref_slice %arg6[%dma_wait3A_239, %dma_wait3A_240] : memref<512x128xi32, #tpu.memory_space<vmem>> -> memref<128x128xi32, #tpu.memory_space<vmem>>
    %dma_wait3A_242 = arith.constant 1664 : i32
    %dma_wait3A_243 = tpu.memref_slice %arg5[%dma_wait3A_242] : memref<8192xi32, #tpu.memory_space<vmem>> -> memref<128xi32, #tpu.memory_space<vmem>>
    %dma_wait3A_244 = arith.constant 0 : i32
    %dma_wait3A_245 = arith.constant 0 : i32
    %dma_wait3A_246 = tpu.memref_slice %arg3[%dma_wait3A_244, %dma_wait3A_245] : memref<129x128xi32, #tpu.memory_space<hbm>> -> memref<129x128xi32, #tpu.memory_space<hbm>>
    tpu.wait_indirect_dma semaphore(%arg7 : memref<!tpu.dma_semaphore, #tpu.memory_space<semaphore_mem>>) src(%dma_wait3A_246 : memref<129x128xi32, #tpu.memory_space<hbm>>) dst(%dma_wait3A_241 : memref<128x128xi32, #tpu.memory_space<vmem>>)
    %dma_wait3A_247 = arith.constant 256 : i32
    %dma_wait3A_248 = arith.constant 0 : i32
    %dma_wait3A_249 = tpu.memref_slice %arg6[%dma_wait3A_247, %dma_wait3A_248] : memref<512x128xi32, #tpu.memory_space<vmem>> -> memref<128x128xi32, #tpu.memory_space<vmem>>
    %dma_wait3A_250 = arith.constant 1792 : i32
    %dma_wait3A_251 = tpu.memref_slice %arg5[%dma_wait3A_250] : memref<8192xi32, #tpu.memory_space<vmem>> -> memref<128xi32, #tpu.memory_space<vmem>>
    %dma_wait3A_252 = arith.constant 0 : i32
    %dma_wait3A_253 = arith.constant 0 : i32
    %dma_wait3A_254 = tpu.memref_slice %arg3[%dma_wait3A_252, %dma_wait3A_253] : memref<129x128xi32, #tpu.memory_space<hbm>> -> memref<129x128xi32, #tpu.memory_space<hbm>>
    tpu.wait_indirect_dma semaphore(%arg7 : memref<!tpu.dma_semaphore, #tpu.memory_space<semaphore_mem>>) src(%dma_wait3A_254 : memref<129x128xi32, #tpu.memory_space<hbm>>) dst(%dma_wait3A_249 : memref<128x128xi32, #tpu.memory_space<vmem>>)
    %dma_wait3A_255 = arith.constant 384 : i32
    %dma_wait3A_256 = arith.constant 0 : i32
    %dma_wait3A_257 = tpu.memref_slice %arg6[%dma_wait3A_255, %dma_wait3A_256] : memref<512x128xi32, #tpu.memory_space<vmem>> -> memref<128x128xi32, #tpu.memory_space<vmem>>
    %dma_wait3A_258 = arith.constant 1920 : i32
    %dma_wait3A_259 = tpu.memref_slice %arg5[%dma_wait3A_258] : memref<8192xi32, #tpu.memory_space<vmem>> -> memref<128xi32, #tpu.memory_space<vmem>>
    %dma_wait3A_260 = arith.constant 0 : i32
    %dma_wait3A_261 = arith.constant 0 : i32
    %dma_wait3A_262 = tpu.memref_slice %arg3[%dma_wait3A_260, %dma_wait3A_261] : memref<129x128xi32, #tpu.memory_space<hbm>> -> memref<129x128xi32, #tpu.memory_space<hbm>>
    tpu.wait_indirect_dma semaphore(%arg7 : memref<!tpu.dma_semaphore, #tpu.memory_space<semaphore_mem>>) src(%dma_wait3A_262 : memref<129x128xi32, #tpu.memory_space<hbm>>) dst(%dma_wait3A_257 : memref<128x128xi32, #tpu.memory_space<vmem>>)
    %add3A_263 = arith.constant 1536 : i32
    %add3A_264 = arith.addi %mul3A_2, %add3A_263 : i32
    "tpu.region"() ({
      %run_scoped3A = tpu.sem_alloc : memref<!tpu.dma_semaphore, #tpu.memory_space<semaphore_mem>>
      %dma_start3A_1057 = arith.constant 0 : i32
      %dma_start3A_1058 = tpu.memref_slice %arg4[%add3A_264, %dma_start3A_1057] : memref<262144x128xi32, #tpu.memory_space<hbm>> -> memref<512x128xi32, #tpu.memory_space<hbm>>
      %dma_start3A_1059 = arith.constant 0 : i32
      %dma_start3A_1060 = tpu.memref_slice %arg4[%add3A_264, %dma_start3A_1059] : memref<262144x128xi32, #tpu.memory_space<hbm>> -> memref<512x128xi32, #tpu.memory_space<hbm>>
      tpu.enqueue_dma source(%arg6 : memref<512x128xi32, #tpu.memory_space<vmem>>) target(%dma_start3A_1060 : memref<512x128xi32, #tpu.memory_space<hbm>>) target_semaphore(%run_scoped3A : memref<!tpu.dma_semaphore, #tpu.memory_space<semaphore_mem>>)
      %dma_wait3A_1061 = arith.constant 0 : i32
      %dma_wait3A_1062 = tpu.memref_slice %arg4[%add3A_264, %dma_wait3A_1061] : memref<262144x128xi32, #tpu.memory_space<hbm>> -> memref<512x128xi32, #tpu.memory_space<hbm>>
      %dma_wait3A_1063 = arith.constant 0 : i32
      %dma_wait3A_1064 = tpu.memref_slice %arg4[%add3A_264, %dma_wait3A_1063] : memref<262144x128xi32, #tpu.memory_space<hbm>> -> memref<512x128xi32, #tpu.memory_space<hbm>>
      tpu.wait_dma2 semaphore(%run_scoped3A : memref<!tpu.dma_semaphore, #tpu.memory_space<semaphore_mem>>) src(%arg6 : memref<512x128xi32, #tpu.memory_space<vmem>>) dst(%dma_wait3A_1064 : memref<512x128xi32, #tpu.memory_space<hbm>>)
      tpu.yield
    }) : () -> ()
    %dma_start3A_265 = arith.constant 0 : i32
    %dma_start3A_266 = arith.constant 0 : i32
    %dma_start3A_267 = tpu.memref_slice %arg6[%dma_start3A_265, %dma_start3A_266] : memref<512x128xi32, #tpu.memory_space<vmem>> -> memref<128x128xi32, #tpu.memory_space<vmem>>
    %dma_start3A_268 = arith.constant 2048 : i32
    %dma_start3A_269 = tpu.memref_slice %arg5[%dma_start3A_268] : memref<8192xi32, #tpu.memory_space<vmem>> -> memref<128xi32, #tpu.memory_space<vmem>>
    %dma_start3A_270 = arith.constant 0 : i32
    %dma_start3A_271 = arith.constant 0 : i32
    %dma_start3A_272 = tpu.memref_slice %arg3[%dma_start3A_270, %dma_start3A_271] : memref<129x128xi32, #tpu.memory_space<hbm>> -> memref<129x128xi32, #tpu.memory_space<hbm>>
    tpu.enqueue_indirect_dma source(%dma_start3A_272 : memref<129x128xi32, #tpu.memory_space<hbm>>) target(%dma_start3A_267 : memref<128x128xi32, #tpu.memory_space<vmem>>) offsets(%dma_start3A_269 : memref<128xi32, #tpu.memory_space<vmem>>) semaphore(%arg7 : memref<!tpu.dma_semaphore, #tpu.memory_space<semaphore_mem>>)
    %dma_start3A_273 = arith.constant 128 : i32
    %dma_start3A_274 = arith.constant 0 : i32
    %dma_start3A_275 = tpu.memref_slice %arg6[%dma_start3A_273, %dma_start3A_274] : memref<512x128xi32, #tpu.memory_space<vmem>> -> memref<128x128xi32, #tpu.memory_space<vmem>>
    %dma_start3A_276 = arith.constant 2176 : i32
    %dma_start3A_277 = tpu.memref_slice %arg5[%dma_start3A_276] : memref<8192xi32, #tpu.memory_space<vmem>> -> memref<128xi32, #tpu.memory_space<vmem>>
    %dma_start3A_278 = arith.constant 0 : i32
    %dma_start3A_279 = arith.constant 0 : i32
    %dma_start3A_280 = tpu.memref_slice %arg3[%dma_start3A_278, %dma_start3A_279] : memref<129x128xi32, #tpu.memory_space<hbm>> -> memref<129x128xi32, #tpu.memory_space<hbm>>
    tpu.enqueue_indirect_dma source(%dma_start3A_280 : memref<129x128xi32, #tpu.memory_space<hbm>>) target(%dma_start3A_275 : memref<128x128xi32, #tpu.memory_space<vmem>>) offsets(%dma_start3A_277 : memref<128xi32, #tpu.memory_space<vmem>>) semaphore(%arg7 : memref<!tpu.dma_semaphore, #tpu.memory_space<semaphore_mem>>)
    %dma_start3A_281 = arith.constant 256 : i32
    %dma_start3A_282 = arith.constant 0 : i32
    %dma_start3A_283 = tpu.memref_slice %arg6[%dma_start3A_281, %dma_start3A_282] : memref<512x128xi32, #tpu.memory_space<vmem>> -> memref<128x128xi32, #tpu.memory_space<vmem>>
    %dma_start3A_284 = arith.constant 2304 : i32
    %dma_start3A_285 = tpu.memref_slice %arg5[%dma_start3A_284] : memref<8192xi32, #tpu.memory_space<vmem>> -> memref<128xi32, #tpu.memory_space<vmem>>
    %dma_start3A_286 = arith.constant 0 : i32
    %dma_start3A_287 = arith.constant 0 : i32
    %dma_start3A_288 = tpu.memref_slice %arg3[%dma_start3A_286, %dma_start3A_287] : memref<129x128xi32, #tpu.memory_space<hbm>> -> memref<129x128xi32, #tpu.memory_space<hbm>>
    tpu.enqueue_indirect_dma source(%dma_start3A_288 : memref<129x128xi32, #tpu.memory_space<hbm>>) target(%dma_start3A_283 : memref<128x128xi32, #tpu.memory_space<vmem>>) offsets(%dma_start3A_285 : memref<128xi32, #tpu.memory_space<vmem>>) semaphore(%arg7 : memref<!tpu.dma_semaphore, #tpu.memory_space<semaphore_mem>>)
    %dma_start3A_289 = arith.constant 384 : i32
    %dma_start3A_290 = arith.constant 0 : i32
    %dma_start3A_291 = tpu.memref_slice %arg6[%dma_start3A_289, %dma_start3A_290] : memref<512x128xi32, #tpu.memory_space<vmem>> -> memref<128x128xi32, #tpu.memory_space<vmem>>
    %dma_start3A_292 = arith.constant 2432 : i32
    %dma_start3A_293 = tpu.memref_slice %arg5[%dma_start3A_292] : memref<8192xi32, #tpu.memory_space<vmem>> -> memref<128xi32, #tpu.memory_space<vmem>>
    %dma_start3A_294 = arith.constant 0 : i32
    %dma_start3A_295 = arith.constant 0 : i32
    %dma_start3A_296 = tpu.memref_slice %arg3[%dma_start3A_294, %dma_start3A_295] : memref<129x128xi32, #tpu.memory_space<hbm>> -> memref<129x128xi32, #tpu.memory_space<hbm>>
    tpu.enqueue_indirect_dma source(%dma_start3A_296 : memref<129x128xi32, #tpu.memory_space<hbm>>) target(%dma_start3A_291 : memref<128x128xi32, #tpu.memory_space<vmem>>) offsets(%dma_start3A_293 : memref<128xi32, #tpu.memory_space<vmem>>) semaphore(%arg7 : memref<!tpu.dma_semaphore, #tpu.memory_space<semaphore_mem>>)
    %dma_wait3A_297 = arith.constant 0 : i32
    %dma_wait3A_298 = arith.constant 0 : i32
    %dma_wait3A_299 = tpu.memref_slice %arg6[%dma_wait3A_297, %dma_wait3A_298] : memref<512x128xi32, #tpu.memory_space<vmem>> -> memref<128x128xi32, #tpu.memory_space<vmem>>
    %dma_wait3A_300 = arith.constant 2048 : i32
    %dma_wait3A_301 = tpu.memref_slice %arg5[%dma_wait3A_300] : memref<8192xi32, #tpu.memory_space<vmem>> -> memref<128xi32, #tpu.memory_space<vmem>>
    %dma_wait3A_302 = arith.constant 0 : i32
    %dma_wait3A_303 = arith.constant 0 : i32
    %dma_wait3A_304 = tpu.memref_slice %arg3[%dma_wait3A_302, %dma_wait3A_303] : memref<129x128xi32, #tpu.memory_space<hbm>> -> memref<129x128xi32, #tpu.memory_space<hbm>>
    tpu.wait_indirect_dma semaphore(%arg7 : memref<!tpu.dma_semaphore, #tpu.memory_space<semaphore_mem>>) src(%dma_wait3A_304 : memref<129x128xi32, #tpu.memory_space<hbm>>) dst(%dma_wait3A_299 : memref<128x128xi32, #tpu.memory_space<vmem>>)
    %dma_wait3A_305 = arith.constant 128 : i32
    %dma_wait3A_306 = arith.constant 0 : i32
    %dma_wait3A_307 = tpu.memref_slice %arg6[%dma_wait3A_305, %dma_wait3A_306] : memref<512x128xi32, #tpu.memory_space<vmem>> -> memref<128x128xi32, #tpu.memory_space<vmem>>
    %dma_wait3A_308 = arith.constant 2176 : i32
    %dma_wait3A_309 = tpu.memref_slice %arg5[%dma_wait3A_308] : memref<8192xi32, #tpu.memory_space<vmem>> -> memref<128xi32, #tpu.memory_space<vmem>>
    %dma_wait3A_310 = arith.constant 0 : i32
    %dma_wait3A_311 = arith.constant 0 : i32
    %dma_wait3A_312 = tpu.memref_slice %arg3[%dma_wait3A_310, %dma_wait3A_311] : memref<129x128xi32, #tpu.memory_space<hbm>> -> memref<129x128xi32, #tpu.memory_space<hbm>>
    tpu.wait_indirect_dma semaphore(%arg7 : memref<!tpu.dma_semaphore, #tpu.memory_space<semaphore_mem>>) src(%dma_wait3A_312 : memref<129x128xi32, #tpu.memory_space<hbm>>) dst(%dma_wait3A_307 : memref<128x128xi32, #tpu.memory_space<vmem>>)
    %dma_wait3A_313 = arith.constant 256 : i32
    %dma_wait3A_314 = arith.constant 0 : i32
    %dma_wait3A_315 = tpu.memref_slice %arg6[%dma_wait3A_313, %dma_wait3A_314] : memref<512x128xi32, #tpu.memory_space<vmem>> -> memref<128x128xi32, #tpu.memory_space<vmem>>
    %dma_wait3A_316 = arith.constant 2304 : i32
    %dma_wait3A_317 = tpu.memref_slice %arg5[%dma_wait3A_316] : memref<8192xi32, #tpu.memory_space<vmem>> -> memref<128xi32, #tpu.memory_space<vmem>>
    %dma_wait3A_318 = arith.constant 0 : i32
    %dma_wait3A_319 = arith.constant 0 : i32
    %dma_wait3A_320 = tpu.memref_slice %arg3[%dma_wait3A_318, %dma_wait3A_319] : memref<129x128xi32, #tpu.memory_space<hbm>> -> memref<129x128xi32, #tpu.memory_space<hbm>>
    tpu.wait_indirect_dma semaphore(%arg7 : memref<!tpu.dma_semaphore, #tpu.memory_space<semaphore_mem>>) src(%dma_wait3A_320 : memref<129x128xi32, #tpu.memory_space<hbm>>) dst(%dma_wait3A_315 : memref<128x128xi32, #tpu.memory_space<vmem>>)
    %dma_wait3A_321 = arith.constant 384 : i32
    %dma_wait3A_322 = arith.constant 0 : i32
    %dma_wait3A_323 = tpu.memref_slice %arg6[%dma_wait3A_321, %dma_wait3A_322] : memref<512x128xi32, #tpu.memory_space<vmem>> -> memref<128x128xi32, #tpu.memory_space<vmem>>
    %dma_wait3A_324 = arith.constant 2432 : i32
    %dma_wait3A_325 = tpu.memref_slice %arg5[%dma_wait3A_324] : memref<8192xi32, #tpu.memory_space<vmem>> -> memref<128xi32, #tpu.memory_space<vmem>>
    %dma_wait3A_326 = arith.constant 0 : i32
    %dma_wait3A_327 = arith.constant 0 : i32
    %dma_wait3A_328 = tpu.memref_slice %arg3[%dma_wait3A_326, %dma_wait3A_327] : memref<129x128xi32, #tpu.memory_space<hbm>> -> memref<129x128xi32, #tpu.memory_space<hbm>>
    tpu.wait_indirect_dma semaphore(%arg7 : memref<!tpu.dma_semaphore, #tpu.memory_space<semaphore_mem>>) src(%dma_wait3A_328 : memref<129x128xi32, #tpu.memory_space<hbm>>) dst(%dma_wait3A_323 : memref<128x128xi32, #tpu.memory_space<vmem>>)
    %add3A_329 = arith.constant 2048 : i32
    %add3A_330 = arith.addi %mul3A_2, %add3A_329 : i32
    "tpu.region"() ({
      %run_scoped3A = tpu.sem_alloc : memref<!tpu.dma_semaphore, #tpu.memory_space<semaphore_mem>>
      %dma_start3A_1057 = arith.constant 0 : i32
      %dma_start3A_1058 = tpu.memref_slice %arg4[%add3A_330, %dma_start3A_1057] : memref<262144x128xi32, #tpu.memory_space<hbm>> -> memref<512x128xi32, #tpu.memory_space<hbm>>
      %dma_start3A_1059 = arith.constant 0 : i32
      %dma_start3A_1060 = tpu.memref_slice %arg4[%add3A_330, %dma_start3A_1059] : memref<262144x128xi32, #tpu.memory_space<hbm>> -> memref<512x128xi32, #tpu.memory_space<hbm>>
      tpu.enqueue_dma source(%arg6 : memref<512x128xi32, #tpu.memory_space<vmem>>) target(%dma_start3A_1060 : memref<512x128xi32, #tpu.memory_space<hbm>>) target_semaphore(%run_scoped3A : memref<!tpu.dma_semaphore, #tpu.memory_space<semaphore_mem>>)
      %dma_wait3A_1061 = arith.constant 0 : i32
      %dma_wait3A_1062 = tpu.memref_slice %arg4[%add3A_330, %dma_wait3A_1061] : memref<262144x128xi32, #tpu.memory_space<hbm>> -> memref<512x128xi32, #tpu.memory_space<hbm>>
      %dma_wait3A_1063 = arith.constant 0 : i32
      %dma_wait3A_1064 = tpu.memref_slice %arg4[%add3A_330, %dma_wait3A_1063] : memref<262144x128xi32, #tpu.memory_space<hbm>> -> memref<512x128xi32, #tpu.memory_space<hbm>>
      tpu.wait_dma2 semaphore(%run_scoped3A : memref<!tpu.dma_semaphore, #tpu.memory_space<semaphore_mem>>) src(%arg6 : memref<512x128xi32, #tpu.memory_space<vmem>>) dst(%dma_wait3A_1064 : memref<512x128xi32, #tpu.memory_space<hbm>>)
      tpu.yield
    }) : () -> ()
    %dma_start3A_331 = arith.constant 0 : i32
    %dma_start3A_332 = arith.constant 0 : i32
    %dma_start3A_333 = tpu.memref_slice %arg6[%dma_start3A_331, %dma_start3A_332] : memref<512x128xi32, #tpu.memory_space<vmem>> -> memref<128x128xi32, #tpu.memory_space<vmem>>
    %dma_start3A_334 = arith.constant 2560 : i32
    %dma_start3A_335 = tpu.memref_slice %arg5[%dma_start3A_334] : memref<8192xi32, #tpu.memory_space<vmem>> -> memref<128xi32, #tpu.memory_space<vmem>>
    %dma_start3A_336 = arith.constant 0 : i32
    %dma_start3A_337 = arith.constant 0 : i32
    %dma_start3A_338 = tpu.memref_slice %arg3[%dma_start3A_336, %dma_start3A_337] : memref<129x128xi32, #tpu.memory_space<hbm>> -> memref<129x128xi32, #tpu.memory_space<hbm>>
    tpu.enqueue_indirect_dma source(%dma_start3A_338 : memref<129x128xi32, #tpu.memory_space<hbm>>) target(%dma_start3A_333 : memref<128x128xi32, #tpu.memory_space<vmem>>) offsets(%dma_start3A_335 : memref<128xi32, #tpu.memory_space<vmem>>) semaphore(%arg7 : memref<!tpu.dma_semaphore, #tpu.memory_space<semaphore_mem>>)
    %dma_start3A_339 = arith.constant 128 : i32
    %dma_start3A_340 = arith.constant 0 : i32
    %dma_start3A_341 = tpu.memref_slice %arg6[%dma_start3A_339, %dma_start3A_340] : memref<512x128xi32, #tpu.memory_space<vmem>> -> memref<128x128xi32, #tpu.memory_space<vmem>>
    %dma_start3A_342 = arith.constant 2688 : i32
    %dma_start3A_343 = tpu.memref_slice %arg5[%dma_start3A_342] : memref<8192xi32, #tpu.memory_space<vmem>> -> memref<128xi32, #tpu.memory_space<vmem>>
    %dma_start3A_344 = arith.constant 0 : i32
    %dma_start3A_345 = arith.constant 0 : i32
    %dma_start3A_346 = tpu.memref_slice %arg3[%dma_start3A_344, %dma_start3A_345] : memref<129x128xi32, #tpu.memory_space<hbm>> -> memref<129x128xi32, #tpu.memory_space<hbm>>
    tpu.enqueue_indirect_dma source(%dma_start3A_346 : memref<129x128xi32, #tpu.memory_space<hbm>>) target(%dma_start3A_341 : memref<128x128xi32, #tpu.memory_space<vmem>>) offsets(%dma_start3A_343 : memref<128xi32, #tpu.memory_space<vmem>>) semaphore(%arg7 : memref<!tpu.dma_semaphore, #tpu.memory_space<semaphore_mem>>)
    %dma_start3A_347 = arith.constant 256 : i32
    %dma_start3A_348 = arith.constant 0 : i32
    %dma_start3A_349 = tpu.memref_slice %arg6[%dma_start3A_347, %dma_start3A_348] : memref<512x128xi32, #tpu.memory_space<vmem>> -> memref<128x128xi32, #tpu.memory_space<vmem>>
    %dma_start3A_350 = arith.constant 2816 : i32
    %dma_start3A_351 = tpu.memref_slice %arg5[%dma_start3A_350] : memref<8192xi32, #tpu.memory_space<vmem>> -> memref<128xi32, #tpu.memory_space<vmem>>
    %dma_start3A_352 = arith.constant 0 : i32
    %dma_start3A_353 = arith.constant 0 : i32
    %dma_start3A_354 = tpu.memref_slice %arg3[%dma_start3A_352, %dma_start3A_353] : memref<129x128xi32, #tpu.memory_space<hbm>> -> memref<129x128xi32, #tpu.memory_space<hbm>>
    tpu.enqueue_indirect_dma source(%dma_start3A_354 : memref<129x128xi32, #tpu.memory_space<hbm>>) target(%dma_start3A_349 : memref<128x128xi32, #tpu.memory_space<vmem>>) offsets(%dma_start3A_351 : memref<128xi32, #tpu.memory_space<vmem>>) semaphore(%arg7 : memref<!tpu.dma_semaphore, #tpu.memory_space<semaphore_mem>>)
    %dma_start3A_355 = arith.constant 384 : i32
    %dma_start3A_356 = arith.constant 0 : i32
    %dma_start3A_357 = tpu.memref_slice %arg6[%dma_start3A_355, %dma_start3A_356] : memref<512x128xi32, #tpu.memory_space<vmem>> -> memref<128x128xi32, #tpu.memory_space<vmem>>
    %dma_start3A_358 = arith.constant 2944 : i32
    %dma_start3A_359 = tpu.memref_slice %arg5[%dma_start3A_358] : memref<8192xi32, #tpu.memory_space<vmem>> -> memref<128xi32, #tpu.memory_space<vmem>>
    %dma_start3A_360 = arith.constant 0 : i32
    %dma_start3A_361 = arith.constant 0 : i32
    %dma_start3A_362 = tpu.memref_slice %arg3[%dma_start3A_360, %dma_start3A_361] : memref<129x128xi32, #tpu.memory_space<hbm>> -> memref<129x128xi32, #tpu.memory_space<hbm>>
    tpu.enqueue_indirect_dma source(%dma_start3A_362 : memref<129x128xi32, #tpu.memory_space<hbm>>) target(%dma_start3A_357 : memref<128x128xi32, #tpu.memory_space<vmem>>) offsets(%dma_start3A_359 : memref<128xi32, #tpu.memory_space<vmem>>) semaphore(%arg7 : memref<!tpu.dma_semaphore, #tpu.memory_space<semaphore_mem>>)
    %dma_wait3A_363 = arith.constant 0 : i32
    %dma_wait3A_364 = arith.constant 0 : i32
    %dma_wait3A_365 = tpu.memref_slice %arg6[%dma_wait3A_363, %dma_wait3A_364] : memref<512x128xi32, #tpu.memory_space<vmem>> -> memref<128x128xi32, #tpu.memory_space<vmem>>
    %dma_wait3A_366 = arith.constant 2560 : i32
    %dma_wait3A_367 = tpu.memref_slice %arg5[%dma_wait3A_366] : memref<8192xi32, #tpu.memory_space<vmem>> -> memref<128xi32, #tpu.memory_space<vmem>>
    %dma_wait3A_368 = arith.constant 0 : i32
    %dma_wait3A_369 = arith.constant 0 : i32
    %dma_wait3A_370 = tpu.memref_slice %arg3[%dma_wait3A_368, %dma_wait3A_369] : memref<129x128xi32, #tpu.memory_space<hbm>> -> memref<129x128xi32, #tpu.memory_space<hbm>>
    tpu.wait_indirect_dma semaphore(%arg7 : memref<!tpu.dma_semaphore, #tpu.memory_space<semaphore_mem>>) src(%dma_wait3A_370 : memref<129x128xi32, #tpu.memory_space<hbm>>) dst(%dma_wait3A_365 : memref<128x128xi32, #tpu.memory_space<vmem>>)
    %dma_wait3A_371 = arith.constant 128 : i32
    %dma_wait3A_372 = arith.constant 0 : i32
    %dma_wait3A_373 = tpu.memref_slice %arg6[%dma_wait3A_371, %dma_wait3A_372] : memref<512x128xi32, #tpu.memory_space<vmem>> -> memref<128x128xi32, #tpu.memory_space<vmem>>
    %dma_wait3A_374 = arith.constant 2688 : i32
    %dma_wait3A_375 = tpu.memref_slice %arg5[%dma_wait3A_374] : memref<8192xi32, #tpu.memory_space<vmem>> -> memref<128xi32, #tpu.memory_space<vmem>>
    %dma_wait3A_376 = arith.constant 0 : i32
    %dma_wait3A_377 = arith.constant 0 : i32
    %dma_wait3A_378 = tpu.memref_slice %arg3[%dma_wait3A_376, %dma_wait3A_377] : memref<129x128xi32, #tpu.memory_space<hbm>> -> memref<129x128xi32, #tpu.memory_space<hbm>>
    tpu.wait_indirect_dma semaphore(%arg7 : memref<!tpu.dma_semaphore, #tpu.memory_space<semaphore_mem>>) src(%dma_wait3A_378 : memref<129x128xi32, #tpu.memory_space<hbm>>) dst(%dma_wait3A_373 : memref<128x128xi32, #tpu.memory_space<vmem>>)
    %dma_wait3A_379 = arith.constant 256 : i32
    %dma_wait3A_380 = arith.constant 0 : i32
    %dma_wait3A_381 = tpu.memref_slice %arg6[%dma_wait3A_379, %dma_wait3A_380] : memref<512x128xi32, #tpu.memory_space<vmem>> -> memref<128x128xi32, #tpu.memory_space<vmem>>
    %dma_wait3A_382 = arith.constant 2816 : i32
    %dma_wait3A_383 = tpu.memref_slice %arg5[%dma_wait3A_382] : memref<8192xi32, #tpu.memory_space<vmem>> -> memref<128xi32, #tpu.memory_space<vmem>>
    %dma_wait3A_384 = arith.constant 0 : i32
    %dma_wait3A_385 = arith.constant 0 : i32
    %dma_wait3A_386 = tpu.memref_slice %arg3[%dma_wait3A_384, %dma_wait3A_385] : memref<129x128xi32, #tpu.memory_space<hbm>> -> memref<129x128xi32, #tpu.memory_space<hbm>>
    tpu.wait_indirect_dma semaphore(%arg7 : memref<!tpu.dma_semaphore, #tpu.memory_space<semaphore_mem>>) src(%dma_wait3A_386 : memref<129x128xi32, #tpu.memory_space<hbm>>) dst(%dma_wait3A_381 : memref<128x128xi32, #tpu.memory_space<vmem>>)
    %dma_wait3A_387 = arith.constant 384 : i32
    %dma_wait3A_388 = arith.constant 0 : i32
    %dma_wait3A_389 = tpu.memref_slice %arg6[%dma_wait3A_387, %dma_wait3A_388] : memref<512x128xi32, #tpu.memory_space<vmem>> -> memref<128x128xi32, #tpu.memory_space<vmem>>
    %dma_wait3A_390 = arith.constant 2944 : i32
    %dma_wait3A_391 = tpu.memref_slice %arg5[%dma_wait3A_390] : memref<8192xi32, #tpu.memory_space<vmem>> -> memref<128xi32, #tpu.memory_space<vmem>>
    %dma_wait3A_392 = arith.constant 0 : i32
    %dma_wait3A_393 = arith.constant 0 : i32
    %dma_wait3A_394 = tpu.memref_slice %arg3[%dma_wait3A_392, %dma_wait3A_393] : memref<129x128xi32, #tpu.memory_space<hbm>> -> memref<129x128xi32, #tpu.memory_space<hbm>>
    tpu.wait_indirect_dma semaphore(%arg7 : memref<!tpu.dma_semaphore, #tpu.memory_space<semaphore_mem>>) src(%dma_wait3A_394 : memref<129x128xi32, #tpu.memory_space<hbm>>) dst(%dma_wait3A_389 : memref<128x128xi32, #tpu.memory_space<vmem>>)
    %add3A_395 = arith.constant 2560 : i32
    %add3A_396 = arith.addi %mul3A_2, %add3A_395 : i32
    "tpu.region"() ({
      %run_scoped3A = tpu.sem_alloc : memref<!tpu.dma_semaphore, #tpu.memory_space<semaphore_mem>>
      %dma_start3A_1057 = arith.constant 0 : i32
      %dma_start3A_1058 = tpu.memref_slice %arg4[%add3A_396, %dma_start3A_1057] : memref<262144x128xi32, #tpu.memory_space<hbm>> -> memref<512x128xi32, #tpu.memory_space<hbm>>
      %dma_start3A_1059 = arith.constant 0 : i32
      %dma_start3A_1060 = tpu.memref_slice %arg4[%add3A_396, %dma_start3A_1059] : memref<262144x128xi32, #tpu.memory_space<hbm>> -> memref<512x128xi32, #tpu.memory_space<hbm>>
      tpu.enqueue_dma source(%arg6 : memref<512x128xi32, #tpu.memory_space<vmem>>) target(%dma_start3A_1060 : memref<512x128xi32, #tpu.memory_space<hbm>>) target_semaphore(%run_scoped3A : memref<!tpu.dma_semaphore, #tpu.memory_space<semaphore_mem>>)
      %dma_wait3A_1061 = arith.constant 0 : i32
      %dma_wait3A_1062 = tpu.memref_slice %arg4[%add3A_396, %dma_wait3A_1061] : memref<262144x128xi32, #tpu.memory_space<hbm>> -> memref<512x128xi32, #tpu.memory_space<hbm>>
      %dma_wait3A_1063 = arith.constant 0 : i32
      %dma_wait3A_1064 = tpu.memref_slice %arg4[%add3A_396, %dma_wait3A_1063] : memref<262144x128xi32, #tpu.memory_space<hbm>> -> memref<512x128xi32, #tpu.memory_space<hbm>>
      tpu.wait_dma2 semaphore(%run_scoped3A : memref<!tpu.dma_semaphore, #tpu.memory_space<semaphore_mem>>) src(%arg6 : memref<512x128xi32, #tpu.memory_space<vmem>>) dst(%dma_wait3A_1064 : memref<512x128xi32, #tpu.memory_space<hbm>>)
      tpu.yield
    }) : () -> ()
    %dma_start3A_397 = arith.constant 0 : i32
    %dma_start3A_398 = arith.constant 0 : i32
    %dma_start3A_399 = tpu.memref_slice %arg6[%dma_start3A_397, %dma_start3A_398] : memref<512x128xi32, #tpu.memory_space<vmem>> -> memref<128x128xi32, #tpu.memory_space<vmem>>
    %dma_start3A_400 = arith.constant 3072 : i32
    %dma_start3A_401 = tpu.memref_slice %arg5[%dma_start3A_400] : memref<8192xi32, #tpu.memory_space<vmem>> -> memref<128xi32, #tpu.memory_space<vmem>>
    %dma_start3A_402 = arith.constant 0 : i32
    %dma_start3A_403 = arith.constant 0 : i32
    %dma_start3A_404 = tpu.memref_slice %arg3[%dma_start3A_402, %dma_start3A_403] : memref<129x128xi32, #tpu.memory_space<hbm>> -> memref<129x128xi32, #tpu.memory_space<hbm>>
    tpu.enqueue_indirect_dma source(%dma_start3A_404 : memref<129x128xi32, #tpu.memory_space<hbm>>) target(%dma_start3A_399 : memref<128x128xi32, #tpu.memory_space<vmem>>) offsets(%dma_start3A_401 : memref<128xi32, #tpu.memory_space<vmem>>) semaphore(%arg7 : memref<!tpu.dma_semaphore, #tpu.memory_space<semaphore_mem>>)
    %dma_start3A_405 = arith.constant 128 : i32
    %dma_start3A_406 = arith.constant 0 : i32
    %dma_start3A_407 = tpu.memref_slice %arg6[%dma_start3A_405, %dma_start3A_406] : memref<512x128xi32, #tpu.memory_space<vmem>> -> memref<128x128xi32, #tpu.memory_space<vmem>>
    %dma_start3A_408 = arith.constant 3200 : i32
    %dma_start3A_409 = tpu.memref_slice %arg5[%dma_start3A_408] : memref<8192xi32, #tpu.memory_space<vmem>> -> memref<128xi32, #tpu.memory_space<vmem>>
    %dma_start3A_410 = arith.constant 0 : i32
    %dma_start3A_411 = arith.constant 0 : i32
    %dma_start3A_412 = tpu.memref_slice %arg3[%dma_start3A_410, %dma_start3A_411] : memref<129x128xi32, #tpu.memory_space<hbm>> -> memref<129x128xi32, #tpu.memory_space<hbm>>
    tpu.enqueue_indirect_dma source(%dma_start3A_412 : memref<129x128xi32, #tpu.memory_space<hbm>>) target(%dma_start3A_407 : memref<128x128xi32, #tpu.memory_space<vmem>>) offsets(%dma_start3A_409 : memref<128xi32, #tpu.memory_space<vmem>>) semaphore(%arg7 : memref<!tpu.dma_semaphore, #tpu.memory_space<semaphore_mem>>)
    %dma_start3A_413 = arith.constant 256 : i32
    %dma_start3A_414 = arith.constant 0 : i32
    %dma_start3A_415 = tpu.memref_slice %arg6[%dma_start3A_413, %dma_start3A_414] : memref<512x128xi32, #tpu.memory_space<vmem>> -> memref<128x128xi32, #tpu.memory_space<vmem>>
    %dma_start3A_416 = arith.constant 3328 : i32
    %dma_start3A_417 = tpu.memref_slice %arg5[%dma_start3A_416] : memref<8192xi32, #tpu.memory_space<vmem>> -> memref<128xi32, #tpu.memory_space<vmem>>
    %dma_start3A_418 = arith.constant 0 : i32
    %dma_start3A_419 = arith.constant 0 : i32
    %dma_start3A_420 = tpu.memref_slice %arg3[%dma_start3A_418, %dma_start3A_419] : memref<129x128xi32, #tpu.memory_space<hbm>> -> memref<129x128xi32, #tpu.memory_space<hbm>>
    tpu.enqueue_indirect_dma source(%dma_start3A_420 : memref<129x128xi32, #tpu.memory_space<hbm>>) target(%dma_start3A_415 : memref<128x128xi32, #tpu.memory_space<vmem>>) offsets(%dma_start3A_417 : memref<128xi32, #tpu.memory_space<vmem>>) semaphore(%arg7 : memref<!tpu.dma_semaphore, #tpu.memory_space<semaphore_mem>>)
    %dma_start3A_421 = arith.constant 384 : i32
    %dma_start3A_422 = arith.constant 0 : i32
    %dma_start3A_423 = tpu.memref_slice %arg6[%dma_start3A_421, %dma_start3A_422] : memref<512x128xi32, #tpu.memory_space<vmem>> -> memref<128x128xi32, #tpu.memory_space<vmem>>
    %dma_start3A_424 = arith.constant 3456 : i32
    %dma_start3A_425 = tpu.memref_slice %arg5[%dma_start3A_424] : memref<8192xi32, #tpu.memory_space<vmem>> -> memref<128xi32, #tpu.memory_space<vmem>>
    %dma_start3A_426 = arith.constant 0 : i32
    %dma_start3A_427 = arith.constant 0 : i32
    %dma_start3A_428 = tpu.memref_slice %arg3[%dma_start3A_426, %dma_start3A_427] : memref<129x128xi32, #tpu.memory_space<hbm>> -> memref<129x128xi32, #tpu.memory_space<hbm>>
    tpu.enqueue_indirect_dma source(%dma_start3A_428 : memref<129x128xi32, #tpu.memory_space<hbm>>) target(%dma_start3A_423 : memref<128x128xi32, #tpu.memory_space<vmem>>) offsets(%dma_start3A_425 : memref<128xi32, #tpu.memory_space<vmem>>) semaphore(%arg7 : memref<!tpu.dma_semaphore, #tpu.memory_space<semaphore_mem>>)
    %dma_wait3A_429 = arith.constant 0 : i32
    %dma_wait3A_430 = arith.constant 0 : i32
    %dma_wait3A_431 = tpu.memref_slice %arg6[%dma_wait3A_429, %dma_wait3A_430] : memref<512x128xi32, #tpu.memory_space<vmem>> -> memref<128x128xi32, #tpu.memory_space<vmem>>
    %dma_wait3A_432 = arith.constant 3072 : i32
    %dma_wait3A_433 = tpu.memref_slice %arg5[%dma_wait3A_432] : memref<8192xi32, #tpu.memory_space<vmem>> -> memref<128xi32, #tpu.memory_space<vmem>>
    %dma_wait3A_434 = arith.constant 0 : i32
    %dma_wait3A_435 = arith.constant 0 : i32
    %dma_wait3A_436 = tpu.memref_slice %arg3[%dma_wait3A_434, %dma_wait3A_435] : memref<129x128xi32, #tpu.memory_space<hbm>> -> memref<129x128xi32, #tpu.memory_space<hbm>>
    tpu.wait_indirect_dma semaphore(%arg7 : memref<!tpu.dma_semaphore, #tpu.memory_space<semaphore_mem>>) src(%dma_wait3A_436 : memref<129x128xi32, #tpu.memory_space<hbm>>) dst(%dma_wait3A_431 : memref<128x128xi32, #tpu.memory_space<vmem>>)
    %dma_wait3A_437 = arith.constant 128 : i32
    %dma_wait3A_438 = arith.constant 0 : i32
    %dma_wait3A_439 = tpu.memref_slice %arg6[%dma_wait3A_437, %dma_wait3A_438] : memref<512x128xi32, #tpu.memory_space<vmem>> -> memref<128x128xi32, #tpu.memory_space<vmem>>
    %dma_wait3A_440 = arith.constant 3200 : i32
    %dma_wait3A_441 = tpu.memref_slice %arg5[%dma_wait3A_440] : memref<8192xi32, #tpu.memory_space<vmem>> -> memref<128xi32, #tpu.memory_space<vmem>>
    %dma_wait3A_442 = arith.constant 0 : i32
    %dma_wait3A_443 = arith.constant 0 : i32
    %dma_wait3A_444 = tpu.memref_slice %arg3[%dma_wait3A_442, %dma_wait3A_443] : memref<129x128xi32, #tpu.memory_space<hbm>> -> memref<129x128xi32, #tpu.memory_space<hbm>>
    tpu.wait_indirect_dma semaphore(%arg7 : memref<!tpu.dma_semaphore, #tpu.memory_space<semaphore_mem>>) src(%dma_wait3A_444 : memref<129x128xi32, #tpu.memory_space<hbm>>) dst(%dma_wait3A_439 : memref<128x128xi32, #tpu.memory_space<vmem>>)
    %dma_wait3A_445 = arith.constant 256 : i32
    %dma_wait3A_446 = arith.constant 0 : i32
    %dma_wait3A_447 = tpu.memref_slice %arg6[%dma_wait3A_445, %dma_wait3A_446] : memref<512x128xi32, #tpu.memory_space<vmem>> -> memref<128x128xi32, #tpu.memory_space<vmem>>
    %dma_wait3A_448 = arith.constant 3328 : i32
    %dma_wait3A_449 = tpu.memref_slice %arg5[%dma_wait3A_448] : memref<8192xi32, #tpu.memory_space<vmem>> -> memref<128xi32, #tpu.memory_space<vmem>>
    %dma_wait3A_450 = arith.constant 0 : i32
    %dma_wait3A_451 = arith.constant 0 : i32
    %dma_wait3A_452 = tpu.memref_slice %arg3[%dma_wait3A_450, %dma_wait3A_451] : memref<129x128xi32, #tpu.memory_space<hbm>> -> memref<129x128xi32, #tpu.memory_space<hbm>>
    tpu.wait_indirect_dma semaphore(%arg7 : memref<!tpu.dma_semaphore, #tpu.memory_space<semaphore_mem>>) src(%dma_wait3A_452 : memref<129x128xi32, #tpu.memory_space<hbm>>) dst(%dma_wait3A_447 : memref<128x128xi32, #tpu.memory_space<vmem>>)
    %dma_wait3A_453 = arith.constant 384 : i32
    %dma_wait3A_454 = arith.constant 0 : i32
    %dma_wait3A_455 = tpu.memref_slice %arg6[%dma_wait3A_453, %dma_wait3A_454] : memref<512x128xi32, #tpu.memory_space<vmem>> -> memref<128x128xi32, #tpu.memory_space<vmem>>
    %dma_wait3A_456 = arith.constant 3456 : i32
    %dma_wait3A_457 = tpu.memref_slice %arg5[%dma_wait3A_456] : memref<8192xi32, #tpu.memory_space<vmem>> -> memref<128xi32, #tpu.memory_space<vmem>>
    %dma_wait3A_458 = arith.constant 0 : i32
    %dma_wait3A_459 = arith.constant 0 : i32
    %dma_wait3A_460 = tpu.memref_slice %arg3[%dma_wait3A_458, %dma_wait3A_459] : memref<129x128xi32, #tpu.memory_space<hbm>> -> memref<129x128xi32, #tpu.memory_space<hbm>>
    tpu.wait_indirect_dma semaphore(%arg7 : memref<!tpu.dma_semaphore, #tpu.memory_space<semaphore_mem>>) src(%dma_wait3A_460 : memref<129x128xi32, #tpu.memory_space<hbm>>) dst(%dma_wait3A_455 : memref<128x128xi32, #tpu.memory_space<vmem>>)
    %add3A_461 = arith.constant 3072 : i32
    %add3A_462 = arith.addi %mul3A_2, %add3A_461 : i32
    "tpu.region"() ({
      %run_scoped3A = tpu.sem_alloc : memref<!tpu.dma_semaphore, #tpu.memory_space<semaphore_mem>>
      %dma_start3A_1057 = arith.constant 0 : i32
      %dma_start3A_1058 = tpu.memref_slice %arg4[%add3A_462, %dma_start3A_1057] : memref<262144x128xi32, #tpu.memory_space<hbm>> -> memref<512x128xi32, #tpu.memory_space<hbm>>
      %dma_start3A_1059 = arith.constant 0 : i32
      %dma_start3A_1060 = tpu.memref_slice %arg4[%add3A_462, %dma_start3A_1059] : memref<262144x128xi32, #tpu.memory_space<hbm>> -> memref<512x128xi32, #tpu.memory_space<hbm>>
      tpu.enqueue_dma source(%arg6 : memref<512x128xi32, #tpu.memory_space<vmem>>) target(%dma_start3A_1060 : memref<512x128xi32, #tpu.memory_space<hbm>>) target_semaphore(%run_scoped3A : memref<!tpu.dma_semaphore, #tpu.memory_space<semaphore_mem>>)
      %dma_wait3A_1061 = arith.constant 0 : i32
      %dma_wait3A_1062 = tpu.memref_slice %arg4[%add3A_462, %dma_wait3A_1061] : memref<262144x128xi32, #tpu.memory_space<hbm>> -> memref<512x128xi32, #tpu.memory_space<hbm>>
      %dma_wait3A_1063 = arith.constant 0 : i32
      %dma_wait3A_1064 = tpu.memref_slice %arg4[%add3A_462, %dma_wait3A_1063] : memref<262144x128xi32, #tpu.memory_space<hbm>> -> memref<512x128xi32, #tpu.memory_space<hbm>>
      tpu.wait_dma2 semaphore(%run_scoped3A : memref<!tpu.dma_semaphore, #tpu.memory_space<semaphore_mem>>) src(%arg6 : memref<512x128xi32, #tpu.memory_space<vmem>>) dst(%dma_wait3A_1064 : memref<512x128xi32, #tpu.memory_space<hbm>>)
      tpu.yield
    }) : () -> ()
    %dma_start3A_463 = arith.constant 0 : i32
    %dma_start3A_464 = arith.constant 0 : i32
    %dma_start3A_465 = tpu.memref_slice %arg6[%dma_start3A_463, %dma_start3A_464] : memref<512x128xi32, #tpu.memory_space<vmem>> -> memref<128x128xi32, #tpu.memory_space<vmem>>
    %dma_start3A_466 = arith.constant 3584 : i32
    %dma_start3A_467 = tpu.memref_slice %arg5[%dma_start3A_466] : memref<8192xi32, #tpu.memory_space<vmem>> -> memref<128xi32, #tpu.memory_space<vmem>>
    %dma_start3A_468 = arith.constant 0 : i32
    %dma_start3A_469 = arith.constant 0 : i32
    %dma_start3A_470 = tpu.memref_slice %arg3[%dma_start3A_468, %dma_start3A_469] : memref<129x128xi32, #tpu.memory_space<hbm>> -> memref<129x128xi32, #tpu.memory_space<hbm>>
    tpu.enqueue_indirect_dma source(%dma_start3A_470 : memref<129x128xi32, #tpu.memory_space<hbm>>) target(%dma_start3A_465 : memref<128x128xi32, #tpu.memory_space<vmem>>) offsets(%dma_start3A_467 : memref<128xi32, #tpu.memory_space<vmem>>) semaphore(%arg7 : memref<!tpu.dma_semaphore, #tpu.memory_space<semaphore_mem>>)
    %dma_start3A_471 = arith.constant 128 : i32
    %dma_start3A_472 = arith.constant 0 : i32
    %dma_start3A_473 = tpu.memref_slice %arg6[%dma_start3A_471, %dma_start3A_472] : memref<512x128xi32, #tpu.memory_space<vmem>> -> memref<128x128xi32, #tpu.memory_space<vmem>>
    %dma_start3A_474 = arith.constant 3712 : i32
    %dma_start3A_475 = tpu.memref_slice %arg5[%dma_start3A_474] : memref<8192xi32, #tpu.memory_space<vmem>> -> memref<128xi32, #tpu.memory_space<vmem>>
    %dma_start3A_476 = arith.constant 0 : i32
    %dma_start3A_477 = arith.constant 0 : i32
    %dma_start3A_478 = tpu.memref_slice %arg3[%dma_start3A_476, %dma_start3A_477] : memref<129x128xi32, #tpu.memory_space<hbm>> -> memref<129x128xi32, #tpu.memory_space<hbm>>
    tpu.enqueue_indirect_dma source(%dma_start3A_478 : memref<129x128xi32, #tpu.memory_space<hbm>>) target(%dma_start3A_473 : memref<128x128xi32, #tpu.memory_space<vmem>>) offsets(%dma_start3A_475 : memref<128xi32, #tpu.memory_space<vmem>>) semaphore(%arg7 : memref<!tpu.dma_semaphore, #tpu.memory_space<semaphore_mem>>)
    %dma_start3A_479 = arith.constant 256 : i32
    %dma_start3A_480 = arith.constant 0 : i32
    %dma_start3A_481 = tpu.memref_slice %arg6[%dma_start3A_479, %dma_start3A_480] : memref<512x128xi32, #tpu.memory_space<vmem>> -> memref<128x128xi32, #tpu.memory_space<vmem>>
    %dma_start3A_482 = arith.constant 3840 : i32
    %dma_start3A_483 = tpu.memref_slice %arg5[%dma_start3A_482] : memref<8192xi32, #tpu.memory_space<vmem>> -> memref<128xi32, #tpu.memory_space<vmem>>
    %dma_start3A_484 = arith.constant 0 : i32
    %dma_start3A_485 = arith.constant 0 : i32
    %dma_start3A_486 = tpu.memref_slice %arg3[%dma_start3A_484, %dma_start3A_485] : memref<129x128xi32, #tpu.memory_space<hbm>> -> memref<129x128xi32, #tpu.memory_space<hbm>>
    tpu.enqueue_indirect_dma source(%dma_start3A_486 : memref<129x128xi32, #tpu.memory_space<hbm>>) target(%dma_start3A_481 : memref<128x128xi32, #tpu.memory_space<vmem>>) offsets(%dma_start3A_483 : memref<128xi32, #tpu.memory_space<vmem>>) semaphore(%arg7 : memref<!tpu.dma_semaphore, #tpu.memory_space<semaphore_mem>>)
    %dma_start3A_487 = arith.constant 384 : i32
    %dma_start3A_488 = arith.constant 0 : i32
    %dma_start3A_489 = tpu.memref_slice %arg6[%dma_start3A_487, %dma_start3A_488] : memref<512x128xi32, #tpu.memory_space<vmem>> -> memref<128x128xi32, #tpu.memory_space<vmem>>
    %dma_start3A_490 = arith.constant 3968 : i32
    %dma_start3A_491 = tpu.memref_slice %arg5[%dma_start3A_490] : memref<8192xi32, #tpu.memory_space<vmem>> -> memref<128xi32, #tpu.memory_space<vmem>>
    %dma_start3A_492 = arith.constant 0 : i32
    %dma_start3A_493 = arith.constant 0 : i32
    %dma_start3A_494 = tpu.memref_slice %arg3[%dma_start3A_492, %dma_start3A_493] : memref<129x128xi32, #tpu.memory_space<hbm>> -> memref<129x128xi32, #tpu.memory_space<hbm>>
    tpu.enqueue_indirect_dma source(%dma_start3A_494 : memref<129x128xi32, #tpu.memory_space<hbm>>) target(%dma_start3A_489 : memref<128x128xi32, #tpu.memory_space<vmem>>) offsets(%dma_start3A_491 : memref<128xi32, #tpu.memory_space<vmem>>) semaphore(%arg7 : memref<!tpu.dma_semaphore, #tpu.memory_space<semaphore_mem>>)
    %dma_wait3A_495 = arith.constant 0 : i32
    %dma_wait3A_496 = arith.constant 0 : i32
    %dma_wait3A_497 = tpu.memref_slice %arg6[%dma_wait3A_495, %dma_wait3A_496] : memref<512x128xi32, #tpu.memory_space<vmem>> -> memref<128x128xi32, #tpu.memory_space<vmem>>
    %dma_wait3A_498 = arith.constant 3584 : i32
    %dma_wait3A_499 = tpu.memref_slice %arg5[%dma_wait3A_498] : memref<8192xi32, #tpu.memory_space<vmem>> -> memref<128xi32, #tpu.memory_space<vmem>>
    %dma_wait3A_500 = arith.constant 0 : i32
    %dma_wait3A_501 = arith.constant 0 : i32
    %dma_wait3A_502 = tpu.memref_slice %arg3[%dma_wait3A_500, %dma_wait3A_501] : memref<129x128xi32, #tpu.memory_space<hbm>> -> memref<129x128xi32, #tpu.memory_space<hbm>>
    tpu.wait_indirect_dma semaphore(%arg7 : memref<!tpu.dma_semaphore, #tpu.memory_space<semaphore_mem>>) src(%dma_wait3A_502 : memref<129x128xi32, #tpu.memory_space<hbm>>) dst(%dma_wait3A_497 : memref<128x128xi32, #tpu.memory_space<vmem>>)
    %dma_wait3A_503 = arith.constant 128 : i32
    %dma_wait3A_504 = arith.constant 0 : i32
    %dma_wait3A_505 = tpu.memref_slice %arg6[%dma_wait3A_503, %dma_wait3A_504] : memref<512x128xi32, #tpu.memory_space<vmem>> -> memref<128x128xi32, #tpu.memory_space<vmem>>
    %dma_wait3A_506 = arith.constant 3712 : i32
    %dma_wait3A_507 = tpu.memref_slice %arg5[%dma_wait3A_506] : memref<8192xi32, #tpu.memory_space<vmem>> -> memref<128xi32, #tpu.memory_space<vmem>>
    %dma_wait3A_508 = arith.constant 0 : i32
    %dma_wait3A_509 = arith.constant 0 : i32
    %dma_wait3A_510 = tpu.memref_slice %arg3[%dma_wait3A_508, %dma_wait3A_509] : memref<129x128xi32, #tpu.memory_space<hbm>> -> memref<129x128xi32, #tpu.memory_space<hbm>>
    tpu.wait_indirect_dma semaphore(%arg7 : memref<!tpu.dma_semaphore, #tpu.memory_space<semaphore_mem>>) src(%dma_wait3A_510 : memref<129x128xi32, #tpu.memory_space<hbm>>) dst(%dma_wait3A_505 : memref<128x128xi32, #tpu.memory_space<vmem>>)
    %dma_wait3A_511 = arith.constant 256 : i32
    %dma_wait3A_512 = arith.constant 0 : i32
    %dma_wait3A_513 = tpu.memref_slice %arg6[%dma_wait3A_511, %dma_wait3A_512] : memref<512x128xi32, #tpu.memory_space<vmem>> -> memref<128x128xi32, #tpu.memory_space<vmem>>
    %dma_wait3A_514 = arith.constant 3840 : i32
    %dma_wait3A_515 = tpu.memref_slice %arg5[%dma_wait3A_514] : memref<8192xi32, #tpu.memory_space<vmem>> -> memref<128xi32, #tpu.memory_space<vmem>>
    %dma_wait3A_516 = arith.constant 0 : i32
    %dma_wait3A_517 = arith.constant 0 : i32
    %dma_wait3A_518 = tpu.memref_slice %arg3[%dma_wait3A_516, %dma_wait3A_517] : memref<129x128xi32, #tpu.memory_space<hbm>> -> memref<129x128xi32, #tpu.memory_space<hbm>>
    tpu.wait_indirect_dma semaphore(%arg7 : memref<!tpu.dma_semaphore, #tpu.memory_space<semaphore_mem>>) src(%dma_wait3A_518 : memref<129x128xi32, #tpu.memory_space<hbm>>) dst(%dma_wait3A_513 : memref<128x128xi32, #tpu.memory_space<vmem>>)
    %dma_wait3A_519 = arith.constant 384 : i32
    %dma_wait3A_520 = arith.constant 0 : i32
    %dma_wait3A_521 = tpu.memref_slice %arg6[%dma_wait3A_519, %dma_wait3A_520] : memref<512x128xi32, #tpu.memory_space<vmem>> -> memref<128x128xi32, #tpu.memory_space<vmem>>
    %dma_wait3A_522 = arith.constant 3968 : i32
    %dma_wait3A_523 = tpu.memref_slice %arg5[%dma_wait3A_522] : memref<8192xi32, #tpu.memory_space<vmem>> -> memref<128xi32, #tpu.memory_space<vmem>>
    %dma_wait3A_524 = arith.constant 0 : i32
    %dma_wait3A_525 = arith.constant 0 : i32
    %dma_wait3A_526 = tpu.memref_slice %arg3[%dma_wait3A_524, %dma_wait3A_525] : memref<129x128xi32, #tpu.memory_space<hbm>> -> memref<129x128xi32, #tpu.memory_space<hbm>>
    tpu.wait_indirect_dma semaphore(%arg7 : memref<!tpu.dma_semaphore, #tpu.memory_space<semaphore_mem>>) src(%dma_wait3A_526 : memref<129x128xi32, #tpu.memory_space<hbm>>) dst(%dma_wait3A_521 : memref<128x128xi32, #tpu.memory_space<vmem>>)
    %add3A_527 = arith.constant 3584 : i32
    %add3A_528 = arith.addi %mul3A_2, %add3A_527 : i32
    "tpu.region"() ({
      %run_scoped3A = tpu.sem_alloc : memref<!tpu.dma_semaphore, #tpu.memory_space<semaphore_mem>>
      %dma_start3A_1057 = arith.constant 0 : i32
      %dma_start3A_1058 = tpu.memref_slice %arg4[%add3A_528, %dma_start3A_1057] : memref<262144x128xi32, #tpu.memory_space<hbm>> -> memref<512x128xi32, #tpu.memory_space<hbm>>
      %dma_start3A_1059 = arith.constant 0 : i32
      %dma_start3A_1060 = tpu.memref_slice %arg4[%add3A_528, %dma_start3A_1059] : memref<262144x128xi32, #tpu.memory_space<hbm>> -> memref<512x128xi32, #tpu.memory_space<hbm>>
      tpu.enqueue_dma source(%arg6 : memref<512x128xi32, #tpu.memory_space<vmem>>) target(%dma_start3A_1060 : memref<512x128xi32, #tpu.memory_space<hbm>>) target_semaphore(%run_scoped3A : memref<!tpu.dma_semaphore, #tpu.memory_space<semaphore_mem>>)
      %dma_wait3A_1061 = arith.constant 0 : i32
      %dma_wait3A_1062 = tpu.memref_slice %arg4[%add3A_528, %dma_wait3A_1061] : memref<262144x128xi32, #tpu.memory_space<hbm>> -> memref<512x128xi32, #tpu.memory_space<hbm>>
      %dma_wait3A_1063 = arith.constant 0 : i32
      %dma_wait3A_1064 = tpu.memref_slice %arg4[%add3A_528, %dma_wait3A_1063] : memref<262144x128xi32, #tpu.memory_space<hbm>> -> memref<512x128xi32, #tpu.memory_space<hbm>>
      tpu.wait_dma2 semaphore(%run_scoped3A : memref<!tpu.dma_semaphore, #tpu.memory_space<semaphore_mem>>) src(%arg6 : memref<512x128xi32, #tpu.memory_space<vmem>>) dst(%dma_wait3A_1064 : memref<512x128xi32, #tpu.memory_space<hbm>>)
      tpu.yield
    }) : () -> ()
    %dma_start3A_529 = arith.constant 0 : i32
    %dma_start3A_530 = arith.constant 0 : i32
    %dma_start3A_531 = tpu.memref_slice %arg6[%dma_start3A_529, %dma_start3A_530] : memref<512x128xi32, #tpu.memory_space<vmem>> -> memref<128x128xi32, #tpu.memory_space<vmem>>
    %dma_start3A_532 = arith.constant 4096 : i32
    %dma_start3A_533 = tpu.memref_slice %arg5[%dma_start3A_532] : memref<8192xi32, #tpu.memory_space<vmem>> -> memref<128xi32, #tpu.memory_space<vmem>>
    %dma_start3A_534 = arith.constant 0 : i32
    %dma_start3A_535 = arith.constant 0 : i32
    %dma_start3A_536 = tpu.memref_slice %arg3[%dma_start3A_534, %dma_start3A_535] : memref<129x128xi32, #tpu.memory_space<hbm>> -> memref<129x128xi32, #tpu.memory_space<hbm>>
    tpu.enqueue_indirect_dma source(%dma_start3A_536 : memref<129x128xi32, #tpu.memory_space<hbm>>) target(%dma_start3A_531 : memref<128x128xi32, #tpu.memory_space<vmem>>) offsets(%dma_start3A_533 : memref<128xi32, #tpu.memory_space<vmem>>) semaphore(%arg7 : memref<!tpu.dma_semaphore, #tpu.memory_space<semaphore_mem>>)
    %dma_start3A_537 = arith.constant 128 : i32
    %dma_start3A_538 = arith.constant 0 : i32
    %dma_start3A_539 = tpu.memref_slice %arg6[%dma_start3A_537, %dma_start3A_538] : memref<512x128xi32, #tpu.memory_space<vmem>> -> memref<128x128xi32, #tpu.memory_space<vmem>>
    %dma_start3A_540 = arith.constant 4224 : i32
    %dma_start3A_541 = tpu.memref_slice %arg5[%dma_start3A_540] : memref<8192xi32, #tpu.memory_space<vmem>> -> memref<128xi32, #tpu.memory_space<vmem>>
    %dma_start3A_542 = arith.constant 0 : i32
    %dma_start3A_543 = arith.constant 0 : i32
    %dma_start3A_544 = tpu.memref_slice %arg3[%dma_start3A_542, %dma_start3A_543] : memref<129x128xi32, #tpu.memory_space<hbm>> -> memref<129x128xi32, #tpu.memory_space<hbm>>
    tpu.enqueue_indirect_dma source(%dma_start3A_544 : memref<129x128xi32, #tpu.memory_space<hbm>>) target(%dma_start3A_539 : memref<128x128xi32, #tpu.memory_space<vmem>>) offsets(%dma_start3A_541 : memref<128xi32, #tpu.memory_space<vmem>>) semaphore(%arg7 : memref<!tpu.dma_semaphore, #tpu.memory_space<semaphore_mem>>)
    %dma_start3A_545 = arith.constant 256 : i32
    %dma_start3A_546 = arith.constant 0 : i32
    %dma_start3A_547 = tpu.memref_slice %arg6[%dma_start3A_545, %dma_start3A_546] : memref<512x128xi32, #tpu.memory_space<vmem>> -> memref<128x128xi32, #tpu.memory_space<vmem>>
    %dma_start3A_548 = arith.constant 4352 : i32
    %dma_start3A_549 = tpu.memref_slice %arg5[%dma_start3A_548] : memref<8192xi32, #tpu.memory_space<vmem>> -> memref<128xi32, #tpu.memory_space<vmem>>
    %dma_start3A_550 = arith.constant 0 : i32
    %dma_start3A_551 = arith.constant 0 : i32
    %dma_start3A_552 = tpu.memref_slice %arg3[%dma_start3A_550, %dma_start3A_551] : memref<129x128xi32, #tpu.memory_space<hbm>> -> memref<129x128xi32, #tpu.memory_space<hbm>>
    tpu.enqueue_indirect_dma source(%dma_start3A_552 : memref<129x128xi32, #tpu.memory_space<hbm>>) target(%dma_start3A_547 : memref<128x128xi32, #tpu.memory_space<vmem>>) offsets(%dma_start3A_549 : memref<128xi32, #tpu.memory_space<vmem>>) semaphore(%arg7 : memref<!tpu.dma_semaphore, #tpu.memory_space<semaphore_mem>>)
    %dma_start3A_553 = arith.constant 384 : i32
    %dma_start3A_554 = arith.constant 0 : i32
    %dma_start3A_555 = tpu.memref_slice %arg6[%dma_start3A_553, %dma_start3A_554] : memref<512x128xi32, #tpu.memory_space<vmem>> -> memref<128x128xi32, #tpu.memory_space<vmem>>
    %dma_start3A_556 = arith.constant 4480 : i32
    %dma_start3A_557 = tpu.memref_slice %arg5[%dma_start3A_556] : memref<8192xi32, #tpu.memory_space<vmem>> -> memref<128xi32, #tpu.memory_space<vmem>>
    %dma_start3A_558 = arith.constant 0 : i32
    %dma_start3A_559 = arith.constant 0 : i32
    %dma_start3A_560 = tpu.memref_slice %arg3[%dma_start3A_558, %dma_start3A_559] : memref<129x128xi32, #tpu.memory_space<hbm>> -> memref<129x128xi32, #tpu.memory_space<hbm>>
    tpu.enqueue_indirect_dma source(%dma_start3A_560 : memref<129x128xi32, #tpu.memory_space<hbm>>) target(%dma_start3A_555 : memref<128x128xi32, #tpu.memory_space<vmem>>) offsets(%dma_start3A_557 : memref<128xi32, #tpu.memory_space<vmem>>) semaphore(%arg7 : memref<!tpu.dma_semaphore, #tpu.memory_space<semaphore_mem>>)
    %dma_wait3A_561 = arith.constant 0 : i32
    %dma_wait3A_562 = arith.constant 0 : i32
    %dma_wait3A_563 = tpu.memref_slice %arg6[%dma_wait3A_561, %dma_wait3A_562] : memref<512x128xi32, #tpu.memory_space<vmem>> -> memref<128x128xi32, #tpu.memory_space<vmem>>
    %dma_wait3A_564 = arith.constant 4096 : i32
    %dma_wait3A_565 = tpu.memref_slice %arg5[%dma_wait3A_564] : memref<8192xi32, #tpu.memory_space<vmem>> -> memref<128xi32, #tpu.memory_space<vmem>>
    %dma_wait3A_566 = arith.constant 0 : i32
    %dma_wait3A_567 = arith.constant 0 : i32
    %dma_wait3A_568 = tpu.memref_slice %arg3[%dma_wait3A_566, %dma_wait3A_567] : memref<129x128xi32, #tpu.memory_space<hbm>> -> memref<129x128xi32, #tpu.memory_space<hbm>>
    tpu.wait_indirect_dma semaphore(%arg7 : memref<!tpu.dma_semaphore, #tpu.memory_space<semaphore_mem>>) src(%dma_wait3A_568 : memref<129x128xi32, #tpu.memory_space<hbm>>) dst(%dma_wait3A_563 : memref<128x128xi32, #tpu.memory_space<vmem>>)
    %dma_wait3A_569 = arith.constant 128 : i32
    %dma_wait3A_570 = arith.constant 0 : i32
    %dma_wait3A_571 = tpu.memref_slice %arg6[%dma_wait3A_569, %dma_wait3A_570] : memref<512x128xi32, #tpu.memory_space<vmem>> -> memref<128x128xi32, #tpu.memory_space<vmem>>
    %dma_wait3A_572 = arith.constant 4224 : i32
    %dma_wait3A_573 = tpu.memref_slice %arg5[%dma_wait3A_572] : memref<8192xi32, #tpu.memory_space<vmem>> -> memref<128xi32, #tpu.memory_space<vmem>>
    %dma_wait3A_574 = arith.constant 0 : i32
    %dma_wait3A_575 = arith.constant 0 : i32
    %dma_wait3A_576 = tpu.memref_slice %arg3[%dma_wait3A_574, %dma_wait3A_575] : memref<129x128xi32, #tpu.memory_space<hbm>> -> memref<129x128xi32, #tpu.memory_space<hbm>>
    tpu.wait_indirect_dma semaphore(%arg7 : memref<!tpu.dma_semaphore, #tpu.memory_space<semaphore_mem>>) src(%dma_wait3A_576 : memref<129x128xi32, #tpu.memory_space<hbm>>) dst(%dma_wait3A_571 : memref<128x128xi32, #tpu.memory_space<vmem>>)
    %dma_wait3A_577 = arith.constant 256 : i32
    %dma_wait3A_578 = arith.constant 0 : i32
    %dma_wait3A_579 = tpu.memref_slice %arg6[%dma_wait3A_577, %dma_wait3A_578] : memref<512x128xi32, #tpu.memory_space<vmem>> -> memref<128x128xi32, #tpu.memory_space<vmem>>
    %dma_wait3A_580 = arith.constant 4352 : i32
    %dma_wait3A_581 = tpu.memref_slice %arg5[%dma_wait3A_580] : memref<8192xi32, #tpu.memory_space<vmem>> -> memref<128xi32, #tpu.memory_space<vmem>>
    %dma_wait3A_582 = arith.constant 0 : i32
    %dma_wait3A_583 = arith.constant 0 : i32
    %dma_wait3A_584 = tpu.memref_slice %arg3[%dma_wait3A_582, %dma_wait3A_583] : memref<129x128xi32, #tpu.memory_space<hbm>> -> memref<129x128xi32, #tpu.memory_space<hbm>>
    tpu.wait_indirect_dma semaphore(%arg7 : memref<!tpu.dma_semaphore, #tpu.memory_space<semaphore_mem>>) src(%dma_wait3A_584 : memref<129x128xi32, #tpu.memory_space<hbm>>) dst(%dma_wait3A_579 : memref<128x128xi32, #tpu.memory_space<vmem>>)
    %dma_wait3A_585 = arith.constant 384 : i32
    %dma_wait3A_586 = arith.constant 0 : i32
    %dma_wait3A_587 = tpu.memref_slice %arg6[%dma_wait3A_585, %dma_wait3A_586] : memref<512x128xi32, #tpu.memory_space<vmem>> -> memref<128x128xi32, #tpu.memory_space<vmem>>
    %dma_wait3A_588 = arith.constant 4480 : i32
    %dma_wait3A_589 = tpu.memref_slice %arg5[%dma_wait3A_588] : memref<8192xi32, #tpu.memory_space<vmem>> -> memref<128xi32, #tpu.memory_space<vmem>>
    %dma_wait3A_590 = arith.constant 0 : i32
    %dma_wait3A_591 = arith.constant 0 : i32
    %dma_wait3A_592 = tpu.memref_slice %arg3[%dma_wait3A_590, %dma_wait3A_591] : memref<129x128xi32, #tpu.memory_space<hbm>> -> memref<129x128xi32, #tpu.memory_space<hbm>>
    tpu.wait_indirect_dma semaphore(%arg7 : memref<!tpu.dma_semaphore, #tpu.memory_space<semaphore_mem>>) src(%dma_wait3A_592 : memref<129x128xi32, #tpu.memory_space<hbm>>) dst(%dma_wait3A_587 : memref<128x128xi32, #tpu.memory_space<vmem>>)
    %add3A_593 = arith.constant 4096 : i32
    %add3A_594 = arith.addi %mul3A_2, %add3A_593 : i32
    "tpu.region"() ({
      %run_scoped3A = tpu.sem_alloc : memref<!tpu.dma_semaphore, #tpu.memory_space<semaphore_mem>>
      %dma_start3A_1057 = arith.constant 0 : i32
      %dma_start3A_1058 = tpu.memref_slice %arg4[%add3A_594, %dma_start3A_1057] : memref<262144x128xi32, #tpu.memory_space<hbm>> -> memref<512x128xi32, #tpu.memory_space<hbm>>
      %dma_start3A_1059 = arith.constant 0 : i32
      %dma_start3A_1060 = tpu.memref_slice %arg4[%add3A_594, %dma_start3A_1059] : memref<262144x128xi32, #tpu.memory_space<hbm>> -> memref<512x128xi32, #tpu.memory_space<hbm>>
      tpu.enqueue_dma source(%arg6 : memref<512x128xi32, #tpu.memory_space<vmem>>) target(%dma_start3A_1060 : memref<512x128xi32, #tpu.memory_space<hbm>>) target_semaphore(%run_scoped3A : memref<!tpu.dma_semaphore, #tpu.memory_space<semaphore_mem>>)
      %dma_wait3A_1061 = arith.constant 0 : i32
      %dma_wait3A_1062 = tpu.memref_slice %arg4[%add3A_594, %dma_wait3A_1061] : memref<262144x128xi32, #tpu.memory_space<hbm>> -> memref<512x128xi32, #tpu.memory_space<hbm>>
      %dma_wait3A_1063 = arith.constant 0 : i32
      %dma_wait3A_1064 = tpu.memref_slice %arg4[%add3A_594, %dma_wait3A_1063] : memref<262144x128xi32, #tpu.memory_space<hbm>> -> memref<512x128xi32, #tpu.memory_space<hbm>>
      tpu.wait_dma2 semaphore(%run_scoped3A : memref<!tpu.dma_semaphore, #tpu.memory_space<semaphore_mem>>) src(%arg6 : memref<512x128xi32, #tpu.memory_space<vmem>>) dst(%dma_wait3A_1064 : memref<512x128xi32, #tpu.memory_space<hbm>>)
      tpu.yield
    }) : () -> ()
    %dma_start3A_595 = arith.constant 0 : i32
    %dma_start3A_596 = arith.constant 0 : i32
    %dma_start3A_597 = tpu.memref_slice %arg6[%dma_start3A_595, %dma_start3A_596] : memref<512x128xi32, #tpu.memory_space<vmem>> -> memref<128x128xi32, #tpu.memory_space<vmem>>
    %dma_start3A_598 = arith.constant 4608 : i32
    %dma_start3A_599 = tpu.memref_slice %arg5[%dma_start3A_598] : memref<8192xi32, #tpu.memory_space<vmem>> -> memref<128xi32, #tpu.memory_space<vmem>>
    %dma_start3A_600 = arith.constant 0 : i32
    %dma_start3A_601 = arith.constant 0 : i32
    %dma_start3A_602 = tpu.memref_slice %arg3[%dma_start3A_600, %dma_start3A_601] : memref<129x128xi32, #tpu.memory_space<hbm>> -> memref<129x128xi32, #tpu.memory_space<hbm>>
    tpu.enqueue_indirect_dma source(%dma_start3A_602 : memref<129x128xi32, #tpu.memory_space<hbm>>) target(%dma_start3A_597 : memref<128x128xi32, #tpu.memory_space<vmem>>) offsets(%dma_start3A_599 : memref<128xi32, #tpu.memory_space<vmem>>) semaphore(%arg7 : memref<!tpu.dma_semaphore, #tpu.memory_space<semaphore_mem>>)
    %dma_start3A_603 = arith.constant 128 : i32
    %dma_start3A_604 = arith.constant 0 : i32
    %dma_start3A_605 = tpu.memref_slice %arg6[%dma_start3A_603, %dma_start3A_604] : memref<512x128xi32, #tpu.memory_space<vmem>> -> memref<128x128xi32, #tpu.memory_space<vmem>>
    %dma_start3A_606 = arith.constant 4736 : i32
    %dma_start3A_607 = tpu.memref_slice %arg5[%dma_start3A_606] : memref<8192xi32, #tpu.memory_space<vmem>> -> memref<128xi32, #tpu.memory_space<vmem>>
    %dma_start3A_608 = arith.constant 0 : i32
    %dma_start3A_609 = arith.constant 0 : i32
    %dma_start3A_610 = tpu.memref_slice %arg3[%dma_start3A_608, %dma_start3A_609] : memref<129x128xi32, #tpu.memory_space<hbm>> -> memref<129x128xi32, #tpu.memory_space<hbm>>
    tpu.enqueue_indirect_dma source(%dma_start3A_610 : memref<129x128xi32, #tpu.memory_space<hbm>>) target(%dma_start3A_605 : memref<128x128xi32, #tpu.memory_space<vmem>>) offsets(%dma_start3A_607 : memref<128xi32, #tpu.memory_space<vmem>>) semaphore(%arg7 : memref<!tpu.dma_semaphore, #tpu.memory_space<semaphore_mem>>)
    %dma_start3A_611 = arith.constant 256 : i32
    %dma_start3A_612 = arith.constant 0 : i32
    %dma_start3A_613 = tpu.memref_slice %arg6[%dma_start3A_611, %dma_start3A_612] : memref<512x128xi32, #tpu.memory_space<vmem>> -> memref<128x128xi32, #tpu.memory_space<vmem>>
    %dma_start3A_614 = arith.constant 4864 : i32
    %dma_start3A_615 = tpu.memref_slice %arg5[%dma_start3A_614] : memref<8192xi32, #tpu.memory_space<vmem>> -> memref<128xi32, #tpu.memory_space<vmem>>
    %dma_start3A_616 = arith.constant 0 : i32
    %dma_start3A_617 = arith.constant 0 : i32
    %dma_start3A_618 = tpu.memref_slice %arg3[%dma_start3A_616, %dma_start3A_617] : memref<129x128xi32, #tpu.memory_space<hbm>> -> memref<129x128xi32, #tpu.memory_space<hbm>>
    tpu.enqueue_indirect_dma source(%dma_start3A_618 : memref<129x128xi32, #tpu.memory_space<hbm>>) target(%dma_start3A_613 : memref<128x128xi32, #tpu.memory_space<vmem>>) offsets(%dma_start3A_615 : memref<128xi32, #tpu.memory_space<vmem>>) semaphore(%arg7 : memref<!tpu.dma_semaphore, #tpu.memory_space<semaphore_mem>>)
    %dma_start3A_619 = arith.constant 384 : i32
    %dma_start3A_620 = arith.constant 0 : i32
    %dma_start3A_621 = tpu.memref_slice %arg6[%dma_start3A_619, %dma_start3A_620] : memref<512x128xi32, #tpu.memory_space<vmem>> -> memref<128x128xi32, #tpu.memory_space<vmem>>
    %dma_start3A_622 = arith.constant 4992 : i32
    %dma_start3A_623 = tpu.memref_slice %arg5[%dma_start3A_622] : memref<8192xi32, #tpu.memory_space<vmem>> -> memref<128xi32, #tpu.memory_space<vmem>>
    %dma_start3A_624 = arith.constant 0 : i32
    %dma_start3A_625 = arith.constant 0 : i32
    %dma_start3A_626 = tpu.memref_slice %arg3[%dma_start3A_624, %dma_start3A_625] : memref<129x128xi32, #tpu.memory_space<hbm>> -> memref<129x128xi32, #tpu.memory_space<hbm>>
    tpu.enqueue_indirect_dma source(%dma_start3A_626 : memref<129x128xi32, #tpu.memory_space<hbm>>) target(%dma_start3A_621 : memref<128x128xi32, #tpu.memory_space<vmem>>) offsets(%dma_start3A_623 : memref<128xi32, #tpu.memory_space<vmem>>) semaphore(%arg7 : memref<!tpu.dma_semaphore, #tpu.memory_space<semaphore_mem>>)
    %dma_wait3A_627 = arith.constant 0 : i32
    %dma_wait3A_628 = arith.constant 0 : i32
    %dma_wait3A_629 = tpu.memref_slice %arg6[%dma_wait3A_627, %dma_wait3A_628] : memref<512x128xi32, #tpu.memory_space<vmem>> -> memref<128x128xi32, #tpu.memory_space<vmem>>
    %dma_wait3A_630 = arith.constant 4608 : i32
    %dma_wait3A_631 = tpu.memref_slice %arg5[%dma_wait3A_630] : memref<8192xi32, #tpu.memory_space<vmem>> -> memref<128xi32, #tpu.memory_space<vmem>>
    %dma_wait3A_632 = arith.constant 0 : i32
    %dma_wait3A_633 = arith.constant 0 : i32
    %dma_wait3A_634 = tpu.memref_slice %arg3[%dma_wait3A_632, %dma_wait3A_633] : memref<129x128xi32, #tpu.memory_space<hbm>> -> memref<129x128xi32, #tpu.memory_space<hbm>>
    tpu.wait_indirect_dma semaphore(%arg7 : memref<!tpu.dma_semaphore, #tpu.memory_space<semaphore_mem>>) src(%dma_wait3A_634 : memref<129x128xi32, #tpu.memory_space<hbm>>) dst(%dma_wait3A_629 : memref<128x128xi32, #tpu.memory_space<vmem>>)
    %dma_wait3A_635 = arith.constant 128 : i32
    %dma_wait3A_636 = arith.constant 0 : i32
    %dma_wait3A_637 = tpu.memref_slice %arg6[%dma_wait3A_635, %dma_wait3A_636] : memref<512x128xi32, #tpu.memory_space<vmem>> -> memref<128x128xi32, #tpu.memory_space<vmem>>
    %dma_wait3A_638 = arith.constant 4736 : i32
    %dma_wait3A_639 = tpu.memref_slice %arg5[%dma_wait3A_638] : memref<8192xi32, #tpu.memory_space<vmem>> -> memref<128xi32, #tpu.memory_space<vmem>>
    %dma_wait3A_640 = arith.constant 0 : i32
    %dma_wait3A_641 = arith.constant 0 : i32
    %dma_wait3A_642 = tpu.memref_slice %arg3[%dma_wait3A_640, %dma_wait3A_641] : memref<129x128xi32, #tpu.memory_space<hbm>> -> memref<129x128xi32, #tpu.memory_space<hbm>>
    tpu.wait_indirect_dma semaphore(%arg7 : memref<!tpu.dma_semaphore, #tpu.memory_space<semaphore_mem>>) src(%dma_wait3A_642 : memref<129x128xi32, #tpu.memory_space<hbm>>) dst(%dma_wait3A_637 : memref<128x128xi32, #tpu.memory_space<vmem>>)
    %dma_wait3A_643 = arith.constant 256 : i32
    %dma_wait3A_644 = arith.constant 0 : i32
    %dma_wait3A_645 = tpu.memref_slice %arg6[%dma_wait3A_643, %dma_wait3A_644] : memref<512x128xi32, #tpu.memory_space<vmem>> -> memref<128x128xi32, #tpu.memory_space<vmem>>
    %dma_wait3A_646 = arith.constant 4864 : i32
    %dma_wait3A_647 = tpu.memref_slice %arg5[%dma_wait3A_646] : memref<8192xi32, #tpu.memory_space<vmem>> -> memref<128xi32, #tpu.memory_space<vmem>>
    %dma_wait3A_648 = arith.constant 0 : i32
    %dma_wait3A_649 = arith.constant 0 : i32
    %dma_wait3A_650 = tpu.memref_slice %arg3[%dma_wait3A_648, %dma_wait3A_649] : memref<129x128xi32, #tpu.memory_space<hbm>> -> memref<129x128xi32, #tpu.memory_space<hbm>>
    tpu.wait_indirect_dma semaphore(%arg7 : memref<!tpu.dma_semaphore, #tpu.memory_space<semaphore_mem>>) src(%dma_wait3A_650 : memref<129x128xi32, #tpu.memory_space<hbm>>) dst(%dma_wait3A_645 : memref<128x128xi32, #tpu.memory_space<vmem>>)
    %dma_wait3A_651 = arith.constant 384 : i32
    %dma_wait3A_652 = arith.constant 0 : i32
    %dma_wait3A_653 = tpu.memref_slice %arg6[%dma_wait3A_651, %dma_wait3A_652] : memref<512x128xi32, #tpu.memory_space<vmem>> -> memref<128x128xi32, #tpu.memory_space<vmem>>
    %dma_wait3A_654 = arith.constant 4992 : i32
    %dma_wait3A_655 = tpu.memref_slice %arg5[%dma_wait3A_654] : memref<8192xi32, #tpu.memory_space<vmem>> -> memref<128xi32, #tpu.memory_space<vmem>>
    %dma_wait3A_656 = arith.constant 0 : i32
    %dma_wait3A_657 = arith.constant 0 : i32
    %dma_wait3A_658 = tpu.memref_slice %arg3[%dma_wait3A_656, %dma_wait3A_657] : memref<129x128xi32, #tpu.memory_space<hbm>> -> memref<129x128xi32, #tpu.memory_space<hbm>>
    tpu.wait_indirect_dma semaphore(%arg7 : memref<!tpu.dma_semaphore, #tpu.memory_space<semaphore_mem>>) src(%dma_wait3A_658 : memref<129x128xi32, #tpu.memory_space<hbm>>) dst(%dma_wait3A_653 : memref<128x128xi32, #tpu.memory_space<vmem>>)
    %add3A_659 = arith.constant 4608 : i32
    %add3A_660 = arith.addi %mul3A_2, %add3A_659 : i32
    "tpu.region"() ({
      %run_scoped3A = tpu.sem_alloc : memref<!tpu.dma_semaphore, #tpu.memory_space<semaphore_mem>>
      %dma_start3A_1057 = arith.constant 0 : i32
      %dma_start3A_1058 = tpu.memref_slice %arg4[%add3A_660, %dma_start3A_1057] : memref<262144x128xi32, #tpu.memory_space<hbm>> -> memref<512x128xi32, #tpu.memory_space<hbm>>
      %dma_start3A_1059 = arith.constant 0 : i32
      %dma_start3A_1060 = tpu.memref_slice %arg4[%add3A_660, %dma_start3A_1059] : memref<262144x128xi32, #tpu.memory_space<hbm>> -> memref<512x128xi32, #tpu.memory_space<hbm>>
      tpu.enqueue_dma source(%arg6 : memref<512x128xi32, #tpu.memory_space<vmem>>) target(%dma_start3A_1060 : memref<512x128xi32, #tpu.memory_space<hbm>>) target_semaphore(%run_scoped3A : memref<!tpu.dma_semaphore, #tpu.memory_space<semaphore_mem>>)
      %dma_wait3A_1061 = arith.constant 0 : i32
      %dma_wait3A_1062 = tpu.memref_slice %arg4[%add3A_660, %dma_wait3A_1061] : memref<262144x128xi32, #tpu.memory_space<hbm>> -> memref<512x128xi32, #tpu.memory_space<hbm>>
      %dma_wait3A_1063 = arith.constant 0 : i32
      %dma_wait3A_1064 = tpu.memref_slice %arg4[%add3A_660, %dma_wait3A_1063] : memref<262144x128xi32, #tpu.memory_space<hbm>> -> memref<512x128xi32, #tpu.memory_space<hbm>>
      tpu.wait_dma2 semaphore(%run_scoped3A : memref<!tpu.dma_semaphore, #tpu.memory_space<semaphore_mem>>) src(%arg6 : memref<512x128xi32, #tpu.memory_space<vmem>>) dst(%dma_wait3A_1064 : memref<512x128xi32, #tpu.memory_space<hbm>>)
      tpu.yield
    }) : () -> ()
    %dma_start3A_661 = arith.constant 0 : i32
    %dma_start3A_662 = arith.constant 0 : i32
    %dma_start3A_663 = tpu.memref_slice %arg6[%dma_start3A_661, %dma_start3A_662] : memref<512x128xi32, #tpu.memory_space<vmem>> -> memref<128x128xi32, #tpu.memory_space<vmem>>
    %dma_start3A_664 = arith.constant 5120 : i32
    %dma_start3A_665 = tpu.memref_slice %arg5[%dma_start3A_664] : memref<8192xi32, #tpu.memory_space<vmem>> -> memref<128xi32, #tpu.memory_space<vmem>>
    %dma_start3A_666 = arith.constant 0 : i32
    %dma_start3A_667 = arith.constant 0 : i32
    %dma_start3A_668 = tpu.memref_slice %arg3[%dma_start3A_666, %dma_start3A_667] : memref<129x128xi32, #tpu.memory_space<hbm>> -> memref<129x128xi32, #tpu.memory_space<hbm>>
    tpu.enqueue_indirect_dma source(%dma_start3A_668 : memref<129x128xi32, #tpu.memory_space<hbm>>) target(%dma_start3A_663 : memref<128x128xi32, #tpu.memory_space<vmem>>) offsets(%dma_start3A_665 : memref<128xi32, #tpu.memory_space<vmem>>) semaphore(%arg7 : memref<!tpu.dma_semaphore, #tpu.memory_space<semaphore_mem>>)
    %dma_start3A_669 = arith.constant 128 : i32
    %dma_start3A_670 = arith.constant 0 : i32
    %dma_start3A_671 = tpu.memref_slice %arg6[%dma_start3A_669, %dma_start3A_670] : memref<512x128xi32, #tpu.memory_space<vmem>> -> memref<128x128xi32, #tpu.memory_space<vmem>>
    %dma_start3A_672 = arith.constant 5248 : i32
    %dma_start3A_673 = tpu.memref_slice %arg5[%dma_start3A_672] : memref<8192xi32, #tpu.memory_space<vmem>> -> memref<128xi32, #tpu.memory_space<vmem>>
    %dma_start3A_674 = arith.constant 0 : i32
    %dma_start3A_675 = arith.constant 0 : i32
    %dma_start3A_676 = tpu.memref_slice %arg3[%dma_start3A_674, %dma_start3A_675] : memref<129x128xi32, #tpu.memory_space<hbm>> -> memref<129x128xi32, #tpu.memory_space<hbm>>
    tpu.enqueue_indirect_dma source(%dma_start3A_676 : memref<129x128xi32, #tpu.memory_space<hbm>>) target(%dma_start3A_671 : memref<128x128xi32, #tpu.memory_space<vmem>>) offsets(%dma_start3A_673 : memref<128xi32, #tpu.memory_space<vmem>>) semaphore(%arg7 : memref<!tpu.dma_semaphore, #tpu.memory_space<semaphore_mem>>)
    %dma_start3A_677 = arith.constant 256 : i32
    %dma_start3A_678 = arith.constant 0 : i32
    %dma_start3A_679 = tpu.memref_slice %arg6[%dma_start3A_677, %dma_start3A_678] : memref<512x128xi32, #tpu.memory_space<vmem>> -> memref<128x128xi32, #tpu.memory_space<vmem>>
    %dma_start3A_680 = arith.constant 5376 : i32
    %dma_start3A_681 = tpu.memref_slice %arg5[%dma_start3A_680] : memref<8192xi32, #tpu.memory_space<vmem>> -> memref<128xi32, #tpu.memory_space<vmem>>
    %dma_start3A_682 = arith.constant 0 : i32
    %dma_start3A_683 = arith.constant 0 : i32
    %dma_start3A_684 = tpu.memref_slice %arg3[%dma_start3A_682, %dma_start3A_683] : memref<129x128xi32, #tpu.memory_space<hbm>> -> memref<129x128xi32, #tpu.memory_space<hbm>>
    tpu.enqueue_indirect_dma source(%dma_start3A_684 : memref<129x128xi32, #tpu.memory_space<hbm>>) target(%dma_start3A_679 : memref<128x128xi32, #tpu.memory_space<vmem>>) offsets(%dma_start3A_681 : memref<128xi32, #tpu.memory_space<vmem>>) semaphore(%arg7 : memref<!tpu.dma_semaphore, #tpu.memory_space<semaphore_mem>>)
    %dma_start3A_685 = arith.constant 384 : i32
    %dma_start3A_686 = arith.constant 0 : i32
    %dma_start3A_687 = tpu.memref_slice %arg6[%dma_start3A_685, %dma_start3A_686] : memref<512x128xi32, #tpu.memory_space<vmem>> -> memref<128x128xi32, #tpu.memory_space<vmem>>
    %dma_start3A_688 = arith.constant 5504 : i32
    %dma_start3A_689 = tpu.memref_slice %arg5[%dma_start3A_688] : memref<8192xi32, #tpu.memory_space<vmem>> -> memref<128xi32, #tpu.memory_space<vmem>>
    %dma_start3A_690 = arith.constant 0 : i32
    %dma_start3A_691 = arith.constant 0 : i32
    %dma_start3A_692 = tpu.memref_slice %arg3[%dma_start3A_690, %dma_start3A_691] : memref<129x128xi32, #tpu.memory_space<hbm>> -> memref<129x128xi32, #tpu.memory_space<hbm>>
    tpu.enqueue_indirect_dma source(%dma_start3A_692 : memref<129x128xi32, #tpu.memory_space<hbm>>) target(%dma_start3A_687 : memref<128x128xi32, #tpu.memory_space<vmem>>) offsets(%dma_start3A_689 : memref<128xi32, #tpu.memory_space<vmem>>) semaphore(%arg7 : memref<!tpu.dma_semaphore, #tpu.memory_space<semaphore_mem>>)
    %dma_wait3A_693 = arith.constant 0 : i32
    %dma_wait3A_694 = arith.constant 0 : i32
    %dma_wait3A_695 = tpu.memref_slice %arg6[%dma_wait3A_693, %dma_wait3A_694] : memref<512x128xi32, #tpu.memory_space<vmem>> -> memref<128x128xi32, #tpu.memory_space<vmem>>
    %dma_wait3A_696 = arith.constant 5120 : i32
    %dma_wait3A_697 = tpu.memref_slice %arg5[%dma_wait3A_696] : memref<8192xi32, #tpu.memory_space<vmem>> -> memref<128xi32, #tpu.memory_space<vmem>>
    %dma_wait3A_698 = arith.constant 0 : i32
    %dma_wait3A_699 = arith.constant 0 : i32
    %dma_wait3A_700 = tpu.memref_slice %arg3[%dma_wait3A_698, %dma_wait3A_699] : memref<129x128xi32, #tpu.memory_space<hbm>> -> memref<129x128xi32, #tpu.memory_space<hbm>>
    tpu.wait_indirect_dma semaphore(%arg7 : memref<!tpu.dma_semaphore, #tpu.memory_space<semaphore_mem>>) src(%dma_wait3A_700 : memref<129x128xi32, #tpu.memory_space<hbm>>) dst(%dma_wait3A_695 : memref<128x128xi32, #tpu.memory_space<vmem>>)
    %dma_wait3A_701 = arith.constant 128 : i32
    %dma_wait3A_702 = arith.constant 0 : i32
    %dma_wait3A_703 = tpu.memref_slice %arg6[%dma_wait3A_701, %dma_wait3A_702] : memref<512x128xi32, #tpu.memory_space<vmem>> -> memref<128x128xi32, #tpu.memory_space<vmem>>
    %dma_wait3A_704 = arith.constant 5248 : i32
    %dma_wait3A_705 = tpu.memref_slice %arg5[%dma_wait3A_704] : memref<8192xi32, #tpu.memory_space<vmem>> -> memref<128xi32, #tpu.memory_space<vmem>>
    %dma_wait3A_706 = arith.constant 0 : i32
    %dma_wait3A_707 = arith.constant 0 : i32
    %dma_wait3A_708 = tpu.memref_slice %arg3[%dma_wait3A_706, %dma_wait3A_707] : memref<129x128xi32, #tpu.memory_space<hbm>> -> memref<129x128xi32, #tpu.memory_space<hbm>>
    tpu.wait_indirect_dma semaphore(%arg7 : memref<!tpu.dma_semaphore, #tpu.memory_space<semaphore_mem>>) src(%dma_wait3A_708 : memref<129x128xi32, #tpu.memory_space<hbm>>) dst(%dma_wait3A_703 : memref<128x128xi32, #tpu.memory_space<vmem>>)
    %dma_wait3A_709 = arith.constant 256 : i32
    %dma_wait3A_710 = arith.constant 0 : i32
    %dma_wait3A_711 = tpu.memref_slice %arg6[%dma_wait3A_709, %dma_wait3A_710] : memref<512x128xi32, #tpu.memory_space<vmem>> -> memref<128x128xi32, #tpu.memory_space<vmem>>
    %dma_wait3A_712 = arith.constant 5376 : i32
    %dma_wait3A_713 = tpu.memref_slice %arg5[%dma_wait3A_712] : memref<8192xi32, #tpu.memory_space<vmem>> -> memref<128xi32, #tpu.memory_space<vmem>>
    %dma_wait3A_714 = arith.constant 0 : i32
    %dma_wait3A_715 = arith.constant 0 : i32
    %dma_wait3A_716 = tpu.memref_slice %arg3[%dma_wait3A_714, %dma_wait3A_715] : memref<129x128xi32, #tpu.memory_space<hbm>> -> memref<129x128xi32, #tpu.memory_space<hbm>>
    tpu.wait_indirect_dma semaphore(%arg7 : memref<!tpu.dma_semaphore, #tpu.memory_space<semaphore_mem>>) src(%dma_wait3A_716 : memref<129x128xi32, #tpu.memory_space<hbm>>) dst(%dma_wait3A_711 : memref<128x128xi32, #tpu.memory_space<vmem>>)
    %dma_wait3A_717 = arith.constant 384 : i32
    %dma_wait3A_718 = arith.constant 0 : i32
    %dma_wait3A_719 = tpu.memref_slice %arg6[%dma_wait3A_717, %dma_wait3A_718] : memref<512x128xi32, #tpu.memory_space<vmem>> -> memref<128x128xi32, #tpu.memory_space<vmem>>
    %dma_wait3A_720 = arith.constant 5504 : i32
    %dma_wait3A_721 = tpu.memref_slice %arg5[%dma_wait3A_720] : memref<8192xi32, #tpu.memory_space<vmem>> -> memref<128xi32, #tpu.memory_space<vmem>>
    %dma_wait3A_722 = arith.constant 0 : i32
    %dma_wait3A_723 = arith.constant 0 : i32
    %dma_wait3A_724 = tpu.memref_slice %arg3[%dma_wait3A_722, %dma_wait3A_723] : memref<129x128xi32, #tpu.memory_space<hbm>> -> memref<129x128xi32, #tpu.memory_space<hbm>>
    tpu.wait_indirect_dma semaphore(%arg7 : memref<!tpu.dma_semaphore, #tpu.memory_space<semaphore_mem>>) src(%dma_wait3A_724 : memref<129x128xi32, #tpu.memory_space<hbm>>) dst(%dma_wait3A_719 : memref<128x128xi32, #tpu.memory_space<vmem>>)
    %add3A_725 = arith.constant 5120 : i32
    %add3A_726 = arith.addi %mul3A_2, %add3A_725 : i32
    "tpu.region"() ({
      %run_scoped3A = tpu.sem_alloc : memref<!tpu.dma_semaphore, #tpu.memory_space<semaphore_mem>>
      %dma_start3A_1057 = arith.constant 0 : i32
      %dma_start3A_1058 = tpu.memref_slice %arg4[%add3A_726, %dma_start3A_1057] : memref<262144x128xi32, #tpu.memory_space<hbm>> -> memref<512x128xi32, #tpu.memory_space<hbm>>
      %dma_start3A_1059 = arith.constant 0 : i32
      %dma_start3A_1060 = tpu.memref_slice %arg4[%add3A_726, %dma_start3A_1059] : memref<262144x128xi32, #tpu.memory_space<hbm>> -> memref<512x128xi32, #tpu.memory_space<hbm>>
      tpu.enqueue_dma source(%arg6 : memref<512x128xi32, #tpu.memory_space<vmem>>) target(%dma_start3A_1060 : memref<512x128xi32, #tpu.memory_space<hbm>>) target_semaphore(%run_scoped3A : memref<!tpu.dma_semaphore, #tpu.memory_space<semaphore_mem>>)
      %dma_wait3A_1061 = arith.constant 0 : i32
      %dma_wait3A_1062 = tpu.memref_slice %arg4[%add3A_726, %dma_wait3A_1061] : memref<262144x128xi32, #tpu.memory_space<hbm>> -> memref<512x128xi32, #tpu.memory_space<hbm>>
      %dma_wait3A_1063 = arith.constant 0 : i32
      %dma_wait3A_1064 = tpu.memref_slice %arg4[%add3A_726, %dma_wait3A_1063] : memref<262144x128xi32, #tpu.memory_space<hbm>> -> memref<512x128xi32, #tpu.memory_space<hbm>>
      tpu.wait_dma2 semaphore(%run_scoped3A : memref<!tpu.dma_semaphore, #tpu.memory_space<semaphore_mem>>) src(%arg6 : memref<512x128xi32, #tpu.memory_space<vmem>>) dst(%dma_wait3A_1064 : memref<512x128xi32, #tpu.memory_space<hbm>>)
      tpu.yield
    }) : () -> ()
    %dma_start3A_727 = arith.constant 0 : i32
    %dma_start3A_728 = arith.constant 0 : i32
    %dma_start3A_729 = tpu.memref_slice %arg6[%dma_start3A_727, %dma_start3A_728] : memref<512x128xi32, #tpu.memory_space<vmem>> -> memref<128x128xi32, #tpu.memory_space<vmem>>
    %dma_start3A_730 = arith.constant 5632 : i32
    %dma_start3A_731 = tpu.memref_slice %arg5[%dma_start3A_730] : memref<8192xi32, #tpu.memory_space<vmem>> -> memref<128xi32, #tpu.memory_space<vmem>>
    %dma_start3A_732 = arith.constant 0 : i32
    %dma_start3A_733 = arith.constant 0 : i32
    %dma_start3A_734 = tpu.memref_slice %arg3[%dma_start3A_732, %dma_start3A_733] : memref<129x128xi32, #tpu.memory_space<hbm>> -> memref<129x128xi32, #tpu.memory_space<hbm>>
    tpu.enqueue_indirect_dma source(%dma_start3A_734 : memref<129x128xi32, #tpu.memory_space<hbm>>) target(%dma_start3A_729 : memref<128x128xi32, #tpu.memory_space<vmem>>) offsets(%dma_start3A_731 : memref<128xi32, #tpu.memory_space<vmem>>) semaphore(%arg7 : memref<!tpu.dma_semaphore, #tpu.memory_space<semaphore_mem>>)
    %dma_start3A_735 = arith.constant 128 : i32
    %dma_start3A_736 = arith.constant 0 : i32
    %dma_start3A_737 = tpu.memref_slice %arg6[%dma_start3A_735, %dma_start3A_736] : memref<512x128xi32, #tpu.memory_space<vmem>> -> memref<128x128xi32, #tpu.memory_space<vmem>>
    %dma_start3A_738 = arith.constant 5760 : i32
    %dma_start3A_739 = tpu.memref_slice %arg5[%dma_start3A_738] : memref<8192xi32, #tpu.memory_space<vmem>> -> memref<128xi32, #tpu.memory_space<vmem>>
    %dma_start3A_740 = arith.constant 0 : i32
    %dma_start3A_741 = arith.constant 0 : i32
    %dma_start3A_742 = tpu.memref_slice %arg3[%dma_start3A_740, %dma_start3A_741] : memref<129x128xi32, #tpu.memory_space<hbm>> -> memref<129x128xi32, #tpu.memory_space<hbm>>
    tpu.enqueue_indirect_dma source(%dma_start3A_742 : memref<129x128xi32, #tpu.memory_space<hbm>>) target(%dma_start3A_737 : memref<128x128xi32, #tpu.memory_space<vmem>>) offsets(%dma_start3A_739 : memref<128xi32, #tpu.memory_space<vmem>>) semaphore(%arg7 : memref<!tpu.dma_semaphore, #tpu.memory_space<semaphore_mem>>)
    %dma_start3A_743 = arith.constant 256 : i32
    %dma_start3A_744 = arith.constant 0 : i32
    %dma_start3A_745 = tpu.memref_slice %arg6[%dma_start3A_743, %dma_start3A_744] : memref<512x128xi32, #tpu.memory_space<vmem>> -> memref<128x128xi32, #tpu.memory_space<vmem>>
    %dma_start3A_746 = arith.constant 5888 : i32
    %dma_start3A_747 = tpu.memref_slice %arg5[%dma_start3A_746] : memref<8192xi32, #tpu.memory_space<vmem>> -> memref<128xi32, #tpu.memory_space<vmem>>
    %dma_start3A_748 = arith.constant 0 : i32
    %dma_start3A_749 = arith.constant 0 : i32
    %dma_start3A_750 = tpu.memref_slice %arg3[%dma_start3A_748, %dma_start3A_749] : memref<129x128xi32, #tpu.memory_space<hbm>> -> memref<129x128xi32, #tpu.memory_space<hbm>>
    tpu.enqueue_indirect_dma source(%dma_start3A_750 : memref<129x128xi32, #tpu.memory_space<hbm>>) target(%dma_start3A_745 : memref<128x128xi32, #tpu.memory_space<vmem>>) offsets(%dma_start3A_747 : memref<128xi32, #tpu.memory_space<vmem>>) semaphore(%arg7 : memref<!tpu.dma_semaphore, #tpu.memory_space<semaphore_mem>>)
    %dma_start3A_751 = arith.constant 384 : i32
    %dma_start3A_752 = arith.constant 0 : i32
    %dma_start3A_753 = tpu.memref_slice %arg6[%dma_start3A_751, %dma_start3A_752] : memref<512x128xi32, #tpu.memory_space<vmem>> -> memref<128x128xi32, #tpu.memory_space<vmem>>
    %dma_start3A_754 = arith.constant 6016 : i32
    %dma_start3A_755 = tpu.memref_slice %arg5[%dma_start3A_754] : memref<8192xi32, #tpu.memory_space<vmem>> -> memref<128xi32, #tpu.memory_space<vmem>>
    %dma_start3A_756 = arith.constant 0 : i32
    %dma_start3A_757 = arith.constant 0 : i32
    %dma_start3A_758 = tpu.memref_slice %arg3[%dma_start3A_756, %dma_start3A_757] : memref<129x128xi32, #tpu.memory_space<hbm>> -> memref<129x128xi32, #tpu.memory_space<hbm>>
    tpu.enqueue_indirect_dma source(%dma_start3A_758 : memref<129x128xi32, #tpu.memory_space<hbm>>) target(%dma_start3A_753 : memref<128x128xi32, #tpu.memory_space<vmem>>) offsets(%dma_start3A_755 : memref<128xi32, #tpu.memory_space<vmem>>) semaphore(%arg7 : memref<!tpu.dma_semaphore, #tpu.memory_space<semaphore_mem>>)
    %dma_wait3A_759 = arith.constant 0 : i32
    %dma_wait3A_760 = arith.constant 0 : i32
    %dma_wait3A_761 = tpu.memref_slice %arg6[%dma_wait3A_759, %dma_wait3A_760] : memref<512x128xi32, #tpu.memory_space<vmem>> -> memref<128x128xi32, #tpu.memory_space<vmem>>
    %dma_wait3A_762 = arith.constant 5632 : i32
    %dma_wait3A_763 = tpu.memref_slice %arg5[%dma_wait3A_762] : memref<8192xi32, #tpu.memory_space<vmem>> -> memref<128xi32, #tpu.memory_space<vmem>>
    %dma_wait3A_764 = arith.constant 0 : i32
    %dma_wait3A_765 = arith.constant 0 : i32
    %dma_wait3A_766 = tpu.memref_slice %arg3[%dma_wait3A_764, %dma_wait3A_765] : memref<129x128xi32, #tpu.memory_space<hbm>> -> memref<129x128xi32, #tpu.memory_space<hbm>>
    tpu.wait_indirect_dma semaphore(%arg7 : memref<!tpu.dma_semaphore, #tpu.memory_space<semaphore_mem>>) src(%dma_wait3A_766 : memref<129x128xi32, #tpu.memory_space<hbm>>) dst(%dma_wait3A_761 : memref<128x128xi32, #tpu.memory_space<vmem>>)
    %dma_wait3A_767 = arith.constant 128 : i32
    %dma_wait3A_768 = arith.constant 0 : i32
    %dma_wait3A_769 = tpu.memref_slice %arg6[%dma_wait3A_767, %dma_wait3A_768] : memref<512x128xi32, #tpu.memory_space<vmem>> -> memref<128x128xi32, #tpu.memory_space<vmem>>
    %dma_wait3A_770 = arith.constant 5760 : i32
    %dma_wait3A_771 = tpu.memref_slice %arg5[%dma_wait3A_770] : memref<8192xi32, #tpu.memory_space<vmem>> -> memref<128xi32, #tpu.memory_space<vmem>>
    %dma_wait3A_772 = arith.constant 0 : i32
    %dma_wait3A_773 = arith.constant 0 : i32
    %dma_wait3A_774 = tpu.memref_slice %arg3[%dma_wait3A_772, %dma_wait3A_773] : memref<129x128xi32, #tpu.memory_space<hbm>> -> memref<129x128xi32, #tpu.memory_space<hbm>>
    tpu.wait_indirect_dma semaphore(%arg7 : memref<!tpu.dma_semaphore, #tpu.memory_space<semaphore_mem>>) src(%dma_wait3A_774 : memref<129x128xi32, #tpu.memory_space<hbm>>) dst(%dma_wait3A_769 : memref<128x128xi32, #tpu.memory_space<vmem>>)
    %dma_wait3A_775 = arith.constant 256 : i32
    %dma_wait3A_776 = arith.constant 0 : i32
    %dma_wait3A_777 = tpu.memref_slice %arg6[%dma_wait3A_775, %dma_wait3A_776] : memref<512x128xi32, #tpu.memory_space<vmem>> -> memref<128x128xi32, #tpu.memory_space<vmem>>
    %dma_wait3A_778 = arith.constant 5888 : i32
    %dma_wait3A_779 = tpu.memref_slice %arg5[%dma_wait3A_778] : memref<8192xi32, #tpu.memory_space<vmem>> -> memref<128xi32, #tpu.memory_space<vmem>>
    %dma_wait3A_780 = arith.constant 0 : i32
    %dma_wait3A_781 = arith.constant 0 : i32
    %dma_wait3A_782 = tpu.memref_slice %arg3[%dma_wait3A_780, %dma_wait3A_781] : memref<129x128xi32, #tpu.memory_space<hbm>> -> memref<129x128xi32, #tpu.memory_space<hbm>>
    tpu.wait_indirect_dma semaphore(%arg7 : memref<!tpu.dma_semaphore, #tpu.memory_space<semaphore_mem>>) src(%dma_wait3A_782 : memref<129x128xi32, #tpu.memory_space<hbm>>) dst(%dma_wait3A_777 : memref<128x128xi32, #tpu.memory_space<vmem>>)
    %dma_wait3A_783 = arith.constant 384 : i32
    %dma_wait3A_784 = arith.constant 0 : i32
    %dma_wait3A_785 = tpu.memref_slice %arg6[%dma_wait3A_783, %dma_wait3A_784] : memref<512x128xi32, #tpu.memory_space<vmem>> -> memref<128x128xi32, #tpu.memory_space<vmem>>
    %dma_wait3A_786 = arith.constant 6016 : i32
    %dma_wait3A_787 = tpu.memref_slice %arg5[%dma_wait3A_786] : memref<8192xi32, #tpu.memory_space<vmem>> -> memref<128xi32, #tpu.memory_space<vmem>>
    %dma_wait3A_788 = arith.constant 0 : i32
    %dma_wait3A_789 = arith.constant 0 : i32
    %dma_wait3A_790 = tpu.memref_slice %arg3[%dma_wait3A_788, %dma_wait3A_789] : memref<129x128xi32, #tpu.memory_space<hbm>> -> memref<129x128xi32, #tpu.memory_space<hbm>>
    tpu.wait_indirect_dma semaphore(%arg7 : memref<!tpu.dma_semaphore, #tpu.memory_space<semaphore_mem>>) src(%dma_wait3A_790 : memref<129x128xi32, #tpu.memory_space<hbm>>) dst(%dma_wait3A_785 : memref<128x128xi32, #tpu.memory_space<vmem>>)
    %add3A_791 = arith.constant 5632 : i32
    %add3A_792 = arith.addi %mul3A_2, %add3A_791 : i32
    "tpu.region"() ({
      %run_scoped3A = tpu.sem_alloc : memref<!tpu.dma_semaphore, #tpu.memory_space<semaphore_mem>>
      %dma_start3A_1057 = arith.constant 0 : i32
      %dma_start3A_1058 = tpu.memref_slice %arg4[%add3A_792, %dma_start3A_1057] : memref<262144x128xi32, #tpu.memory_space<hbm>> -> memref<512x128xi32, #tpu.memory_space<hbm>>
      %dma_start3A_1059 = arith.constant 0 : i32
      %dma_start3A_1060 = tpu.memref_slice %arg4[%add3A_792, %dma_start3A_1059] : memref<262144x128xi32, #tpu.memory_space<hbm>> -> memref<512x128xi32, #tpu.memory_space<hbm>>
      tpu.enqueue_dma source(%arg6 : memref<512x128xi32, #tpu.memory_space<vmem>>) target(%dma_start3A_1060 : memref<512x128xi32, #tpu.memory_space<hbm>>) target_semaphore(%run_scoped3A : memref<!tpu.dma_semaphore, #tpu.memory_space<semaphore_mem>>)
      %dma_wait3A_1061 = arith.constant 0 : i32
      %dma_wait3A_1062 = tpu.memref_slice %arg4[%add3A_792, %dma_wait3A_1061] : memref<262144x128xi32, #tpu.memory_space<hbm>> -> memref<512x128xi32, #tpu.memory_space<hbm>>
      %dma_wait3A_1063 = arith.constant 0 : i32
      %dma_wait3A_1064 = tpu.memref_slice %arg4[%add3A_792, %dma_wait3A_1063] : memref<262144x128xi32, #tpu.memory_space<hbm>> -> memref<512x128xi32, #tpu.memory_space<hbm>>
      tpu.wait_dma2 semaphore(%run_scoped3A : memref<!tpu.dma_semaphore, #tpu.memory_space<semaphore_mem>>) src(%arg6 : memref<512x128xi32, #tpu.memory_space<vmem>>) dst(%dma_wait3A_1064 : memref<512x128xi32, #tpu.memory_space<hbm>>)
      tpu.yield
    }) : () -> ()
    %dma_start3A_793 = arith.constant 0 : i32
    %dma_start3A_794 = arith.constant 0 : i32
    %dma_start3A_795 = tpu.memref_slice %arg6[%dma_start3A_793, %dma_start3A_794] : memref<512x128xi32, #tpu.memory_space<vmem>> -> memref<128x128xi32, #tpu.memory_space<vmem>>
    %dma_start3A_796 = arith.constant 6144 : i32
    %dma_start3A_797 = tpu.memref_slice %arg5[%dma_start3A_796] : memref<8192xi32, #tpu.memory_space<vmem>> -> memref<128xi32, #tpu.memory_space<vmem>>
    %dma_start3A_798 = arith.constant 0 : i32
    %dma_start3A_799 = arith.constant 0 : i32
    %dma_start3A_800 = tpu.memref_slice %arg3[%dma_start3A_798, %dma_start3A_799] : memref<129x128xi32, #tpu.memory_space<hbm>> -> memref<129x128xi32, #tpu.memory_space<hbm>>
    tpu.enqueue_indirect_dma source(%dma_start3A_800 : memref<129x128xi32, #tpu.memory_space<hbm>>) target(%dma_start3A_795 : memref<128x128xi32, #tpu.memory_space<vmem>>) offsets(%dma_start3A_797 : memref<128xi32, #tpu.memory_space<vmem>>) semaphore(%arg7 : memref<!tpu.dma_semaphore, #tpu.memory_space<semaphore_mem>>)
    %dma_start3A_801 = arith.constant 128 : i32
    %dma_start3A_802 = arith.constant 0 : i32
    %dma_start3A_803 = tpu.memref_slice %arg6[%dma_start3A_801, %dma_start3A_802] : memref<512x128xi32, #tpu.memory_space<vmem>> -> memref<128x128xi32, #tpu.memory_space<vmem>>
    %dma_start3A_804 = arith.constant 6272 : i32
    %dma_start3A_805 = tpu.memref_slice %arg5[%dma_start3A_804] : memref<8192xi32, #tpu.memory_space<vmem>> -> memref<128xi32, #tpu.memory_space<vmem>>
    %dma_start3A_806 = arith.constant 0 : i32
    %dma_start3A_807 = arith.constant 0 : i32
    %dma_start3A_808 = tpu.memref_slice %arg3[%dma_start3A_806, %dma_start3A_807] : memref<129x128xi32, #tpu.memory_space<hbm>> -> memref<129x128xi32, #tpu.memory_space<hbm>>
    tpu.enqueue_indirect_dma source(%dma_start3A_808 : memref<129x128xi32, #tpu.memory_space<hbm>>) target(%dma_start3A_803 : memref<128x128xi32, #tpu.memory_space<vmem>>) offsets(%dma_start3A_805 : memref<128xi32, #tpu.memory_space<vmem>>) semaphore(%arg7 : memref<!tpu.dma_semaphore, #tpu.memory_space<semaphore_mem>>)
    %dma_start3A_809 = arith.constant 256 : i32
    %dma_start3A_810 = arith.constant 0 : i32
    %dma_start3A_811 = tpu.memref_slice %arg6[%dma_start3A_809, %dma_start3A_810] : memref<512x128xi32, #tpu.memory_space<vmem>> -> memref<128x128xi32, #tpu.memory_space<vmem>>
    %dma_start3A_812 = arith.constant 6400 : i32
    %dma_start3A_813 = tpu.memref_slice %arg5[%dma_start3A_812] : memref<8192xi32, #tpu.memory_space<vmem>> -> memref<128xi32, #tpu.memory_space<vmem>>
    %dma_start3A_814 = arith.constant 0 : i32
    %dma_start3A_815 = arith.constant 0 : i32
    %dma_start3A_816 = tpu.memref_slice %arg3[%dma_start3A_814, %dma_start3A_815] : memref<129x128xi32, #tpu.memory_space<hbm>> -> memref<129x128xi32, #tpu.memory_space<hbm>>
    tpu.enqueue_indirect_dma source(%dma_start3A_816 : memref<129x128xi32, #tpu.memory_space<hbm>>) target(%dma_start3A_811 : memref<128x128xi32, #tpu.memory_space<vmem>>) offsets(%dma_start3A_813 : memref<128xi32, #tpu.memory_space<vmem>>) semaphore(%arg7 : memref<!tpu.dma_semaphore, #tpu.memory_space<semaphore_mem>>)
    %dma_start3A_817 = arith.constant 384 : i32
    %dma_start3A_818 = arith.constant 0 : i32
    %dma_start3A_819 = tpu.memref_slice %arg6[%dma_start3A_817, %dma_start3A_818] : memref<512x128xi32, #tpu.memory_space<vmem>> -> memref<128x128xi32, #tpu.memory_space<vmem>>
    %dma_start3A_820 = arith.constant 6528 : i32
    %dma_start3A_821 = tpu.memref_slice %arg5[%dma_start3A_820] : memref<8192xi32, #tpu.memory_space<vmem>> -> memref<128xi32, #tpu.memory_space<vmem>>
    %dma_start3A_822 = arith.constant 0 : i32
    %dma_start3A_823 = arith.constant 0 : i32
    %dma_start3A_824 = tpu.memref_slice %arg3[%dma_start3A_822, %dma_start3A_823] : memref<129x128xi32, #tpu.memory_space<hbm>> -> memref<129x128xi32, #tpu.memory_space<hbm>>
    tpu.enqueue_indirect_dma source(%dma_start3A_824 : memref<129x128xi32, #tpu.memory_space<hbm>>) target(%dma_start3A_819 : memref<128x128xi32, #tpu.memory_space<vmem>>) offsets(%dma_start3A_821 : memref<128xi32, #tpu.memory_space<vmem>>) semaphore(%arg7 : memref<!tpu.dma_semaphore, #tpu.memory_space<semaphore_mem>>)
    %dma_wait3A_825 = arith.constant 0 : i32
    %dma_wait3A_826 = arith.constant 0 : i32
    %dma_wait3A_827 = tpu.memref_slice %arg6[%dma_wait3A_825, %dma_wait3A_826] : memref<512x128xi32, #tpu.memory_space<vmem>> -> memref<128x128xi32, #tpu.memory_space<vmem>>
    %dma_wait3A_828 = arith.constant 6144 : i32
    %dma_wait3A_829 = tpu.memref_slice %arg5[%dma_wait3A_828] : memref<8192xi32, #tpu.memory_space<vmem>> -> memref<128xi32, #tpu.memory_space<vmem>>
    %dma_wait3A_830 = arith.constant 0 : i32
    %dma_wait3A_831 = arith.constant 0 : i32
    %dma_wait3A_832 = tpu.memref_slice %arg3[%dma_wait3A_830, %dma_wait3A_831] : memref<129x128xi32, #tpu.memory_space<hbm>> -> memref<129x128xi32, #tpu.memory_space<hbm>>
    tpu.wait_indirect_dma semaphore(%arg7 : memref<!tpu.dma_semaphore, #tpu.memory_space<semaphore_mem>>) src(%dma_wait3A_832 : memref<129x128xi32, #tpu.memory_space<hbm>>) dst(%dma_wait3A_827 : memref<128x128xi32, #tpu.memory_space<vmem>>)
    %dma_wait3A_833 = arith.constant 128 : i32
    %dma_wait3A_834 = arith.constant 0 : i32
    %dma_wait3A_835 = tpu.memref_slice %arg6[%dma_wait3A_833, %dma_wait3A_834] : memref<512x128xi32, #tpu.memory_space<vmem>> -> memref<128x128xi32, #tpu.memory_space<vmem>>
    %dma_wait3A_836 = arith.constant 6272 : i32
    %dma_wait3A_837 = tpu.memref_slice %arg5[%dma_wait3A_836] : memref<8192xi32, #tpu.memory_space<vmem>> -> memref<128xi32, #tpu.memory_space<vmem>>
    %dma_wait3A_838 = arith.constant 0 : i32
    %dma_wait3A_839 = arith.constant 0 : i32
    %dma_wait3A_840 = tpu.memref_slice %arg3[%dma_wait3A_838, %dma_wait3A_839] : memref<129x128xi32, #tpu.memory_space<hbm>> -> memref<129x128xi32, #tpu.memory_space<hbm>>
    tpu.wait_indirect_dma semaphore(%arg7 : memref<!tpu.dma_semaphore, #tpu.memory_space<semaphore_mem>>) src(%dma_wait3A_840 : memref<129x128xi32, #tpu.memory_space<hbm>>) dst(%dma_wait3A_835 : memref<128x128xi32, #tpu.memory_space<vmem>>)
    %dma_wait3A_841 = arith.constant 256 : i32
    %dma_wait3A_842 = arith.constant 0 : i32
    %dma_wait3A_843 = tpu.memref_slice %arg6[%dma_wait3A_841, %dma_wait3A_842] : memref<512x128xi32, #tpu.memory_space<vmem>> -> memref<128x128xi32, #tpu.memory_space<vmem>>
    %dma_wait3A_844 = arith.constant 6400 : i32
    %dma_wait3A_845 = tpu.memref_slice %arg5[%dma_wait3A_844] : memref<8192xi32, #tpu.memory_space<vmem>> -> memref<128xi32, #tpu.memory_space<vmem>>
    %dma_wait3A_846 = arith.constant 0 : i32
    %dma_wait3A_847 = arith.constant 0 : i32
    %dma_wait3A_848 = tpu.memref_slice %arg3[%dma_wait3A_846, %dma_wait3A_847] : memref<129x128xi32, #tpu.memory_space<hbm>> -> memref<129x128xi32, #tpu.memory_space<hbm>>
    tpu.wait_indirect_dma semaphore(%arg7 : memref<!tpu.dma_semaphore, #tpu.memory_space<semaphore_mem>>) src(%dma_wait3A_848 : memref<129x128xi32, #tpu.memory_space<hbm>>) dst(%dma_wait3A_843 : memref<128x128xi32, #tpu.memory_space<vmem>>)
    %dma_wait3A_849 = arith.constant 384 : i32
    %dma_wait3A_850 = arith.constant 0 : i32
    %dma_wait3A_851 = tpu.memref_slice %arg6[%dma_wait3A_849, %dma_wait3A_850] : memref<512x128xi32, #tpu.memory_space<vmem>> -> memref<128x128xi32, #tpu.memory_space<vmem>>
    %dma_wait3A_852 = arith.constant 6528 : i32
    %dma_wait3A_853 = tpu.memref_slice %arg5[%dma_wait3A_852] : memref<8192xi32, #tpu.memory_space<vmem>> -> memref<128xi32, #tpu.memory_space<vmem>>
    %dma_wait3A_854 = arith.constant 0 : i32
    %dma_wait3A_855 = arith.constant 0 : i32
    %dma_wait3A_856 = tpu.memref_slice %arg3[%dma_wait3A_854, %dma_wait3A_855] : memref<129x128xi32, #tpu.memory_space<hbm>> -> memref<129x128xi32, #tpu.memory_space<hbm>>
    tpu.wait_indirect_dma semaphore(%arg7 : memref<!tpu.dma_semaphore, #tpu.memory_space<semaphore_mem>>) src(%dma_wait3A_856 : memref<129x128xi32, #tpu.memory_space<hbm>>) dst(%dma_wait3A_851 : memref<128x128xi32, #tpu.memory_space<vmem>>)
    %add3A_857 = arith.constant 6144 : i32
    %add3A_858 = arith.addi %mul3A_2, %add3A_857 : i32
    "tpu.region"() ({
      %run_scoped3A = tpu.sem_alloc : memref<!tpu.dma_semaphore, #tpu.memory_space<semaphore_mem>>
      %dma_start3A_1057 = arith.constant 0 : i32
      %dma_start3A_1058 = tpu.memref_slice %arg4[%add3A_858, %dma_start3A_1057] : memref<262144x128xi32, #tpu.memory_space<hbm>> -> memref<512x128xi32, #tpu.memory_space<hbm>>
      %dma_start3A_1059 = arith.constant 0 : i32
      %dma_start3A_1060 = tpu.memref_slice %arg4[%add3A_858, %dma_start3A_1059] : memref<262144x128xi32, #tpu.memory_space<hbm>> -> memref<512x128xi32, #tpu.memory_space<hbm>>
      tpu.enqueue_dma source(%arg6 : memref<512x128xi32, #tpu.memory_space<vmem>>) target(%dma_start3A_1060 : memref<512x128xi32, #tpu.memory_space<hbm>>) target_semaphore(%run_scoped3A : memref<!tpu.dma_semaphore, #tpu.memory_space<semaphore_mem>>)
      %dma_wait3A_1061 = arith.constant 0 : i32
      %dma_wait3A_1062 = tpu.memref_slice %arg4[%add3A_858, %dma_wait3A_1061] : memref<262144x128xi32, #tpu.memory_space<hbm>> -> memref<512x128xi32, #tpu.memory_space<hbm>>
      %dma_wait3A_1063 = arith.constant 0 : i32
      %dma_wait3A_1064 = tpu.memref_slice %arg4[%add3A_858, %dma_wait3A_1063] : memref<262144x128xi32, #tpu.memory_space<hbm>> -> memref<512x128xi32, #tpu.memory_space<hbm>>
      tpu.wait_dma2 semaphore(%run_scoped3A : memref<!tpu.dma_semaphore, #tpu.memory_space<semaphore_mem>>) src(%arg6 : memref<512x128xi32, #tpu.memory_space<vmem>>) dst(%dma_wait3A_1064 : memref<512x128xi32, #tpu.memory_space<hbm>>)
      tpu.yield
    }) : () -> ()
    %dma_start3A_859 = arith.constant 0 : i32
    %dma_start3A_860 = arith.constant 0 : i32
    %dma_start3A_861 = tpu.memref_slice %arg6[%dma_start3A_859, %dma_start3A_860] : memref<512x128xi32, #tpu.memory_space<vmem>> -> memref<128x128xi32, #tpu.memory_space<vmem>>
    %dma_start3A_862 = arith.constant 6656 : i32
    %dma_start3A_863 = tpu.memref_slice %arg5[%dma_start3A_862] : memref<8192xi32, #tpu.memory_space<vmem>> -> memref<128xi32, #tpu.memory_space<vmem>>
    %dma_start3A_864 = arith.constant 0 : i32
    %dma_start3A_865 = arith.constant 0 : i32
    %dma_start3A_866 = tpu.memref_slice %arg3[%dma_start3A_864, %dma_start3A_865] : memref<129x128xi32, #tpu.memory_space<hbm>> -> memref<129x128xi32, #tpu.memory_space<hbm>>
    tpu.enqueue_indirect_dma source(%dma_start3A_866 : memref<129x128xi32, #tpu.memory_space<hbm>>) target(%dma_start3A_861 : memref<128x128xi32, #tpu.memory_space<vmem>>) offsets(%dma_start3A_863 : memref<128xi32, #tpu.memory_space<vmem>>) semaphore(%arg7 : memref<!tpu.dma_semaphore, #tpu.memory_space<semaphore_mem>>)
    %dma_start3A_867 = arith.constant 128 : i32
    %dma_start3A_868 = arith.constant 0 : i32
    %dma_start3A_869 = tpu.memref_slice %arg6[%dma_start3A_867, %dma_start3A_868] : memref<512x128xi32, #tpu.memory_space<vmem>> -> memref<128x128xi32, #tpu.memory_space<vmem>>
    %dma_start3A_870 = arith.constant 6784 : i32
    %dma_start3A_871 = tpu.memref_slice %arg5[%dma_start3A_870] : memref<8192xi32, #tpu.memory_space<vmem>> -> memref<128xi32, #tpu.memory_space<vmem>>
    %dma_start3A_872 = arith.constant 0 : i32
    %dma_start3A_873 = arith.constant 0 : i32
    %dma_start3A_874 = tpu.memref_slice %arg3[%dma_start3A_872, %dma_start3A_873] : memref<129x128xi32, #tpu.memory_space<hbm>> -> memref<129x128xi32, #tpu.memory_space<hbm>>
    tpu.enqueue_indirect_dma source(%dma_start3A_874 : memref<129x128xi32, #tpu.memory_space<hbm>>) target(%dma_start3A_869 : memref<128x128xi32, #tpu.memory_space<vmem>>) offsets(%dma_start3A_871 : memref<128xi32, #tpu.memory_space<vmem>>) semaphore(%arg7 : memref<!tpu.dma_semaphore, #tpu.memory_space<semaphore_mem>>)
    %dma_start3A_875 = arith.constant 256 : i32
    %dma_start3A_876 = arith.constant 0 : i32
    %dma_start3A_877 = tpu.memref_slice %arg6[%dma_start3A_875, %dma_start3A_876] : memref<512x128xi32, #tpu.memory_space<vmem>> -> memref<128x128xi32, #tpu.memory_space<vmem>>
    %dma_start3A_878 = arith.constant 6912 : i32
    %dma_start3A_879 = tpu.memref_slice %arg5[%dma_start3A_878] : memref<8192xi32, #tpu.memory_space<vmem>> -> memref<128xi32, #tpu.memory_space<vmem>>
    %dma_start3A_880 = arith.constant 0 : i32
    %dma_start3A_881 = arith.constant 0 : i32
    %dma_start3A_882 = tpu.memref_slice %arg3[%dma_start3A_880, %dma_start3A_881] : memref<129x128xi32, #tpu.memory_space<hbm>> -> memref<129x128xi32, #tpu.memory_space<hbm>>
    tpu.enqueue_indirect_dma source(%dma_start3A_882 : memref<129x128xi32, #tpu.memory_space<hbm>>) target(%dma_start3A_877 : memref<128x128xi32, #tpu.memory_space<vmem>>) offsets(%dma_start3A_879 : memref<128xi32, #tpu.memory_space<vmem>>) semaphore(%arg7 : memref<!tpu.dma_semaphore, #tpu.memory_space<semaphore_mem>>)
    %dma_start3A_883 = arith.constant 384 : i32
    %dma_start3A_884 = arith.constant 0 : i32
    %dma_start3A_885 = tpu.memref_slice %arg6[%dma_start3A_883, %dma_start3A_884] : memref<512x128xi32, #tpu.memory_space<vmem>> -> memref<128x128xi32, #tpu.memory_space<vmem>>
    %dma_start3A_886 = arith.constant 7040 : i32
    %dma_start3A_887 = tpu.memref_slice %arg5[%dma_start3A_886] : memref<8192xi32, #tpu.memory_space<vmem>> -> memref<128xi32, #tpu.memory_space<vmem>>
    %dma_start3A_888 = arith.constant 0 : i32
    %dma_start3A_889 = arith.constant 0 : i32
    %dma_start3A_890 = tpu.memref_slice %arg3[%dma_start3A_888, %dma_start3A_889] : memref<129x128xi32, #tpu.memory_space<hbm>> -> memref<129x128xi32, #tpu.memory_space<hbm>>
    tpu.enqueue_indirect_dma source(%dma_start3A_890 : memref<129x128xi32, #tpu.memory_space<hbm>>) target(%dma_start3A_885 : memref<128x128xi32, #tpu.memory_space<vmem>>) offsets(%dma_start3A_887 : memref<128xi32, #tpu.memory_space<vmem>>) semaphore(%arg7 : memref<!tpu.dma_semaphore, #tpu.memory_space<semaphore_mem>>)
    %dma_wait3A_891 = arith.constant 0 : i32
    %dma_wait3A_892 = arith.constant 0 : i32
    %dma_wait3A_893 = tpu.memref_slice %arg6[%dma_wait3A_891, %dma_wait3A_892] : memref<512x128xi32, #tpu.memory_space<vmem>> -> memref<128x128xi32, #tpu.memory_space<vmem>>
    %dma_wait3A_894 = arith.constant 6656 : i32
    %dma_wait3A_895 = tpu.memref_slice %arg5[%dma_wait3A_894] : memref<8192xi32, #tpu.memory_space<vmem>> -> memref<128xi32, #tpu.memory_space<vmem>>
    %dma_wait3A_896 = arith.constant 0 : i32
    %dma_wait3A_897 = arith.constant 0 : i32
    %dma_wait3A_898 = tpu.memref_slice %arg3[%dma_wait3A_896, %dma_wait3A_897] : memref<129x128xi32, #tpu.memory_space<hbm>> -> memref<129x128xi32, #tpu.memory_space<hbm>>
    tpu.wait_indirect_dma semaphore(%arg7 : memref<!tpu.dma_semaphore, #tpu.memory_space<semaphore_mem>>) src(%dma_wait3A_898 : memref<129x128xi32, #tpu.memory_space<hbm>>) dst(%dma_wait3A_893 : memref<128x128xi32, #tpu.memory_space<vmem>>)
    %dma_wait3A_899 = arith.constant 128 : i32
    %dma_wait3A_900 = arith.constant 0 : i32
    %dma_wait3A_901 = tpu.memref_slice %arg6[%dma_wait3A_899, %dma_wait3A_900] : memref<512x128xi32, #tpu.memory_space<vmem>> -> memref<128x128xi32, #tpu.memory_space<vmem>>
    %dma_wait3A_902 = arith.constant 6784 : i32
    %dma_wait3A_903 = tpu.memref_slice %arg5[%dma_wait3A_902] : memref<8192xi32, #tpu.memory_space<vmem>> -> memref<128xi32, #tpu.memory_space<vmem>>
    %dma_wait3A_904 = arith.constant 0 : i32
    %dma_wait3A_905 = arith.constant 0 : i32
    %dma_wait3A_906 = tpu.memref_slice %arg3[%dma_wait3A_904, %dma_wait3A_905] : memref<129x128xi32, #tpu.memory_space<hbm>> -> memref<129x128xi32, #tpu.memory_space<hbm>>
    tpu.wait_indirect_dma semaphore(%arg7 : memref<!tpu.dma_semaphore, #tpu.memory_space<semaphore_mem>>) src(%dma_wait3A_906 : memref<129x128xi32, #tpu.memory_space<hbm>>) dst(%dma_wait3A_901 : memref<128x128xi32, #tpu.memory_space<vmem>>)
    %dma_wait3A_907 = arith.constant 256 : i32
    %dma_wait3A_908 = arith.constant 0 : i32
    %dma_wait3A_909 = tpu.memref_slice %arg6[%dma_wait3A_907, %dma_wait3A_908] : memref<512x128xi32, #tpu.memory_space<vmem>> -> memref<128x128xi32, #tpu.memory_space<vmem>>
    %dma_wait3A_910 = arith.constant 6912 : i32
    %dma_wait3A_911 = tpu.memref_slice %arg5[%dma_wait3A_910] : memref<8192xi32, #tpu.memory_space<vmem>> -> memref<128xi32, #tpu.memory_space<vmem>>
    %dma_wait3A_912 = arith.constant 0 : i32
    %dma_wait3A_913 = arith.constant 0 : i32
    %dma_wait3A_914 = tpu.memref_slice %arg3[%dma_wait3A_912, %dma_wait3A_913] : memref<129x128xi32, #tpu.memory_space<hbm>> -> memref<129x128xi32, #tpu.memory_space<hbm>>
    tpu.wait_indirect_dma semaphore(%arg7 : memref<!tpu.dma_semaphore, #tpu.memory_space<semaphore_mem>>) src(%dma_wait3A_914 : memref<129x128xi32, #tpu.memory_space<hbm>>) dst(%dma_wait3A_909 : memref<128x128xi32, #tpu.memory_space<vmem>>)
    %dma_wait3A_915 = arith.constant 384 : i32
    %dma_wait3A_916 = arith.constant 0 : i32
    %dma_wait3A_917 = tpu.memref_slice %arg6[%dma_wait3A_915, %dma_wait3A_916] : memref<512x128xi32, #tpu.memory_space<vmem>> -> memref<128x128xi32, #tpu.memory_space<vmem>>
    %dma_wait3A_918 = arith.constant 7040 : i32
    %dma_wait3A_919 = tpu.memref_slice %arg5[%dma_wait3A_918] : memref<8192xi32, #tpu.memory_space<vmem>> -> memref<128xi32, #tpu.memory_space<vmem>>
    %dma_wait3A_920 = arith.constant 0 : i32
    %dma_wait3A_921 = arith.constant 0 : i32
    %dma_wait3A_922 = tpu.memref_slice %arg3[%dma_wait3A_920, %dma_wait3A_921] : memref<129x128xi32, #tpu.memory_space<hbm>> -> memref<129x128xi32, #tpu.memory_space<hbm>>
    tpu.wait_indirect_dma semaphore(%arg7 : memref<!tpu.dma_semaphore, #tpu.memory_space<semaphore_mem>>) src(%dma_wait3A_922 : memref<129x128xi32, #tpu.memory_space<hbm>>) dst(%dma_wait3A_917 : memref<128x128xi32, #tpu.memory_space<vmem>>)
    %add3A_923 = arith.constant 6656 : i32
    %add3A_924 = arith.addi %mul3A_2, %add3A_923 : i32
    "tpu.region"() ({
      %run_scoped3A = tpu.sem_alloc : memref<!tpu.dma_semaphore, #tpu.memory_space<semaphore_mem>>
      %dma_start3A_1057 = arith.constant 0 : i32
      %dma_start3A_1058 = tpu.memref_slice %arg4[%add3A_924, %dma_start3A_1057] : memref<262144x128xi32, #tpu.memory_space<hbm>> -> memref<512x128xi32, #tpu.memory_space<hbm>>
      %dma_start3A_1059 = arith.constant 0 : i32
      %dma_start3A_1060 = tpu.memref_slice %arg4[%add3A_924, %dma_start3A_1059] : memref<262144x128xi32, #tpu.memory_space<hbm>> -> memref<512x128xi32, #tpu.memory_space<hbm>>
      tpu.enqueue_dma source(%arg6 : memref<512x128xi32, #tpu.memory_space<vmem>>) target(%dma_start3A_1060 : memref<512x128xi32, #tpu.memory_space<hbm>>) target_semaphore(%run_scoped3A : memref<!tpu.dma_semaphore, #tpu.memory_space<semaphore_mem>>)
      %dma_wait3A_1061 = arith.constant 0 : i32
      %dma_wait3A_1062 = tpu.memref_slice %arg4[%add3A_924, %dma_wait3A_1061] : memref<262144x128xi32, #tpu.memory_space<hbm>> -> memref<512x128xi32, #tpu.memory_space<hbm>>
      %dma_wait3A_1063 = arith.constant 0 : i32
      %dma_wait3A_1064 = tpu.memref_slice %arg4[%add3A_924, %dma_wait3A_1063] : memref<262144x128xi32, #tpu.memory_space<hbm>> -> memref<512x128xi32, #tpu.memory_space<hbm>>
      tpu.wait_dma2 semaphore(%run_scoped3A : memref<!tpu.dma_semaphore, #tpu.memory_space<semaphore_mem>>) src(%arg6 : memref<512x128xi32, #tpu.memory_space<vmem>>) dst(%dma_wait3A_1064 : memref<512x128xi32, #tpu.memory_space<hbm>>)
      tpu.yield
    }) : () -> ()
    %dma_start3A_925 = arith.constant 0 : i32
    %dma_start3A_926 = arith.constant 0 : i32
    %dma_start3A_927 = tpu.memref_slice %arg6[%dma_start3A_925, %dma_start3A_926] : memref<512x128xi32, #tpu.memory_space<vmem>> -> memref<128x128xi32, #tpu.memory_space<vmem>>
    %dma_start3A_928 = arith.constant 7168 : i32
    %dma_start3A_929 = tpu.memref_slice %arg5[%dma_start3A_928] : memref<8192xi32, #tpu.memory_space<vmem>> -> memref<128xi32, #tpu.memory_space<vmem>>
    %dma_start3A_930 = arith.constant 0 : i32
    %dma_start3A_931 = arith.constant 0 : i32
    %dma_start3A_932 = tpu.memref_slice %arg3[%dma_start3A_930, %dma_start3A_931] : memref<129x128xi32, #tpu.memory_space<hbm>> -> memref<129x128xi32, #tpu.memory_space<hbm>>
    tpu.enqueue_indirect_dma source(%dma_start3A_932 : memref<129x128xi32, #tpu.memory_space<hbm>>) target(%dma_start3A_927 : memref<128x128xi32, #tpu.memory_space<vmem>>) offsets(%dma_start3A_929 : memref<128xi32, #tpu.memory_space<vmem>>) semaphore(%arg7 : memref<!tpu.dma_semaphore, #tpu.memory_space<semaphore_mem>>)
    %dma_start3A_933 = arith.constant 128 : i32
    %dma_start3A_934 = arith.constant 0 : i32
    %dma_start3A_935 = tpu.memref_slice %arg6[%dma_start3A_933, %dma_start3A_934] : memref<512x128xi32, #tpu.memory_space<vmem>> -> memref<128x128xi32, #tpu.memory_space<vmem>>
    %dma_start3A_936 = arith.constant 7296 : i32
    %dma_start3A_937 = tpu.memref_slice %arg5[%dma_start3A_936] : memref<8192xi32, #tpu.memory_space<vmem>> -> memref<128xi32, #tpu.memory_space<vmem>>
    %dma_start3A_938 = arith.constant 0 : i32
    %dma_start3A_939 = arith.constant 0 : i32
    %dma_start3A_940 = tpu.memref_slice %arg3[%dma_start3A_938, %dma_start3A_939] : memref<129x128xi32, #tpu.memory_space<hbm>> -> memref<129x128xi32, #tpu.memory_space<hbm>>
    tpu.enqueue_indirect_dma source(%dma_start3A_940 : memref<129x128xi32, #tpu.memory_space<hbm>>) target(%dma_start3A_935 : memref<128x128xi32, #tpu.memory_space<vmem>>) offsets(%dma_start3A_937 : memref<128xi32, #tpu.memory_space<vmem>>) semaphore(%arg7 : memref<!tpu.dma_semaphore, #tpu.memory_space<semaphore_mem>>)
    %dma_start3A_941 = arith.constant 256 : i32
    %dma_start3A_942 = arith.constant 0 : i32
    %dma_start3A_943 = tpu.memref_slice %arg6[%dma_start3A_941, %dma_start3A_942] : memref<512x128xi32, #tpu.memory_space<vmem>> -> memref<128x128xi32, #tpu.memory_space<vmem>>
    %dma_start3A_944 = arith.constant 7424 : i32
    %dma_start3A_945 = tpu.memref_slice %arg5[%dma_start3A_944] : memref<8192xi32, #tpu.memory_space<vmem>> -> memref<128xi32, #tpu.memory_space<vmem>>
    %dma_start3A_946 = arith.constant 0 : i32
    %dma_start3A_947 = arith.constant 0 : i32
    %dma_start3A_948 = tpu.memref_slice %arg3[%dma_start3A_946, %dma_start3A_947] : memref<129x128xi32, #tpu.memory_space<hbm>> -> memref<129x128xi32, #tpu.memory_space<hbm>>
    tpu.enqueue_indirect_dma source(%dma_start3A_948 : memref<129x128xi32, #tpu.memory_space<hbm>>) target(%dma_start3A_943 : memref<128x128xi32, #tpu.memory_space<vmem>>) offsets(%dma_start3A_945 : memref<128xi32, #tpu.memory_space<vmem>>) semaphore(%arg7 : memref<!tpu.dma_semaphore, #tpu.memory_space<semaphore_mem>>)
    %dma_start3A_949 = arith.constant 384 : i32
    %dma_start3A_950 = arith.constant 0 : i32
    %dma_start3A_951 = tpu.memref_slice %arg6[%dma_start3A_949, %dma_start3A_950] : memref<512x128xi32, #tpu.memory_space<vmem>> -> memref<128x128xi32, #tpu.memory_space<vmem>>
    %dma_start3A_952 = arith.constant 7552 : i32
    %dma_start3A_953 = tpu.memref_slice %arg5[%dma_start3A_952] : memref<8192xi32, #tpu.memory_space<vmem>> -> memref<128xi32, #tpu.memory_space<vmem>>
    %dma_start3A_954 = arith.constant 0 : i32
    %dma_start3A_955 = arith.constant 0 : i32
    %dma_start3A_956 = tpu.memref_slice %arg3[%dma_start3A_954, %dma_start3A_955] : memref<129x128xi32, #tpu.memory_space<hbm>> -> memref<129x128xi32, #tpu.memory_space<hbm>>
    tpu.enqueue_indirect_dma source(%dma_start3A_956 : memref<129x128xi32, #tpu.memory_space<hbm>>) target(%dma_start3A_951 : memref<128x128xi32, #tpu.memory_space<vmem>>) offsets(%dma_start3A_953 : memref<128xi32, #tpu.memory_space<vmem>>) semaphore(%arg7 : memref<!tpu.dma_semaphore, #tpu.memory_space<semaphore_mem>>)
    %dma_wait3A_957 = arith.constant 0 : i32
    %dma_wait3A_958 = arith.constant 0 : i32
    %dma_wait3A_959 = tpu.memref_slice %arg6[%dma_wait3A_957, %dma_wait3A_958] : memref<512x128xi32, #tpu.memory_space<vmem>> -> memref<128x128xi32, #tpu.memory_space<vmem>>
    %dma_wait3A_960 = arith.constant 7168 : i32
    %dma_wait3A_961 = tpu.memref_slice %arg5[%dma_wait3A_960] : memref<8192xi32, #tpu.memory_space<vmem>> -> memref<128xi32, #tpu.memory_space<vmem>>
    %dma_wait3A_962 = arith.constant 0 : i32
    %dma_wait3A_963 = arith.constant 0 : i32
    %dma_wait3A_964 = tpu.memref_slice %arg3[%dma_wait3A_962, %dma_wait3A_963] : memref<129x128xi32, #tpu.memory_space<hbm>> -> memref<129x128xi32, #tpu.memory_space<hbm>>
    tpu.wait_indirect_dma semaphore(%arg7 : memref<!tpu.dma_semaphore, #tpu.memory_space<semaphore_mem>>) src(%dma_wait3A_964 : memref<129x128xi32, #tpu.memory_space<hbm>>) dst(%dma_wait3A_959 : memref<128x128xi32, #tpu.memory_space<vmem>>)
    %dma_wait3A_965 = arith.constant 128 : i32
    %dma_wait3A_966 = arith.constant 0 : i32
    %dma_wait3A_967 = tpu.memref_slice %arg6[%dma_wait3A_965, %dma_wait3A_966] : memref<512x128xi32, #tpu.memory_space<vmem>> -> memref<128x128xi32, #tpu.memory_space<vmem>>
    %dma_wait3A_968 = arith.constant 7296 : i32
    %dma_wait3A_969 = tpu.memref_slice %arg5[%dma_wait3A_968] : memref<8192xi32, #tpu.memory_space<vmem>> -> memref<128xi32, #tpu.memory_space<vmem>>
    %dma_wait3A_970 = arith.constant 0 : i32
    %dma_wait3A_971 = arith.constant 0 : i32
    %dma_wait3A_972 = tpu.memref_slice %arg3[%dma_wait3A_970, %dma_wait3A_971] : memref<129x128xi32, #tpu.memory_space<hbm>> -> memref<129x128xi32, #tpu.memory_space<hbm>>
    tpu.wait_indirect_dma semaphore(%arg7 : memref<!tpu.dma_semaphore, #tpu.memory_space<semaphore_mem>>) src(%dma_wait3A_972 : memref<129x128xi32, #tpu.memory_space<hbm>>) dst(%dma_wait3A_967 : memref<128x128xi32, #tpu.memory_space<vmem>>)
    %dma_wait3A_973 = arith.constant 256 : i32
    %dma_wait3A_974 = arith.constant 0 : i32
    %dma_wait3A_975 = tpu.memref_slice %arg6[%dma_wait3A_973, %dma_wait3A_974] : memref<512x128xi32, #tpu.memory_space<vmem>> -> memref<128x128xi32, #tpu.memory_space<vmem>>
    %dma_wait3A_976 = arith.constant 7424 : i32
    %dma_wait3A_977 = tpu.memref_slice %arg5[%dma_wait3A_976] : memref<8192xi32, #tpu.memory_space<vmem>> -> memref<128xi32, #tpu.memory_space<vmem>>
    %dma_wait3A_978 = arith.constant 0 : i32
    %dma_wait3A_979 = arith.constant 0 : i32
    %dma_wait3A_980 = tpu.memref_slice %arg3[%dma_wait3A_978, %dma_wait3A_979] : memref<129x128xi32, #tpu.memory_space<hbm>> -> memref<129x128xi32, #tpu.memory_space<hbm>>
    tpu.wait_indirect_dma semaphore(%arg7 : memref<!tpu.dma_semaphore, #tpu.memory_space<semaphore_mem>>) src(%dma_wait3A_980 : memref<129x128xi32, #tpu.memory_space<hbm>>) dst(%dma_wait3A_975 : memref<128x128xi32, #tpu.memory_space<vmem>>)
    %dma_wait3A_981 = arith.constant 384 : i32
    %dma_wait3A_982 = arith.constant 0 : i32
    %dma_wait3A_983 = tpu.memref_slice %arg6[%dma_wait3A_981, %dma_wait3A_982] : memref<512x128xi32, #tpu.memory_space<vmem>> -> memref<128x128xi32, #tpu.memory_space<vmem>>
    %dma_wait3A_984 = arith.constant 7552 : i32
    %dma_wait3A_985 = tpu.memref_slice %arg5[%dma_wait3A_984] : memref<8192xi32, #tpu.memory_space<vmem>> -> memref<128xi32, #tpu.memory_space<vmem>>
    %dma_wait3A_986 = arith.constant 0 : i32
    %dma_wait3A_987 = arith.constant 0 : i32
    %dma_wait3A_988 = tpu.memref_slice %arg3[%dma_wait3A_986, %dma_wait3A_987] : memref<129x128xi32, #tpu.memory_space<hbm>> -> memref<129x128xi32, #tpu.memory_space<hbm>>
    tpu.wait_indirect_dma semaphore(%arg7 : memref<!tpu.dma_semaphore, #tpu.memory_space<semaphore_mem>>) src(%dma_wait3A_988 : memref<129x128xi32, #tpu.memory_space<hbm>>) dst(%dma_wait3A_983 : memref<128x128xi32, #tpu.memory_space<vmem>>)
    %add3A_989 = arith.constant 7168 : i32
    %add3A_990 = arith.addi %mul3A_2, %add3A_989 : i32
    "tpu.region"() ({
      %run_scoped3A = tpu.sem_alloc : memref<!tpu.dma_semaphore, #tpu.memory_space<semaphore_mem>>
      %dma_start3A_1057 = arith.constant 0 : i32
      %dma_start3A_1058 = tpu.memref_slice %arg4[%add3A_990, %dma_start3A_1057] : memref<262144x128xi32, #tpu.memory_space<hbm>> -> memref<512x128xi32, #tpu.memory_space<hbm>>
      %dma_start3A_1059 = arith.constant 0 : i32
      %dma_start3A_1060 = tpu.memref_slice %arg4[%add3A_990, %dma_start3A_1059] : memref<262144x128xi32, #tpu.memory_space<hbm>> -> memref<512x128xi32, #tpu.memory_space<hbm>>
      tpu.enqueue_dma source(%arg6 : memref<512x128xi32, #tpu.memory_space<vmem>>) target(%dma_start3A_1060 : memref<512x128xi32, #tpu.memory_space<hbm>>) target_semaphore(%run_scoped3A : memref<!tpu.dma_semaphore, #tpu.memory_space<semaphore_mem>>)
      %dma_wait3A_1061 = arith.constant 0 : i32
      %dma_wait3A_1062 = tpu.memref_slice %arg4[%add3A_990, %dma_wait3A_1061] : memref<262144x128xi32, #tpu.memory_space<hbm>> -> memref<512x128xi32, #tpu.memory_space<hbm>>
      %dma_wait3A_1063 = arith.constant 0 : i32
      %dma_wait3A_1064 = tpu.memref_slice %arg4[%add3A_990, %dma_wait3A_1063] : memref<262144x128xi32, #tpu.memory_space<hbm>> -> memref<512x128xi32, #tpu.memory_space<hbm>>
      tpu.wait_dma2 semaphore(%run_scoped3A : memref<!tpu.dma_semaphore, #tpu.memory_space<semaphore_mem>>) src(%arg6 : memref<512x128xi32, #tpu.memory_space<vmem>>) dst(%dma_wait3A_1064 : memref<512x128xi32, #tpu.memory_space<hbm>>)
      tpu.yield
    }) : () -> ()
    %dma_start3A_991 = arith.constant 0 : i32
    %dma_start3A_992 = arith.constant 0 : i32
    %dma_start3A_993 = tpu.memref_slice %arg6[%dma_start3A_991, %dma_start3A_992] : memref<512x128xi32, #tpu.memory_space<vmem>> -> memref<128x128xi32, #tpu.memory_space<vmem>>
    %dma_start3A_994 = arith.constant 7680 : i32
    %dma_start3A_995 = tpu.memref_slice %arg5[%dma_start3A_994] : memref<8192xi32, #tpu.memory_space<vmem>> -> memref<128xi32, #tpu.memory_space<vmem>>
    %dma_start3A_996 = arith.constant 0 : i32
    %dma_start3A_997 = arith.constant 0 : i32
    %dma_start3A_998 = tpu.memref_slice %arg3[%dma_start3A_996, %dma_start3A_997] : memref<129x128xi32, #tpu.memory_space<hbm>> -> memref<129x128xi32, #tpu.memory_space<hbm>>
    tpu.enqueue_indirect_dma source(%dma_start3A_998 : memref<129x128xi32, #tpu.memory_space<hbm>>) target(%dma_start3A_993 : memref<128x128xi32, #tpu.memory_space<vmem>>) offsets(%dma_start3A_995 : memref<128xi32, #tpu.memory_space<vmem>>) semaphore(%arg7 : memref<!tpu.dma_semaphore, #tpu.memory_space<semaphore_mem>>)
    %dma_start3A_999 = arith.constant 128 : i32
    %dma_start3A_1000 = arith.constant 0 : i32
    %dma_start3A_1001 = tpu.memref_slice %arg6[%dma_start3A_999, %dma_start3A_1000] : memref<512x128xi32, #tpu.memory_space<vmem>> -> memref<128x128xi32, #tpu.memory_space<vmem>>
    %dma_start3A_1002 = arith.constant 7808 : i32
    %dma_start3A_1003 = tpu.memref_slice %arg5[%dma_start3A_1002] : memref<8192xi32, #tpu.memory_space<vmem>> -> memref<128xi32, #tpu.memory_space<vmem>>
    %dma_start3A_1004 = arith.constant 0 : i32
    %dma_start3A_1005 = arith.constant 0 : i32
    %dma_start3A_1006 = tpu.memref_slice %arg3[%dma_start3A_1004, %dma_start3A_1005] : memref<129x128xi32, #tpu.memory_space<hbm>> -> memref<129x128xi32, #tpu.memory_space<hbm>>
    tpu.enqueue_indirect_dma source(%dma_start3A_1006 : memref<129x128xi32, #tpu.memory_space<hbm>>) target(%dma_start3A_1001 : memref<128x128xi32, #tpu.memory_space<vmem>>) offsets(%dma_start3A_1003 : memref<128xi32, #tpu.memory_space<vmem>>) semaphore(%arg7 : memref<!tpu.dma_semaphore, #tpu.memory_space<semaphore_mem>>)
    %dma_start3A_1007 = arith.constant 256 : i32
    %dma_start3A_1008 = arith.constant 0 : i32
    %dma_start3A_1009 = tpu.memref_slice %arg6[%dma_start3A_1007, %dma_start3A_1008] : memref<512x128xi32, #tpu.memory_space<vmem>> -> memref<128x128xi32, #tpu.memory_space<vmem>>
    %dma_start3A_1010 = arith.constant 7936 : i32
    %dma_start3A_1011 = tpu.memref_slice %arg5[%dma_start3A_1010] : memref<8192xi32, #tpu.memory_space<vmem>> -> memref<128xi32, #tpu.memory_space<vmem>>
    %dma_start3A_1012 = arith.constant 0 : i32
    %dma_start3A_1013 = arith.constant 0 : i32
    %dma_start3A_1014 = tpu.memref_slice %arg3[%dma_start3A_1012, %dma_start3A_1013] : memref<129x128xi32, #tpu.memory_space<hbm>> -> memref<129x128xi32, #tpu.memory_space<hbm>>
    tpu.enqueue_indirect_dma source(%dma_start3A_1014 : memref<129x128xi32, #tpu.memory_space<hbm>>) target(%dma_start3A_1009 : memref<128x128xi32, #tpu.memory_space<vmem>>) offsets(%dma_start3A_1011 : memref<128xi32, #tpu.memory_space<vmem>>) semaphore(%arg7 : memref<!tpu.dma_semaphore, #tpu.memory_space<semaphore_mem>>)
    %dma_start3A_1015 = arith.constant 384 : i32
    %dma_start3A_1016 = arith.constant 0 : i32
    %dma_start3A_1017 = tpu.memref_slice %arg6[%dma_start3A_1015, %dma_start3A_1016] : memref<512x128xi32, #tpu.memory_space<vmem>> -> memref<128x128xi32, #tpu.memory_space<vmem>>
    %dma_start3A_1018 = arith.constant 8064 : i32
    %dma_start3A_1019 = tpu.memref_slice %arg5[%dma_start3A_1018] : memref<8192xi32, #tpu.memory_space<vmem>> -> memref<128xi32, #tpu.memory_space<vmem>>
    %dma_start3A_1020 = arith.constant 0 : i32
    %dma_start3A_1021 = arith.constant 0 : i32
    %dma_start3A_1022 = tpu.memref_slice %arg3[%dma_start3A_1020, %dma_start3A_1021] : memref<129x128xi32, #tpu.memory_space<hbm>> -> memref<129x128xi32, #tpu.memory_space<hbm>>
    tpu.enqueue_indirect_dma source(%dma_start3A_1022 : memref<129x128xi32, #tpu.memory_space<hbm>>) target(%dma_start3A_1017 : memref<128x128xi32, #tpu.memory_space<vmem>>) offsets(%dma_start3A_1019 : memref<128xi32, #tpu.memory_space<vmem>>) semaphore(%arg7 : memref<!tpu.dma_semaphore, #tpu.memory_space<semaphore_mem>>)
    %dma_wait3A_1023 = arith.constant 0 : i32
    %dma_wait3A_1024 = arith.constant 0 : i32
    %dma_wait3A_1025 = tpu.memref_slice %arg6[%dma_wait3A_1023, %dma_wait3A_1024] : memref<512x128xi32, #tpu.memory_space<vmem>> -> memref<128x128xi32, #tpu.memory_space<vmem>>
    %dma_wait3A_1026 = arith.constant 7680 : i32
    %dma_wait3A_1027 = tpu.memref_slice %arg5[%dma_wait3A_1026] : memref<8192xi32, #tpu.memory_space<vmem>> -> memref<128xi32, #tpu.memory_space<vmem>>
    %dma_wait3A_1028 = arith.constant 0 : i32
    %dma_wait3A_1029 = arith.constant 0 : i32
    %dma_wait3A_1030 = tpu.memref_slice %arg3[%dma_wait3A_1028, %dma_wait3A_1029] : memref<129x128xi32, #tpu.memory_space<hbm>> -> memref<129x128xi32, #tpu.memory_space<hbm>>
    tpu.wait_indirect_dma semaphore(%arg7 : memref<!tpu.dma_semaphore, #tpu.memory_space<semaphore_mem>>) src(%dma_wait3A_1030 : memref<129x128xi32, #tpu.memory_space<hbm>>) dst(%dma_wait3A_1025 : memref<128x128xi32, #tpu.memory_space<vmem>>)
    %dma_wait3A_1031 = arith.constant 128 : i32
    %dma_wait3A_1032 = arith.constant 0 : i32
    %dma_wait3A_1033 = tpu.memref_slice %arg6[%dma_wait3A_1031, %dma_wait3A_1032] : memref<512x128xi32, #tpu.memory_space<vmem>> -> memref<128x128xi32, #tpu.memory_space<vmem>>
    %dma_wait3A_1034 = arith.constant 7808 : i32
    %dma_wait3A_1035 = tpu.memref_slice %arg5[%dma_wait3A_1034] : memref<8192xi32, #tpu.memory_space<vmem>> -> memref<128xi32, #tpu.memory_space<vmem>>
    %dma_wait3A_1036 = arith.constant 0 : i32
    %dma_wait3A_1037 = arith.constant 0 : i32
    %dma_wait3A_1038 = tpu.memref_slice %arg3[%dma_wait3A_1036, %dma_wait3A_1037] : memref<129x128xi32, #tpu.memory_space<hbm>> -> memref<129x128xi32, #tpu.memory_space<hbm>>
    tpu.wait_indirect_dma semaphore(%arg7 : memref<!tpu.dma_semaphore, #tpu.memory_space<semaphore_mem>>) src(%dma_wait3A_1038 : memref<129x128xi32, #tpu.memory_space<hbm>>) dst(%dma_wait3A_1033 : memref<128x128xi32, #tpu.memory_space<vmem>>)
    %dma_wait3A_1039 = arith.constant 256 : i32
    %dma_wait3A_1040 = arith.constant 0 : i32
    %dma_wait3A_1041 = tpu.memref_slice %arg6[%dma_wait3A_1039, %dma_wait3A_1040] : memref<512x128xi32, #tpu.memory_space<vmem>> -> memref<128x128xi32, #tpu.memory_space<vmem>>
    %dma_wait3A_1042 = arith.constant 7936 : i32
    %dma_wait3A_1043 = tpu.memref_slice %arg5[%dma_wait3A_1042] : memref<8192xi32, #tpu.memory_space<vmem>> -> memref<128xi32, #tpu.memory_space<vmem>>
    %dma_wait3A_1044 = arith.constant 0 : i32
    %dma_wait3A_1045 = arith.constant 0 : i32
    %dma_wait3A_1046 = tpu.memref_slice %arg3[%dma_wait3A_1044, %dma_wait3A_1045] : memref<129x128xi32, #tpu.memory_space<hbm>> -> memref<129x128xi32, #tpu.memory_space<hbm>>
    tpu.wait_indirect_dma semaphore(%arg7 : memref<!tpu.dma_semaphore, #tpu.memory_space<semaphore_mem>>) src(%dma_wait3A_1046 : memref<129x128xi32, #tpu.memory_space<hbm>>) dst(%dma_wait3A_1041 : memref<128x128xi32, #tpu.memory_space<vmem>>)
    %dma_wait3A_1047 = arith.constant 384 : i32
    %dma_wait3A_1048 = arith.constant 0 : i32
    %dma_wait3A_1049 = tpu.memref_slice %arg6[%dma_wait3A_1047, %dma_wait3A_1048] : memref<512x128xi32, #tpu.memory_space<vmem>> -> memref<128x128xi32, #tpu.memory_space<vmem>>
    %dma_wait3A_1050 = arith.constant 8064 : i32
    %dma_wait3A_1051 = tpu.memref_slice %arg5[%dma_wait3A_1050] : memref<8192xi32, #tpu.memory_space<vmem>> -> memref<128xi32, #tpu.memory_space<vmem>>
    %dma_wait3A_1052 = arith.constant 0 : i32
    %dma_wait3A_1053 = arith.constant 0 : i32
    %dma_wait3A_1054 = tpu.memref_slice %arg3[%dma_wait3A_1052, %dma_wait3A_1053] : memref<129x128xi32, #tpu.memory_space<hbm>> -> memref<129x128xi32, #tpu.memory_space<hbm>>
    tpu.wait_indirect_dma semaphore(%arg7 : memref<!tpu.dma_semaphore, #tpu.memory_space<semaphore_mem>>) src(%dma_wait3A_1054 : memref<129x128xi32, #tpu.memory_space<hbm>>) dst(%dma_wait3A_1049 : memref<128x128xi32, #tpu.memory_space<vmem>>)
    %add3A_1055 = arith.constant 7680 : i32
    %add3A_1056 = arith.addi %mul3A_2, %add3A_1055 : i32
    "tpu.region"() ({
      %run_scoped3A = tpu.sem_alloc : memref<!tpu.dma_semaphore, #tpu.memory_space<semaphore_mem>>
      %dma_start3A_1057 = arith.constant 0 : i32
      %dma_start3A_1058 = tpu.memref_slice %arg4[%add3A_1056, %dma_start3A_1057] : memref<262144x128xi32, #tpu.memory_space<hbm>> -> memref<512x128xi32, #tpu.memory_space<hbm>>
      %dma_start3A_1059 = arith.constant 0 : i32
      %dma_start3A_1060 = tpu.memref_slice %arg4[%add3A_1056, %dma_start3A_1059] : memref<262144x128xi32, #tpu.memory_space<hbm>> -> memref<512x128xi32, #tpu.memory_space<hbm>>
      tpu.enqueue_dma source(%arg6 : memref<512x128xi32, #tpu.memory_space<vmem>>) target(%dma_start3A_1060 : memref<512x128xi32, #tpu.memory_space<hbm>>) target_semaphore(%run_scoped3A : memref<!tpu.dma_semaphore, #tpu.memory_space<semaphore_mem>>)
      %dma_wait3A_1061 = arith.constant 0 : i32
      %dma_wait3A_1062 = tpu.memref_slice %arg4[%add3A_1056, %dma_wait3A_1061] : memref<262144x128xi32, #tpu.memory_space<hbm>> -> memref<512x128xi32, #tpu.memory_space<hbm>>
      %dma_wait3A_1063 = arith.constant 0 : i32
      %dma_wait3A_1064 = tpu.memref_slice %arg4[%add3A_1056, %dma_wait3A_1063] : memref<262144x128xi32, #tpu.memory_space<hbm>> -> memref<512x128xi32, #tpu.memory_space<hbm>>
      tpu.wait_dma2 semaphore(%run_scoped3A : memref<!tpu.dma_semaphore, #tpu.memory_space<semaphore_mem>>) src(%arg6 : memref<512x128xi32, #tpu.memory_space<vmem>>) dst(%dma_wait3A_1064 : memref<512x128xi32, #tpu.memory_space<hbm>>)
      tpu.yield
    }) : () -> ()
    return
  }
}

module attributes {stable_mosaic.version = 14 : i64} {
  func.func @_phase1_body(%arg0: i32, %arg1: memref<256x4096xf32, #tpu.memory_space<vmem>>, %arg2: memref<4096x64xf32, #tpu.memory_space<vmem>>, %arg3: memref<256x64xf32, #tpu.memory_space<vmem>>, %arg4: memref<256x1xf32, #tpu.memory_space<vmem>>, %arg5: memref<256x1xf32, #tpu.memory_space<vmem>>, %arg6: memref<256x1xi32, #tpu.memory_space<vmem>>, %arg7: memref<256x1xi32, #tpu.memory_space<vmem>>, %arg8: memref<256x1xi32, #tpu.memory_space<vmem>>, %arg9: memref<256x1xi32, #tpu.memory_space<vmem>>, %arg10: memref<1x64xi32, #tpu.memory_space<vmem>>, %arg11: memref<1x1xf32, #tpu.memory_space<vmem>>, %arg12: memref<1x64xf32, #tpu.memory_space<vmem>>, %arg13: memref<1x64xi32, #tpu.memory_space<vmem>>, %arg14: memref<1x64xi32, #tpu.memory_space<vmem>>) attributes {dimension_semantics = [#tpu.dimension_semantics<arbitrary>], iteration_bounds = array<i64: 16>, scalar_prefetch = 0 : i64, scratch_operands = 3 : i64, tpu.core_type = #tpu.core_type<tc>, window_params = [{transform_indices = @transform_0, window_bounds = array<i64: 256, 4096>}, {pipeline_mode = #tpu.pipeline_mode<synchronous>, transform_indices = @transform_1, window_bounds = array<i64: 4096, 64>}, {transform_indices = @transform_2, window_bounds = array<i64: 256, 64>}, {transform_indices = @transform_3, window_bounds = array<i64: 256, 1>}, {transform_indices = @transform_4, window_bounds = array<i64: 256, 1>}, {transform_indices = @transform_5, window_bounds = array<i64: 256, 1>}, {transform_indices = @transform_6, window_bounds = array<i64: 256, 1>}, {transform_indices = @transform_7, window_bounds = array<i64: 256, 1>}, {transform_indices = @transform_8, window_bounds = array<i64: 256, 1>}, {pipeline_mode = #tpu.pipeline_mode<synchronous>, transform_indices = @transform_9, window_bounds = array<i64: 1, 64>}, {pipeline_mode = #tpu.pipeline_mode<synchronous>, transform_indices = @transform_10, window_bounds = array<i64: 1, 1>}]} {
    %eq3A = arith.constant 0 : i32
    %eq3A_0 = arith.cmpi eq, %arg0, %eq3A : i32
    %convert_element_type3A = arith.extui %eq3A_0 : i1 to i32
    %cond3A = arith.constant 0 : i32
    %cond3A_1 = arith.cmpi ne, %convert_element_type3A, %cond3A : i32
    scf.if %cond3A_1 {
      %broadcast_in_dim3A_138 = arith.constant 0.000000e+00 : f32
      %broadcast_in_dim3A_139 = vector.broadcast %broadcast_in_dim3A_138 : f32 to vector<1x64xf32>
      %swap3A_140 = arith.constant 0 : index
      %swap3A_141 = arith.constant 0 : index
      %swap3A_142 = vector.load %arg12[%swap3A_140, %swap3A_141] : memref<1x64xf32, #tpu.memory_space<vmem>>, vector<1x64xf32>
      tpu.vector_store %arg12[%swap3A_140, %swap3A_141], %broadcast_in_dim3A_139 {strides = array<i32>} : memref<1x64xf32, #tpu.memory_space<vmem>>, vector<1x64xf32>,
      %broadcast_in_dim3A_143 = arith.constant 0 : i32
      %broadcast_in_dim3A_144 = vector.broadcast %broadcast_in_dim3A_143 : i32 to vector<1x64xi32>
      %swap3A_145 = arith.constant 0 : index
      %swap3A_146 = arith.constant 0 : index
      %swap3A_147 = vector.load %arg13[%swap3A_145, %swap3A_146] : memref<1x64xi32, #tpu.memory_space<vmem>>, vector<1x64xi32>
      tpu.vector_store %arg13[%swap3A_145, %swap3A_146], %broadcast_in_dim3A_144 {strides = array<i32>} : memref<1x64xi32, #tpu.memory_space<vmem>>, vector<1x64xi32>,
      %broadcast_in_dim3A_148 = arith.constant 0 : i32
      %broadcast_in_dim3A_149 = vector.broadcast %broadcast_in_dim3A_148 : i32 to vector<1x64xi32>
      %swap3A_150 = arith.constant 0 : index
      %swap3A_151 = arith.constant 0 : index
      %swap3A_152 = vector.load %arg14[%swap3A_150, %swap3A_151] : memref<1x64xi32, #tpu.memory_space<vmem>>, vector<1x64xi32>
      tpu.vector_store %arg14[%swap3A_150, %swap3A_151], %broadcast_in_dim3A_149 {strides = array<i32>} : memref<1x64xi32, #tpu.memory_space<vmem>>, vector<1x64xi32>,
    } else {
    }
    %get3A = arith.constant 0 : index
    %get3A_2 = arith.constant 0 : index
    %get3A_3 = vector.load %arg1[%get3A, %get3A_2] : memref<256x4096xf32, #tpu.memory_space<vmem>>, vector<256x4096xf32>
    %get3A_4 = arith.constant 0 : index
    %get3A_5 = arith.constant 0 : index
    %get3A_6 = vector.load %arg2[%get3A_4, %get3A_5] : memref<4096x64xf32, #tpu.memory_space<vmem>>, vector<4096x64xf32>
    %dot_general3A = arith.constant dense<0.000000e+00> : vector<256x64xf32>
    %dot_general3A_7 = tpu.matmul %get3A_3, %get3A_6, %dot_general3A {dimension_numbers = #tpu.dot_dimension_numbers<[1], [0], [0], [1], [0, 0, 1, 1], [], []>, transpose_lhs_hint = false} : vector<256x4096xf32>, vector<4096x64xf32>, vector<256x64xf32> -> vector<256x64xf32>
    %iota3A = tpu.iota {dimensions = array<i32: 1>} : vector<256x64xi32>
    %reduce_max3A = arith.constant dense<0xFF800000> : vector<256xf32>
    %reduce_max3A_8 = vector.multi_reduction <maximumf>, %dot_general3A_7, %reduce_max3A [1] : vector<256x64xf32> to vector<256xf32>
    %broadcast_in_dim3A = vector.shape_cast %reduce_max3A_8 : vector<256xf32> to vector<256x1xf32>
    %eq3A_9 = vector.broadcast %broadcast_in_dim3A : vector<256x1xf32> to vector<256x64xf32>
    %eq3A_10 = arith.cmpf oeq, %dot_general3A_7, %eq3A_9 : vector<256x64xf32>
    %jit3A = arith.constant 64 : i32
    %broadcast_in_dim3A_11 = vector.broadcast %jit3A : i32 to vector<256x64xi32>
    %select_n3A = arith.select %eq3A_10, %iota3A, %broadcast_in_dim3A_11 : vector<256x64xi1>, vector<256x64xi32>
    %reduce_min3A = arith.constant dense<2147483647> : vector<256xi32>
    %reduce_min3A_12 = vector.multi_reduction <minsi>, %select_n3A, %reduce_min3A [1] : vector<256x64xi32> to vector<256xi32>
    %broadcast_in_dim3A_13 = vector.shape_cast %reduce_min3A_12 : vector<256xi32> to vector<256x1xi32>
    %eq3A_14 = vector.broadcast %broadcast_in_dim3A_13 : vector<256x1xi32> to vector<256x64xi32>
    %eq3A_15 = arith.cmpi eq, %iota3A, %eq3A_14 : vector<256x64xi32>
    %sub3A = vector.broadcast %broadcast_in_dim3A : vector<256x1xf32> to vector<256x64xf32>
    %sub3A_16 = arith.subf %dot_general3A_7, %sub3A : vector<256x64xf32>
    %exp3A = math.exp %sub3A_16 : vector<256x64xf32>
    %reduce_sum3A = arith.constant dense<0.000000e+00> : vector<256xf32>
    %reduce_sum3A_17 = vector.multi_reduction <add>, %exp3A, %reduce_sum3A [1] : vector<256x64xf32> to vector<256xf32>
    %broadcast_in_dim3A_18 = vector.shape_cast %reduce_sum3A_17 : vector<256xf32> to vector<256x1xf32>
    %div3A = vector.broadcast %broadcast_in_dim3A_18 : vector<256x1xf32> to vector<256x64xf32>
    %div3A_19 = arith.divf %exp3A, %div3A : vector<256x64xf32>
    %get3A_20 = arith.constant 0 : index
    %get3A_21 = arith.constant 0 : index
    %get3A_22 = vector.load %arg12[%get3A_20, %get3A_21] : memref<1x64xf32, #tpu.memory_space<vmem>>, vector<1x64xf32>
    %reduce_sum3A_23 = arith.constant dense<0.000000e+00> : vector<64xf32>
    %reduce_sum3A_24 = vector.multi_reduction <add>, %div3A_19, %reduce_sum3A_23 [0] : vector<256x64xf32> to vector<64xf32>
    %broadcast_in_dim3A_25 = vector.shape_cast %reduce_sum3A_24 : vector<64xf32> to vector<1x64xf32>
    %add3A = arith.addf %get3A_22, %broadcast_in_dim3A_25 : vector<1x64xf32>
    %swap3A = arith.constant 0 : index
    %swap3A_26 = arith.constant 0 : index
    %swap3A_27 = vector.load %arg12[%swap3A, %swap3A_26] : memref<1x64xf32, #tpu.memory_space<vmem>>, vector<1x64xf32>
    tpu.vector_store %arg12[%swap3A, %swap3A_26], %add3A {strides = array<i32>} : memref<1x64xf32, #tpu.memory_space<vmem>>, vector<1x64xf32>,
    %get3A_28 = arith.constant 0 : index
    %get3A_29 = arith.constant 0 : index
    %get3A_30 = vector.load %arg3[%get3A_28, %get3A_29] : memref<256x64xf32, #tpu.memory_space<vmem>>, vector<256x64xf32>
    %add3A_31 = arith.addf %dot_general3A_7, %get3A_30 : vector<256x64xf32>
    %jit3A_32 = arith.constant 0xFF800000 : f32
    %broadcast_in_dim3A_33 = vector.broadcast %jit3A_32 : f32 to vector<256x64xf32>
    %select_n3A_34 = arith.select %eq3A_15, %broadcast_in_dim3A_33, %add3A_31 : vector<256x64xi1>, vector<256x64xf32>
    %reduce_max3A_35 = arith.constant dense<0xFF800000> : vector<256xf32>
    %reduce_max3A_36 = vector.multi_reduction <maximumf>, %select_n3A_34, %reduce_max3A_35 [1] : vector<256x64xf32> to vector<256xf32>
    %broadcast_in_dim3A_37 = vector.shape_cast %reduce_max3A_36 : vector<256xf32> to vector<256x1xf32>
    %eq3A_38 = vector.broadcast %broadcast_in_dim3A_37 : vector<256x1xf32> to vector<256x64xf32>
    %eq3A_39 = arith.cmpf oeq, %select_n3A_34, %eq3A_38 : vector<256x64xf32>
    %jit3A_40 = arith.constant 64 : i32
    %broadcast_in_dim3A_41 = vector.broadcast %jit3A_40 : i32 to vector<256x64xi32>
    %select_n3A_42 = arith.select %eq3A_39, %iota3A, %broadcast_in_dim3A_41 : vector<256x64xi1>, vector<256x64xi32>
    %reduce_min3A_43 = arith.constant dense<2147483647> : vector<256xi32>
    %reduce_min3A_44 = vector.multi_reduction <minsi>, %select_n3A_42, %reduce_min3A_43 [1] : vector<256x64xi32> to vector<256xi32>
    %broadcast_in_dim3A_45 = vector.shape_cast %reduce_min3A_44 : vector<256xi32> to vector<256x1xi32>
    %eq3A_46 = vector.broadcast %broadcast_in_dim3A_45 : vector<256x1xi32> to vector<256x64xi32>
    %eq3A_47 = arith.cmpi eq, %iota3A, %eq3A_46 : vector<256x64xi32>
    %jit3A_48 = arith.constant 0.000000e+00 : f32
    %broadcast_in_dim3A_49 = vector.broadcast %jit3A_48 : f32 to vector<256x64xf32>
    %select_n3A_50 = arith.select %eq3A_47, %dot_general3A_7, %broadcast_in_dim3A_49 : vector<256x64xi1>, vector<256x64xf32>
    %reduce_sum3A_51 = arith.constant dense<0.000000e+00> : vector<256xf32>
    %reduce_sum3A_52 = vector.multi_reduction <add>, %select_n3A_50, %reduce_sum3A_51 [1] : vector<256x64xf32> to vector<256xf32>
    %broadcast_in_dim3A_53 = vector.shape_cast %reduce_sum3A_52 : vector<256xf32> to vector<256x1xf32>
    %convert_element_type3A_54 = arith.extui %eq3A_15 : vector<256x64xi1> to vector<256x64xi32>
    %convert_element_type3A_55 = arith.sitofp %convert_element_type3A_54 : vector<256x64xi32> to vector<256x64xf32>
    %convert_element_type3A_56 = arith.extui %eq3A_47 : vector<256x64xi1> to vector<256x64xi32>
    %convert_element_type3A_57 = arith.sitofp %convert_element_type3A_56 : vector<256x64xi32> to vector<256x64xf32>
    %iota3A_58 = tpu.iota {dimensions = array<i32: 0>} : vector<256x256xi32>
    %iota3A_59 = tpu.iota {dimensions = array<i32: 1>} : vector<256x256xi32>
    %ge3A = arith.cmpi sge, %iota3A_58, %iota3A_59 : vector<256x256xi32>
    %convert_element_type3A_60 = arith.extui %ge3A : vector<256x256xi1> to vector<256x256xi32>
    %convert_element_type3A_61 = arith.sitofp %convert_element_type3A_60 : vector<256x256xi32> to vector<256x256xf32>
    %dot_general3A_62 = arith.constant dense<0.000000e+00> : vector<256x64xf32>
    %dot_general3A_63 = tpu.matmul %convert_element_type3A_61, %convert_element_type3A_55, %dot_general3A_62 {dimension_numbers = #tpu.dot_dimension_numbers<[1], [0], [0], [1], [0, 0, 1, 1], [], []>, transpose_lhs_hint = false} : vector<256x256xf32>, vector<256x64xf32>, vector<256x64xf32> -> vector<256x64xf32>
    %dot_general3A_64 = arith.constant dense<0.000000e+00> : vector<256x64xf32>
    %dot_general3A_65 = tpu.matmul %convert_element_type3A_61, %convert_element_type3A_57, %dot_general3A_64 {dimension_numbers = #tpu.dot_dimension_numbers<[1], [0], [0], [1], [0, 0, 1, 1], [], []>, transpose_lhs_hint = false} : vector<256x256xf32>, vector<256x64xf32>, vector<256x64xf32> -> vector<256x64xf32>
    %get3A_66 = arith.constant 0 : index
    %get3A_67 = arith.constant 0 : index
    %get3A_68 = vector.load %arg13[%get3A_66, %get3A_67] : memref<1x64xi32, #tpu.memory_space<vmem>>, vector<1x64xi32>
    %convert_element_type3A_69 = arith.sitofp %get3A_68 : vector<1x64xi32> to vector<1x64xf32>
    %get3A_70 = arith.constant 0 : index
    %get3A_71 = arith.constant 0 : index
    %get3A_72 = vector.load %arg14[%get3A_70, %get3A_71] : memref<1x64xi32, #tpu.memory_space<vmem>>, vector<1x64xi32>
    %convert_element_type3A_73 = arith.sitofp %get3A_72 : vector<1x64xi32> to vector<1x64xf32>
    %add3A_74 = vector.broadcast %convert_element_type3A_69 : vector<1x64xf32> to vector<256x64xf32>
    %add3A_75 = arith.addf %add3A_74, %dot_general3A_63 : vector<256x64xf32>
    %sub3A_76 = arith.constant 1.000000e+00 : f32
    %sub3A_77 = vector.broadcast %sub3A_76 : f32 to vector<256x64xf32>
    %sub3A_78 = arith.subf %add3A_75, %sub3A_77 : vector<256x64xf32>
    %mul3A = arith.mulf %sub3A_78, %convert_element_type3A_55 : vector<256x64xf32>
    %reduce_sum3A_79 = arith.constant dense<0.000000e+00> : vector<256xf32>
    %reduce_sum3A_80 = vector.multi_reduction <add>, %mul3A, %reduce_sum3A_79 [1] : vector<256x64xf32> to vector<256xf32>
    %broadcast_in_dim3A_81 = vector.shape_cast %reduce_sum3A_80 : vector<256xf32> to vector<256x1xf32>
    %convert_element_type3A_82 = arith.fptosi %broadcast_in_dim3A_81 : vector<256x1xf32> to vector<256x1xi32>
    %add3A_83 = vector.broadcast %convert_element_type3A_73 : vector<1x64xf32> to vector<256x64xf32>
    %add3A_84 = arith.addf %add3A_83, %dot_general3A_65 : vector<256x64xf32>
    %sub3A_85 = arith.constant 1.000000e+00 : f32
    %sub3A_86 = vector.broadcast %sub3A_85 : f32 to vector<256x64xf32>
    %sub3A_87 = arith.subf %add3A_84, %sub3A_86 : vector<256x64xf32>
    %mul3A_88 = arith.mulf %sub3A_87, %convert_element_type3A_57 : vector<256x64xf32>
    %reduce_sum3A_89 = arith.constant dense<0.000000e+00> : vector<256xf32>
    %reduce_sum3A_90 = vector.multi_reduction <add>, %mul3A_88, %reduce_sum3A_89 [1] : vector<256x64xf32> to vector<256xf32>
    %broadcast_in_dim3A_91 = vector.shape_cast %reduce_sum3A_90 : vector<256xf32> to vector<256x1xf32>
    %convert_element_type3A_92 = arith.fptosi %broadcast_in_dim3A_91 : vector<256x1xf32> to vector<256x1xi32>
    %get3A_93 = arith.constant 0 : index
    %get3A_94 = arith.constant 0 : index
    %get3A_95 = vector.load %arg13[%get3A_93, %get3A_94] : memref<1x64xi32, #tpu.memory_space<vmem>>, vector<1x64xi32>
    %convert_element_type3A_96 = arith.extui %eq3A_15 : vector<256x64xi1> to vector<256x64xi32>
    %reduce_sum3A_97 = arith.constant dense<0> : vector<64xi32>
    %reduce_sum3A_98 = vector.multi_reduction <add>, %convert_element_type3A_96, %reduce_sum3A_97 [0] : vector<256x64xi32> to vector<64xi32>
    %broadcast_in_dim3A_99 = vector.shape_cast %reduce_sum3A_98 : vector<64xi32> to vector<1x64xi32>
    %add3A_100 = arith.addi %get3A_95, %broadcast_in_dim3A_99 : vector<1x64xi32>
    %swap3A_101 = arith.constant 0 : index
    %swap3A_102 = arith.constant 0 : index
    %swap3A_103 = vector.load %arg13[%swap3A_101, %swap3A_102] : memref<1x64xi32, #tpu.memory_space<vmem>>, vector<1x64xi32>
    tpu.vector_store %arg13[%swap3A_101, %swap3A_102], %add3A_100 {strides = array<i32>} : memref<1x64xi32, #tpu.memory_space<vmem>>, vector<1x64xi32>,
    %get3A_104 = arith.constant 0 : index
    %get3A_105 = arith.constant 0 : index
    %get3A_106 = vector.load %arg14[%get3A_104, %get3A_105] : memref<1x64xi32, #tpu.memory_space<vmem>>, vector<1x64xi32>
    %convert_element_type3A_107 = arith.extui %eq3A_47 : vector<256x64xi1> to vector<256x64xi32>
    %reduce_sum3A_108 = arith.constant dense<0> : vector<64xi32>
    %reduce_sum3A_109 = vector.multi_reduction <add>, %convert_element_type3A_107, %reduce_sum3A_108 [0] : vector<256x64xi32> to vector<64xi32>
    %broadcast_in_dim3A_110 = vector.shape_cast %reduce_sum3A_109 : vector<64xi32> to vector<1x64xi32>
    %add3A_111 = arith.addi %get3A_106, %broadcast_in_dim3A_110 : vector<1x64xi32>
    %swap3A_112 = arith.constant 0 : index
    %swap3A_113 = arith.constant 0 : index
    %swap3A_114 = vector.load %arg14[%swap3A_112, %swap3A_113] : memref<1x64xi32, #tpu.memory_space<vmem>>, vector<1x64xi32>
    tpu.vector_store %arg14[%swap3A_112, %swap3A_113], %add3A_111 {strides = array<i32>} : memref<1x64xi32, #tpu.memory_space<vmem>>, vector<1x64xi32>,
    %swap3A_115 = arith.constant 0 : index
    %swap3A_116 = arith.constant 0 : index
    %swap3A_117 = vector.load %arg4[%swap3A_115, %swap3A_116] : memref<256x1xf32, #tpu.memory_space<vmem>>, vector<256x1xf32>
    tpu.vector_store %arg4[%swap3A_115, %swap3A_116], %broadcast_in_dim3A {strides = array<i32>} : memref<256x1xf32, #tpu.memory_space<vmem>>, vector<256x1xf32>,
    %swap3A_118 = arith.constant 0 : index
    %swap3A_119 = arith.constant 0 : index
    %swap3A_120 = vector.load %arg5[%swap3A_118, %swap3A_119] : memref<256x1xf32, #tpu.memory_space<vmem>>, vector<256x1xf32>
    tpu.vector_store %arg5[%swap3A_118, %swap3A_119], %broadcast_in_dim3A_53 {strides = array<i32>} : memref<256x1xf32, #tpu.memory_space<vmem>>, vector<256x1xf32>,
    %swap3A_121 = arith.constant 0 : index
    %swap3A_122 = arith.constant 0 : index
    %swap3A_123 = vector.load %arg6[%swap3A_121, %swap3A_122] : memref<256x1xi32, #tpu.memory_space<vmem>>, vector<256x1xi32>
    tpu.vector_store %arg6[%swap3A_121, %swap3A_122], %broadcast_in_dim3A_13 {strides = array<i32>} : memref<256x1xi32, #tpu.memory_space<vmem>>, vector<256x1xi32>,
    %swap3A_124 = arith.constant 0 : index
    %swap3A_125 = arith.constant 0 : index
    %swap3A_126 = vector.load %arg7[%swap3A_124, %swap3A_125] : memref<256x1xi32, #tpu.memory_space<vmem>>, vector<256x1xi32>
    tpu.vector_store %arg7[%swap3A_124, %swap3A_125], %broadcast_in_dim3A_45 {strides = array<i32>} : memref<256x1xi32, #tpu.memory_space<vmem>>, vector<256x1xi32>,
    %swap3A_127 = arith.constant 0 : index
    %swap3A_128 = arith.constant 0 : index
    %swap3A_129 = vector.load %arg8[%swap3A_127, %swap3A_128] : memref<256x1xi32, #tpu.memory_space<vmem>>, vector<256x1xi32>
    tpu.vector_store %arg8[%swap3A_127, %swap3A_128], %convert_element_type3A_82 {strides = array<i32>} : memref<256x1xi32, #tpu.memory_space<vmem>>, vector<256x1xi32>,
    %swap3A_130 = arith.constant 0 : index
    %swap3A_131 = arith.constant 0 : index
    %swap3A_132 = vector.load %arg9[%swap3A_130, %swap3A_131] : memref<256x1xi32, #tpu.memory_space<vmem>>, vector<256x1xi32>
    tpu.vector_store %arg9[%swap3A_130, %swap3A_131], %convert_element_type3A_92 {strides = array<i32>} : memref<256x1xi32, #tpu.memory_space<vmem>>, vector<256x1xi32>,
    %eq3A_133 = arith.constant 15 : i32
    %eq3A_134 = arith.cmpi eq, %arg0, %eq3A_133 : i32
    %convert_element_type3A_135 = arith.extui %eq3A_134 : i1 to i32
    %cond3A_136 = arith.constant 0 : i32
    %cond3A_137 = arith.cmpi ne, %convert_element_type3A_135, %cond3A_136 : i32
    scf.if %cond3A_137 {
      %get3A_138 = arith.constant 0 : index
      %get3A_139 = arith.constant 0 : index
      %get3A_140 = vector.load %arg13[%get3A_138, %get3A_139] : memref<1x64xi32, #tpu.memory_space<vmem>>, vector<1x64xi32>
      %swap3A_141 = arith.constant 0 : index
      %swap3A_142 = arith.constant 0 : index
      %swap3A_143 = vector.load %arg10[%swap3A_141, %swap3A_142] : memref<1x64xi32, #tpu.memory_space<vmem>>, vector<1x64xi32>
      tpu.vector_store %arg10[%swap3A_141, %swap3A_142], %get3A_140 {strides = array<i32>} : memref<1x64xi32, #tpu.memory_space<vmem>>, vector<1x64xi32>,
      %get3A_144 = arith.constant 0 : index
      %get3A_145 = arith.constant 0 : index
      %get3A_146 = vector.load %arg12[%get3A_144, %get3A_145] : memref<1x64xf32, #tpu.memory_space<vmem>>, vector<1x64xf32>
      %div3A_147 = arith.constant 4.096000e+03 : f32
      %div3A_148 = vector.broadcast %div3A_147 : f32 to vector<1x64xf32>
      %div3A_149 = arith.divf %get3A_146, %div3A_148 : vector<1x64xf32>
      %convert_element_type3A_150 = arith.sitofp %get3A_140 : vector<1x64xi32> to vector<1x64xf32>
      %div3A_151 = arith.constant 4.096000e+03 : f32
      %div3A_152 = vector.broadcast %div3A_151 : f32 to vector<1x64xf32>
      %div3A_153 = arith.divf %convert_element_type3A_150, %div3A_152 : vector<1x64xf32>
      %mul3A_154 = arith.mulf %div3A_149, %div3A_153 : vector<1x64xf32>
      %reduce_sum3A_155 = vector.shape_cast %mul3A_154 : vector<1x64xf32> to vector<1x1x64xf32>
      %reduce_sum3A_156 = arith.constant dense<0.000000e+00> : vector<1xf32>
      %reduce_sum3A_157 = vector.multi_reduction <add>, %reduce_sum3A_155, %reduce_sum3A_156 [1, 2] : vector<1x1x64xf32> to vector<1xf32>
      %reduce_sum3A_158 = vector.shape_cast %reduce_sum3A_157 : vector<1xf32> to vector<1x1x1xf32>
      %reduce_sum3A_159 = vector.extract %reduce_sum3A_158[0, 0, 0] : f32 from vector<1x1x1xf32>
      %mul3A_160 = arith.constant 6.400000e+01 : f32
      %mul3A_161 = arith.mulf %reduce_sum3A_159, %mul3A_160 : f32
      %reshape3A = vector.broadcast %mul3A_161 : f32 to vector<1x1xf32>
      %swap3A_162 = arith.constant 0 : index
      %swap3A_163 = arith.constant 0 : index
      %swap3A_164 = vector.load %arg11[%swap3A_162, %swap3A_163] : memref<1x1xf32, #tpu.memory_space<vmem>>, vector<1x1xf32>
      tpu.vector_store %arg11[%swap3A_162, %swap3A_163], %reshape3A {strides = array<i32>} : memref<1x1xf32, #tpu.memory_space<vmem>>, vector<1x1xf32>,
    } else {
    }
    return
  }
  func.func @transform_0(%arg0: i32) -> (i32, i32) {
    %c0_i32 = arith.constant 0 : i32
    %c0_i32_0 = arith.constant 0 : i32
    return %arg0, %c0_i32 : i32, i32
  }
  func.func @transform_1(%arg0: i32) -> (i32, i32) {
    %c0_i32 = arith.constant 0 : i32
    %c0_i32_0 = arith.constant 0 : i32
    %c0_i32_1 = arith.constant 0 : i32
    return %c0_i32, %c0_i32_0 : i32, i32
  }
  func.func @transform_2(%arg0: i32) -> (i32, i32) {
    %c0_i32 = arith.constant 0 : i32
    %c0_i32_0 = arith.constant 0 : i32
    return %arg0, %c0_i32 : i32, i32
  }
  func.func @transform_3(%arg0: i32) -> (i32, i32) {
    %c0_i32 = arith.constant 0 : i32
    %c0_i32_0 = arith.constant 0 : i32
    return %arg0, %c0_i32 : i32, i32
  }
  func.func @transform_4(%arg0: i32) -> (i32, i32) {
    %c0_i32 = arith.constant 0 : i32
    %c0_i32_0 = arith.constant 0 : i32
    return %arg0, %c0_i32 : i32, i32
  }
  func.func @transform_5(%arg0: i32) -> (i32, i32) {
    %c0_i32 = arith.constant 0 : i32
    %c0_i32_0 = arith.constant 0 : i32
    return %arg0, %c0_i32 : i32, i32
  }
  func.func @transform_6(%arg0: i32) -> (i32, i32) {
    %c0_i32 = arith.constant 0 : i32
    %c0_i32_0 = arith.constant 0 : i32
    return %arg0, %c0_i32 : i32, i32
  }
  func.func @transform_7(%arg0: i32) -> (i32, i32) {
    %c0_i32 = arith.constant 0 : i32
    %c0_i32_0 = arith.constant 0 : i32
    return %arg0, %c0_i32 : i32, i32
  }
  func.func @transform_8(%arg0: i32) -> (i32, i32) {
    %c0_i32 = arith.constant 0 : i32
    %c0_i32_0 = arith.constant 0 : i32
    return %arg0, %c0_i32 : i32, i32
  }
  func.func @transform_9(%arg0: i32) -> (i32, i32) {
    %c0_i32 = arith.constant 0 : i32
    %c0_i32_0 = arith.constant 0 : i32
    %c0_i32_1 = arith.constant 0 : i32
    return %c0_i32, %c0_i32_0 : i32, i32
  }
  func.func @transform_10(%arg0: i32) -> (i32, i32) {
    %c0_i32 = arith.constant 0 : i32
    %c0_i32_0 = arith.constant 0 : i32
    %c0_i32_1 = arith.constant 0 : i32
    return %c0_i32, %c0_i32_0 : i32, i32
  }
}

module attributes {stable_mosaic.version = 14 : i64} {
  func.func @_phase2_body(%arg0: i32, %arg1: memref<256x1xf32, #tpu.memory_space<vmem>>, %arg2: memref<256x1xf32, #tpu.memory_space<vmem>>, %arg3: memref<256x1xi32, #tpu.memory_space<vmem>>, %arg4: memref<256x1xi32, #tpu.memory_space<vmem>>, %arg5: memref<256x1xi32, #tpu.memory_space<vmem>>, %arg6: memref<256x1xi32, #tpu.memory_space<vmem>>, %arg7: memref<1x64xi32, #tpu.memory_space<vmem>>, %arg8: memref<256x64x128xf32, #tpu.memory_space<vmem>>, %arg9: memref<256x64xi32, #tpu.memory_space<vmem>>) attributes {dimension_semantics = [#tpu.dimension_semantics<parallel>], iteration_bounds = array<i64: 16>, scalar_prefetch = 0 : i64, scratch_operands = 0 : i64, tpu.core_type = #tpu.core_type<tc>, window_params = [{transform_indices = @transform_0, window_bounds = array<i64: 256, 1>}, {transform_indices = @transform_1, window_bounds = array<i64: 256, 1>}, {transform_indices = @transform_2, window_bounds = array<i64: 256, 1>}, {transform_indices = @transform_3, window_bounds = array<i64: 256, 1>}, {transform_indices = @transform_4, window_bounds = array<i64: 256, 1>}, {transform_indices = @transform_5, window_bounds = array<i64: 256, 1>}, {pipeline_mode = #tpu.pipeline_mode<synchronous>, transform_indices = @transform_6, window_bounds = array<i64: 1, 64>}, {transform_indices = @transform_7, window_bounds = array<i64: 256, 64, 128>}, {transform_indices = @transform_8, window_bounds = array<i64: 256, 64>}]} {
    %get3A = arith.constant 0 : index
    %get3A_0 = arith.constant 0 : index
    %get3A_1 = vector.load %arg1[%get3A, %get3A_0] : memref<256x1xf32, #tpu.memory_space<vmem>>, vector<256x1xf32>
    %get3A_2 = arith.constant 0 : index
    %get3A_3 = arith.constant 0 : index
    %get3A_4 = vector.load %arg2[%get3A_2, %get3A_3] : memref<256x1xf32, #tpu.memory_space<vmem>>, vector<256x1xf32>
    %get3A_5 = arith.constant 0 : index
    %get3A_6 = arith.constant 0 : index
    %get3A_7 = vector.load %arg3[%get3A_5, %get3A_6] : memref<256x1xi32, #tpu.memory_space<vmem>>, vector<256x1xi32>
    %get3A_8 = arith.constant 0 : index
    %get3A_9 = arith.constant 0 : index
    %get3A_10 = vector.load %arg4[%get3A_8, %get3A_9] : memref<256x1xi32, #tpu.memory_space<vmem>>, vector<256x1xi32>
    %get3A_11 = arith.constant 0 : index
    %get3A_12 = arith.constant 0 : index
    %get3A_13 = vector.load %arg5[%get3A_11, %get3A_12] : memref<256x1xi32, #tpu.memory_space<vmem>>, vector<256x1xi32>
    %get3A_14 = arith.constant 0 : index
    %get3A_15 = arith.constant 0 : index
    %get3A_16 = vector.load %arg7[%get3A_14, %get3A_15] : memref<1x64xi32, #tpu.memory_space<vmem>>, vector<1x64xi32>
    %iota3A = tpu.iota {dimensions = array<i32: 1>} : vector<256x64xi32>
    %eq3A = vector.broadcast %get3A_7 : vector<256x1xi32> to vector<256x64xi32>
    %eq3A_17 = arith.cmpi eq, %iota3A, %eq3A : vector<256x64xi32>
    %eq3A_18 = vector.broadcast %get3A_10 : vector<256x1xi32> to vector<256x64xi32>
    %eq3A_19 = arith.cmpi eq, %iota3A, %eq3A_18 : vector<256x64xi32>
    %jit3A = arith.constant 0 : i32
    %broadcast_in_dim3A = vector.shape_cast %get3A_16 : vector<1x64xi32> to vector<1x64xi32>
    %broadcast_in_dim3A_20 = vector.broadcast %broadcast_in_dim3A : vector<1x64xi32> to vector<256x64xi32>
    %broadcast_in_dim3A_21 = vector.broadcast %jit3A : i32 to vector<256x64xi32>
    %select_n3A = arith.select %eq3A_19, %broadcast_in_dim3A_20, %broadcast_in_dim3A_21 : vector<256x64xi1>, vector<256x64xi32>
    %reduce_sum3A = arith.constant dense<0> : vector<256xi32>
    %reduce_sum3A_22 = vector.multi_reduction <add>, %select_n3A, %reduce_sum3A [1] : vector<256x64xi32> to vector<256xi32>
    %broadcast_in_dim3A_23 = vector.shape_cast %reduce_sum3A_22 : vector<256xi32> to vector<256x1xi32>
    %get3A_24 = arith.constant 0 : index
    %get3A_25 = arith.constant 0 : index
    %get3A_26 = vector.load %arg6[%get3A_24, %get3A_25] : memref<256x1xi32, #tpu.memory_space<vmem>>, vector<256x1xi32>
    %add3A = arith.addi %get3A_26, %broadcast_in_dim3A_23 : vector<256x1xi32>
    %lt3A = arith.constant 128 : i32
    %lt3A_27 = vector.broadcast %lt3A : i32 to vector<256x1xi32>
    %lt3A_28 = arith.cmpi slt, %get3A_13, %lt3A_27 : vector<256x1xi32>
    %convert_element_type3A = arith.extui %lt3A_28 : vector<256x1xi1> to vector<256x1xi32>
    %convert_element_type3A_29 = arith.sitofp %convert_element_type3A : vector<256x1xi32> to vector<256x1xf32>
    %lt3A_30 = arith.constant 128 : i32
    %lt3A_31 = vector.broadcast %lt3A_30 : i32 to vector<256x1xi32>
    %lt3A_32 = arith.cmpi slt, %add3A, %lt3A_31 : vector<256x1xi32>
    %convert_element_type3A_33 = arith.extui %lt3A_32 : vector<256x1xi1> to vector<256x1xi32>
    %convert_element_type3A_34 = arith.sitofp %convert_element_type3A_33 : vector<256x1xi32> to vector<256x1xf32>
    %sub3A = arith.subf %get3A_4, %get3A_1 : vector<256x1xf32>
    %exp3A = math.exp %sub3A : vector<256x1xf32>
    %mul3A = arith.mulf %convert_element_type3A_34, %exp3A : vector<256x1xf32>
    %add3A_35 = arith.addf %convert_element_type3A_29, %mul3A : vector<256x1xf32>
    %gt3A = arith.constant 0.000000e+00 : f32
    %gt3A_36 = vector.broadcast %gt3A : f32 to vector<256x1xf32>
    %gt3A_37 = arith.cmpf ogt, %add3A_35, %gt3A_36 : vector<256x1xf32>
    %gt3A_38 = arith.constant 0.000000e+00 : f32
    %gt3A_39 = vector.broadcast %gt3A_38 : f32 to vector<256x1xf32>
    %gt3A_40 = arith.cmpf ogt, %add3A_35, %gt3A_39 : vector<256x1xf32>
    %jit3A_41 = arith.constant 1.000000e+00 : f32
    %broadcast_in_dim3A_42 = vector.broadcast %jit3A_41 : f32 to vector<256x1xf32>
    %select_n3A_43 = arith.select %gt3A_40, %add3A_35, %broadcast_in_dim3A_42 : vector<256x1xi1>, vector<256x1xf32>
    %div3A = arith.constant 1.000000e+00 : f32
    %div3A_44 = vector.broadcast %div3A : f32 to vector<256x1xf32>
    %div3A_45 = arith.divf %div3A_44, %select_n3A_43 : vector<256x1xf32>
    %jit3A_46 = arith.constant 0.000000e+00 : f32
    %broadcast_in_dim3A_47 = vector.broadcast %jit3A_46 : f32 to vector<256x1xf32>
    %select_n3A_48 = arith.select %gt3A_37, %div3A_45, %broadcast_in_dim3A_47 : vector<256x1xi1>, vector<256x1xf32>
    %mul3A_49 = arith.mulf %convert_element_type3A_29, %select_n3A_48 : vector<256x1xf32>
    %mul3A_50 = arith.mulf %convert_element_type3A_34, %exp3A : vector<256x1xf32>
    %mul3A_51 = arith.mulf %mul3A_50, %select_n3A_48 : vector<256x1xf32>
    %iota3A_52 = tpu.iota {dimensions = array<i32: 1>} : vector<256x128xi32>
    %eq3A_53 = vector.broadcast %get3A_13 : vector<256x1xi32> to vector<256x128xi32>
    %eq3A_54 = arith.cmpi eq, %iota3A_52, %eq3A_53 : vector<256x128xi32>
    %convert_element_type3A_55 = arith.extui %eq3A_54 : vector<256x128xi1> to vector<256x128xi32>
    %convert_element_type3A_56 = arith.sitofp %convert_element_type3A_55 : vector<256x128xi32> to vector<256x128xf32>
    %eq3A_57 = vector.broadcast %add3A : vector<256x1xi32> to vector<256x128xi32>
    %eq3A_58 = arith.cmpi eq, %iota3A_52, %eq3A_57 : vector<256x128xi32>
    %convert_element_type3A_59 = arith.extui %eq3A_58 : vector<256x128xi1> to vector<256x128xi32>
    %convert_element_type3A_60 = arith.sitofp %convert_element_type3A_59 : vector<256x128xi32> to vector<256x128xf32>
    %convert_element_type3A_61 = arith.extui %eq3A_17 : vector<256x64xi1> to vector<256x64xi32>
    %convert_element_type3A_62 = arith.sitofp %convert_element_type3A_61 : vector<256x64xi32> to vector<256x64xf32>
    %mul3A_63 = vector.broadcast %mul3A_49 : vector<256x1xf32> to vector<256x64xf32>
    %mul3A_64 = arith.mulf %mul3A_63, %convert_element_type3A_62 : vector<256x64xf32>
    %broadcast_in_dim3A_65 = vector.shape_cast %mul3A_64 : vector<256x64xf32> to vector<256x64x1xf32>
    %broadcast_in_dim3A_66 = vector.shape_cast %convert_element_type3A_56 : vector<256x128xf32> to vector<256x1x128xf32>
    %mul3A_67 = vector.broadcast %broadcast_in_dim3A_65 : vector<256x64x1xf32> to vector<256x64x128xf32>
    %mul3A_68 = vector.broadcast %broadcast_in_dim3A_66 : vector<256x1x128xf32> to vector<256x64x128xf32>
    %mul3A_69 = arith.mulf %mul3A_67, %mul3A_68 : vector<256x64x128xf32>
    %convert_element_type3A_70 = arith.extui %eq3A_19 : vector<256x64xi1> to vector<256x64xi32>
    %convert_element_type3A_71 = arith.sitofp %convert_element_type3A_70 : vector<256x64xi32> to vector<256x64xf32>
    %mul3A_72 = vector.broadcast %mul3A_51 : vector<256x1xf32> to vector<256x64xf32>
    %mul3A_73 = arith.mulf %mul3A_72, %convert_element_type3A_71 : vector<256x64xf32>
    %broadcast_in_dim3A_74 = vector.shape_cast %mul3A_73 : vector<256x64xf32> to vector<256x64x1xf32>
    %broadcast_in_dim3A_75 = vector.shape_cast %convert_element_type3A_60 : vector<256x128xf32> to vector<256x1x128xf32>
    %mul3A_76 = vector.broadcast %broadcast_in_dim3A_74 : vector<256x64x1xf32> to vector<256x64x128xf32>
    %mul3A_77 = vector.broadcast %broadcast_in_dim3A_75 : vector<256x1x128xf32> to vector<256x64x128xf32>
    %mul3A_78 = arith.mulf %mul3A_76, %mul3A_77 : vector<256x64x128xf32>
    %add3A_79 = arith.addf %mul3A_69, %mul3A_78 : vector<256x64x128xf32>
    %swap3A = arith.constant 0 : index
    %swap3A_80 = arith.constant 0 : index
    %swap3A_81 = arith.constant 0 : index
    %swap3A_82 = vector.load %arg8[%swap3A, %swap3A_80, %swap3A_81] : memref<256x64x128xf32, #tpu.memory_space<vmem>>, vector<256x64x128xf32>
    tpu.vector_store %arg8[%swap3A, %swap3A_80, %swap3A_81], %add3A_79 {strides = array<i32>} : memref<256x64x128xf32, #tpu.memory_space<vmem>>, vector<256x64x128xf32>,
    %lt3A_83 = arith.constant 128 : i32
    %lt3A_84 = vector.broadcast %lt3A_83 : i32 to vector<256x1xi32>
    %lt3A_85 = arith.cmpi slt, %get3A_13, %lt3A_84 : vector<256x1xi32>
    %and3A = vector.broadcast %lt3A_85 : vector<256x1xi1> to vector<256x64xi1>
    %and3A_86 = arith.andi %eq3A_17, %and3A : vector<256x64xi1>
    %lt3A_87 = arith.constant 128 : i32
    %lt3A_88 = vector.broadcast %lt3A_87 : i32 to vector<256x1xi32>
    %lt3A_89 = arith.cmpi slt, %add3A, %lt3A_88 : vector<256x1xi32>
    %and3A_90 = vector.broadcast %lt3A_89 : vector<256x1xi1> to vector<256x64xi1>
    %and3A_91 = arith.andi %eq3A_19, %and3A_90 : vector<256x64xi1>
    %jit3A_92 = arith.constant 128 : i32
    %broadcast_in_dim3A_93 = vector.shape_cast %add3A : vector<256x1xi32> to vector<256x1xi32>
    %broadcast_in_dim3A_94 = vector.broadcast %broadcast_in_dim3A_93 : vector<256x1xi32> to vector<256x64xi32>
    %broadcast_in_dim3A_95 = vector.broadcast %jit3A_92 : i32 to vector<256x64xi32>
    %select_n3A_96 = arith.select %and3A_91, %broadcast_in_dim3A_94, %broadcast_in_dim3A_95 : vector<256x64xi1>, vector<256x64xi32>
    %broadcast_in_dim3A_97 = vector.shape_cast %get3A_13 : vector<256x1xi32> to vector<256x1xi32>
    %broadcast_in_dim3A_98 = vector.broadcast %broadcast_in_dim3A_97 : vector<256x1xi32> to vector<256x64xi32>
    %select_n3A_99 = arith.select %and3A_86, %broadcast_in_dim3A_98, %select_n3A_96 : vector<256x64xi1>, vector<256x64xi32>
    %swap3A_100 = arith.constant 0 : index
    %swap3A_101 = arith.constant 0 : index
    %swap3A_102 = vector.load %arg9[%swap3A_100, %swap3A_101] : memref<256x64xi32, #tpu.memory_space<vmem>>, vector<256x64xi32>
    tpu.vector_store %arg9[%swap3A_100, %swap3A_101], %select_n3A_99 {strides = array<i32>} : memref<256x64xi32, #tpu.memory_space<vmem>>, vector<256x64xi32>,
    return
  }
  func.func @transform_0(%arg0: i32) -> (i32, i32) {
    %c0_i32 = arith.constant 0 : i32
    %c0_i32_0 = arith.constant 0 : i32
    return %arg0, %c0_i32 : i32, i32
  }
  func.func @transform_1(%arg0: i32) -> (i32, i32) {
    %c0_i32 = arith.constant 0 : i32
    %c0_i32_0 = arith.constant 0 : i32
    return %arg0, %c0_i32 : i32, i32
  }
  func.func @transform_2(%arg0: i32) -> (i32, i32) {
    %c0_i32 = arith.constant 0 : i32
    %c0_i32_0 = arith.constant 0 : i32
    return %arg0, %c0_i32 : i32, i32
  }
  func.func @transform_3(%arg0: i32) -> (i32, i32) {
    %c0_i32 = arith.constant 0 : i32
    %c0_i32_0 = arith.constant 0 : i32
    return %arg0, %c0_i32 : i32, i32
  }
  func.func @transform_4(%arg0: i32) -> (i32, i32) {
    %c0_i32 = arith.constant 0 : i32
    %c0_i32_0 = arith.constant 0 : i32
    return %arg0, %c0_i32 : i32, i32
  }
  func.func @transform_5(%arg0: i32) -> (i32, i32) {
    %c0_i32 = arith.constant 0 : i32
    %c0_i32_0 = arith.constant 0 : i32
    return %arg0, %c0_i32 : i32, i32
  }
  func.func @transform_6(%arg0: i32) -> (i32, i32) {
    %c0_i32 = arith.constant 0 : i32
    %c0_i32_0 = arith.constant 0 : i32
    %c0_i32_1 = arith.constant 0 : i32
    return %c0_i32, %c0_i32_0 : i32, i32
  }
  func.func @transform_7(%arg0: i32) -> (i32, i32, i32) {
    %c0_i32 = arith.constant 0 : i32
    %c0_i32_0 = arith.constant 0 : i32
    %c0_i32_1 = arith.constant 0 : i32
    return %arg0, %c0_i32, %c0_i32_0 : i32, i32, i32
  }
  func.func @transform_8(%arg0: i32) -> (i32, i32) {
    %c0_i32 = arith.constant 0 : i32
    %c0_i32_0 = arith.constant 0 : i32
    return %arg0, %c0_i32 : i32, i32
  }
}

</mosaic_0001>

<sc_bundles>
// kernel: kernel.5.cloned.1.call-start
scs
__scs_entry_jumppad:
0x0: {  	(pc) =	sbr.rel $0x88, $3  }
0x1: {  	(tag) =	ssettag $0x0;
	lr =	simm.s32 $0x1  }
0x2: {  	[smem:$0x3F9F] =	sst lr;
	_ =	strace $0xD0000000  }
0x3: {  	_ = 	snop  }
0x4: {  	_ = 	snop  }
0x5: {  	_ = 	snop  }
0x6: {  	_ = 	snop  }
0x7: {  	_ = 	snop  }
__scs_overlays_trampoline_lowered:
0x8: {  	[smem:$0x3FAE] =	sst s0  }
0x9: {  	[smem:$0x3FAF] =	sst s1  }
0xa: {  	[smem:$0x3FB0] =	sst s2  }
0xb: {  	[smem:$0x3FB1] =	sst s3  }
0xc: {  	[smem:$0x3FB2] =	sst s4  }
0xd: {  	[smem:$0x3FB3] =	sst s5  }
0xe: {  	[smem:$0x3FB4] =	sst s6  }
0xf: {  	[smem:$0x3FB5] =	sst s7  }
0x10: {  	[smem:$0x3FB6] =	sst s8  }
0x11: {  	[smem:$0x3FB7] =	sst s9;
	s0 =	simm.s32 @!p0 $0x0  }
0x12: {  	s1 =	sld [smem:$0x3F9D];
	s0 =	simm.s32 @p0 $0x1  }
0x13: {  	[smem:$0x3FB8] =	sst s0;
	s0 =	simm.s32 @!p1 $0x0  }
0x14: {  	s2 =	sld [smem:$0x3F9C];
	s0 =	simm.s32 @p1 $0x1  }
0x15: {  	[smem:$0x3FB9] =	sst s0;
	s0 =	simm.s32 @!p2 $0x0  }
0x16: {  	s3 =	sld [smem:$0x3FDB];
	s0 =	simm.s32 @p2 $0x1  }
0x17: {  	s4 =	simm.s32 $0x1BF5;
	[smem:$0x3FBB] =	sst s0  }
0x18: {  	s0 =	sld [smem:$0x3F9E];
	_ =	swait.ge [sflag:s4], $0x0  }
0x19: {  	s7 =	sld [smem:$0x3F9F]  }
0x1a: {  	s8 =	sadd.s32 $0xFFFFE003, lr  }
0x1b: {  	s9 =	sadd.s32 $0xFFFFFEF7, lr;
	s5 =	simm.s32 $0xFFFFFFFF;
	p2 =	slt.u32 s8, $0xFFFFF086  }
0x1c: {  	p1 =	slt.u32 s9, $0xF7A;
	s5 =	simm.s32 @!p2 $0x0  }
0x1d: {  	s5 =	simm.s32 @p1 $0x1;
	p0 =	seq.s32 s7, s2  }
0x1e: {  	s7 =	smul.u32 @!p0 $0xF7A, s2;
	p2 =	seq.s32 @!p0 s5, $0x0  }
0x1f: {  	s9 =	smul.u32 $0xF7A, s1;
	s8 =	simm.s32 @!p0 $0x1BF5;
	p2 =	por !p2, p0  }
0x20: {  	[sflag:s8] =	ssyncset.s32 @!p0 $0xFFFFF086;
	s6 =	sadd.s32 @!p0 s3, s7;
	s7 =	simm.s32 @!p0 $0x108  }
0x21: {  	s3 =	sadd.s32 s3, s9;
	s6 =	sadd.s32 @!p0 $0x88, s6;
	s7 =	simm.s32 @p2 $0x1082  }
0x22: {  	[simem:s7], [sflag:s8] =	dma.local @!p0 [hbm:s6], $0xF7A  }
0x23: {  	s9 =	sor.u32 $0xD0000000, s2;
	s6 =	simm.s32 $0x108;
	_ =	swait.ge @!p0 [sflag:s8], $0x0  }
0x24: {  	s3 =	sadd.s32 $0x88, s3;
	s6 =	simm.s32 @!p1 $0x1082;
	[sflag:s4] =	ssyncset.s32 $0xFFFFF086  }
0x25: {  	[simem:s6], [sflag:s4] =	dma.local [hbm:s3], $0xF7A  }
0x26: {  	[smem:$0x3F9F] =	sst s1;
	(tag) =	ssettag s2;
	_ =	strace s9  }
0x27: {  	s1 =	sld [smem:$0x3FAF]  }
0x28: {  	s2 =	sld [smem:$0x3FB0]  }
0x29: {  	s4 =	sld [smem:$0x3FB2]  }
0x2a: {  	p0 =	seq.s32 s5, $0x0;
	s5 =	sld [smem:$0x3FB3]  }
0x2b: {  	s6 =	sld [smem:$0x3FB4]  }
0x2c: {  	s7 =	sld [smem:$0x3FB5]  }
0x2d: {  	s3 =	simm.s32 $0x108;
	s8 =	sld [smem:$0x3FB6]  }
0x2e: {  	s3 =	simm.s32 @!p0 $0x1082;
	s9 =	sld [smem:$0x3FB7]  }
0x2f: {  	lr =	sadd.s32 s0, s3;
	s0 =	sld [smem:$0x3FAE]  }
0x30: {  	s3 =	sld [smem:$0x3FB1]  }
0x31: {  	[smem:$0x3FBA] =	sst s10  }
0x32: {  	s10 =	sld [smem:$0x3FB8];
	_ =	sdelay $0x3  }
0x33: {  	p0 =	seq.s32 s10, $0x1;
	s10 =	sld [smem:$0x3FBA];
	_ =	sdelay $0x3  }
0x34: {  	[smem:$0x3FBA] =	sst s10  }
0x35: {  	s10 =	sld [smem:$0x3FB9];
	_ =	sdelay $0x3  }
0x36: {  	p1 =	seq.s32 s10, $0x1;
	s10 =	sld [smem:$0x3FBA];
	_ =	sdelay $0x3  }
0x37: {  	[smem:$0x3FBA] =	sst s10  }
0x38: {  	s10 =	sld [smem:$0x3FBB]  }
0x39: {  	_ = 	snop;
	(pc) =	sbr.ind lr, $3  }
0x3a: {  	_ = 	snop  }
0x3b: {  	_ = 	snop  }
0x3c: {  	p2 =	seq.s32 s10, $0x1;
	s10 =	sld [smem:$0x3FBA]  }
0x3d: {  	_ =	shalt  }
0x3e: {  	_ =	shalt  }
0x3f: {  	_ =	shalt  }
0x40: {  	_ =	shalt  }
0x41: {  	_ =	shalt  }
0x42: {  	_ =	shalt  }
0x43: {  	_ =	shalt  }
0x44: {  	_ =	shalt  }
0x45: {  	_ =	shalt  }
0x46: {  	_ =	shalt  }
0x47: {  	_ =	shalt  }
0x48: {  	_ =	shalt  }
0x49: {  	_ =	shalt  }
0x4a: {  	_ =	shalt  }
0x4b: {  	_ =	shalt  }
0x4c: {  	_ =	shalt  }
0x4d: {  	_ =	shalt  }
0x4e: {  	_ =	shalt  }
0x4f: {  	_ =	shalt  }
0x50: {  	_ =	shalt  }
0x51: {  	_ =	shalt  }
0x52: {  	_ =	shalt  }
0x53: {  	_ =	shalt  }
0x54: {  	_ =	shalt  }
0x55: {  	_ =	shalt  }
0x56: {  	_ =	shalt  }
0x57: {  	_ =	shalt  }
0x58: {  	_ =	shalt  }
0x59: {  	_ =	shalt  }
0x5a: {  	_ =	shalt  }
0x5b: {  	_ =	shalt  }
0x5c: {  	_ =	shalt  }
0x5d: {  	_ =	shalt  }
0x5e: {  	_ =	shalt  }
0x5f: {  	_ =	shalt  }
0x60: {  	_ =	shalt  }
0x61: {  	_ =	shalt  }
0x62: {  	_ =	shalt  }
0x63: {  	_ =	shalt  }
0x64: {  	_ =	shalt  }
0x65: {  	_ =	shalt  }
0x66: {  	_ =	shalt  }
0x67: {  	_ =	shalt  }
0x68: {  	_ =	shalt  }
0x69: {  	_ =	shalt  }
0x6a: {  	_ =	shalt  }
0x6b: {  	_ =	shalt  }
0x6c: {  	_ =	shalt  }
0x6d: {  	_ =	shalt  }
0x6e: {  	_ =	shalt  }
0x6f: {  	_ =	shalt  }
0x70: {  	_ =	shalt  }
0x71: {  	_ =	shalt  }
0x72: {  	_ =	shalt  }
0x73: {  	_ =	shalt  }
0x74: {  	_ =	shalt  }
0x75: {  	_ =	shalt  }
0x76: {  	_ =	shalt  }
0x77: {  	_ =	shalt  }
0x78: {  	_ =	shalt  }
0x79: {  	_ =	shalt  }
0x7a: {  	_ =	shalt  }
0x7b: {  	_ =	shalt  }
0x7c: {  	_ =	shalt  }
0x7d: {  	_ =	shalt  }
0x7e: {  	_ =	shalt  }
0x7f: {  	_ =	shalt  }
0x80: {  	_ =	shalt  }
0x81: {  	_ =	shalt  }
0x82: {  	_ =	shalt  }
0x83: {  	_ =	shalt  }
0x84: {  	_ =	shalt  }
0x85: {  	_ =	shalt  }
0x86: {  	_ =	shalt  }
0x87: {  	_ =	shalt  }
.Lfunc_end0:
.L_simem_size_0:
called_computation_lowered:
.L_overlay_start_0:
0x88: {  	s2 =	sld [smem:$0x3FD9]  }
0x89: {  	s3 =	sld [smem:$0x3FFE];
	_ =	sdelay $0x1  }
0x8a: {  	s1 =	srdreg.scid  }
0x8b: {  	s0 =	sand.u32 $0x1, s1  }
0x8c: {  	s14 =	sshll.u32 s0, $0xA;
	s2 =	sadd.s32 s3, s2  }
0x8d: {  	s2 =	sadd.s32 s2, s14  }
0x8e: {  	[smem:$0x3FC6] =	sst s2  }
0x8f: {  	_ = 	snop  }
0x90: {  	s2 =	sld [smem:$0x3FD0];
	_ =	sdelay $0x2  }
0x91: {  	s15 =	simm.s32 $0xA;
	s4 =	simm.s32 $0x10  }
0x92: {  	[smem:s4], [sflag:s15] =	dma.local [hbm:s2], $0x1  }
0x93: {  	_ =	swait.eq [sflag:s15], $0x1  }
0x94: {  	[sflag:s15] =	ssyncset.done $0x0  }
0x95: {  	[sflag:s15] =	ssyncadd.s32 $0xFFFFFFFF  }
0x96: {  	s16 =	sld [smem:$0x12];
	(tm) =	ssettm $0x1  }
0x97: {  	s17 =	sld [smem:$0x3FFB];
	_ =	sdelay $0x3  }
0x98: {  	_ =	strace s17  }
0x99: {  	s3 =	sld [smem:$0x3FFC];
	_ =	sdelay $0x3  }
0x9a: {  	_ =	strace s3  }
0x9b: {  	s3 =	sld [smem:$0x3FFD];
	_ =	sdelay $0x3  }
0x9c: {  	_ =	strace s3  }
0x9d: {  	_ =	strace $0x8FFFFFFF  }
0x9e: {  	s18 =	sld [smem:$0x3FDB];
	_ =	sdelay $0x1  }
0x9f: {  	s19 =	simm.s32 $_scs_section_size  }
0xa0: {  	s5 =	simm.s32 $_size__tile_overlayer_lowered;
	s6 =	simm.s32 $_tile_overlayer_lowered  }
0xa1: {  	s22 =	simm.s32 $0x1BFF;
	s21 =	sshll.u32 s6, $0x1;
	s3 =	sadd.s32 s19, s18  }
0xa2: {  	s7 =	simm.s32 $0x0;
	s20 =	sshll.u32 s5, $0x1;
	s5 =	sadd.s32 s21, s3  }
0xa3: {  	[timem:s7], [sflag:s22] =	dma.local [hbm:s5], s20  }
0xa4: {  	_ =	swait.ge [sflag:s22], s20  }
0xa5: {  	s4 =	ssub.s32 $0x0, s20;
	[sflag:s22] =	ssyncset.done $0x0  }
0xa6: {  	[sflag:s22] =	ssyncadd.s32 s4;
	_ =	sdelay $0x1  }
0xa7: {  	s23 =	simm.s32 $0x1B8B  }
0xa8: {  	_ =	swait.ge [sflag:s23], $0x1  }
0xa9: {  	[sflag:s23] =	ssyncset.done $0x0  }
0xaa: {  	s25 =	simm.s32 $0x1B8E;
	s24 =	sld [smem:$0x3FFE];
	[sflag:s23] =	ssyncadd.s32 $0xFFFFFFFF  }
0xab: {  	s26 =	simm.s32 $execute0_lowered;
	[smem:$0x3FD2] =	sst s25  }
0xac: {  	s5 =	sshll.u32 s26, $0x1;
	_ =	strace $0x80000046;
	[dreg:$0x1] =	wrdreg $0xFFFFFFFF  }
0xad: {  	s28 =	simm.s32 $_size_execute0_lowered;
	s3 =	sadd.s32 s3, s5;
	[dreg:$0x0] =	wrdreg $0x0  }
0xae: {  	s5 =	sshll.u32 s28, $0x1;
	[dreg:$0x2] =	wrdreg s3  }
0xaf: {  	[dreg:$0x3] =	wrdreg s5  }
0xb0: {  	[dreg:$0x4] =	wrdreg $0xC0  }
0xb1: {  	_ =	task [dreg:s7], $0x5FFFF  }
0xb2: {  	[dreg:$0x1] =	wrdreg $0xFFFFFFFF  }
0xb3: {  	[dreg:$0x0] =	wrdreg $0x60  }
0xb4: {  	[dreg:$0x2] =	wrdreg s16  }
0xb5: {  	[dreg:$0x3] =	wrdreg s24  }
0xb6: {  	[dreg:$0x4] =	wrdreg $0x9  }
0xb7: {  	_ =	task.clear_ibuf [dreg:s7], $0x5FFFF;
	_ =	strace $0x90000046  }
0xb8: {  	s29 =	simm.s32 $0x9;
	_ =	strace $0x80000048  }
0xb9: {  	_ =	swait.ge [sflag:s29], $0x1  }
0xba: {  	[sflag:s29] =	ssyncadd.s32 $0xFFFFFFFF  }
0xbb: {  	_ =	strace $0x90000048  }
0xbc: {  	_ =	sfence  }
0xbd: {  	s30 =	sld [smem:$0x0];
	_ =	sdelay $0x2  }
0xbe: {  	s31 =	sshll.u32 s1, $0xD;
	s1 =	sshrl.u32 s1, $0x2  }
0xbf: {  	s3 =	sand.u32 $0x4000, s31;
	s1 =	sadd.s32 s1, s30  }
0xc0: {  	s0 =	sor.u32 s3, s0;
	s1 =	sshll.u32 s1, $0x11  }
0xc1: {  	s0 =	sor.u32 s1, s0  }
0xc2: {  	s0 =	sadd.s32 $0x8F2B, s0  }
0xc3: {  	[sflag:s0] =	ssyncadd.remote.s32 $0x1  }
0xc4: {  	_ =	sfence.sel $0xFFFF  }
0xc5: {  	[dreg:$0x0] =	wrdreg $0xFFFFFFFF;
	(pc) =	sbr.abs _section_cstart, $3  }
0xc6: {  	[dreg:$0x1] =	wrdreg $0xFFFFFFFF  }
0xc7: {  	_ =	task.clear_ibuf [dreg:s7], $0x2FFFF;
	_ =	strace $0x9FFFFFFF  }
0xc8: {  	(tm) =	ssettm $0x7FFFFFFF  }
0xc9: {  	_ =	shalt  }
tec
execute0_lowered:
.L_overlay_start_1:
0x0: {  	(tag) =	ssettag $0x1  }
0x1: {  	s4 =	rddreg [dreg:$0x0]  }
0x2: {  	s3 =	rddreg [dreg:$0x1];
	s2 =	simm.s32 $0x0  }
0x3: {  	s6 =	simm.s32 $0x180;
	[smem:$0x7FF] =	sst s2  }
0x4: {  	s7 =	simm.s32 $0x200;
	_ =	strace $0x80000047;
	[dreg:$0x15] =	wrdreg s6  }
0x5: {  	s0 =	srdreg.scid;
	s8 =	simm.s32 $0x280;
	[dreg:$0x16] =	wrdreg s7  }
0x6: {  	s11 =	stileid.u32;
	s9 =	simm.s32 $0x300;
	[dreg:$0x17] =	wrdreg s8  }
0x7: {  	s1 =	sand.u32 $0x1, s0;
	[dreg:$0x18] =	wrdreg s9;
	s6 =	simm.s32 $0xC80  }
0x8: {  	s10 =	sshll.u32 s11, $0xE;
	s7 =	simm.s32 $0xD00;
	[smem:$0x7EB] =	sst s6  }
0x9: {  	s5 =	sshll.u32 s1, $0xD;
	s8 =	simm.s32 $0xD80;
	[smem:$0x7EC] =	sst s7  }
0xa: {  	s9 =	simm.s32 $0xE00;
	s0 =	sor.u32 s5, s10;
	[smem:$0x7ED] =	sst s8  }
0xb: {  	s10 =	simm.s32 $0x380;
	[smem:$0x7EE] =	sst s9;
	s5 =	sshll.u32 s0, $0x4  }
0xc: {  	s0 =	sshrl.u32 s0, $0x3;
	[dreg:$0x19] =	wrdreg s10;
	s10 =	simm.s32 $0xE80  }
0xd: {  	s5 =	sadd.s32 s5, s3;
	s0 =	sadd.s32 s4, s0;
	[smem:$0x7EF] =	sst s10  }
0xe: {  	[dreg:$0x3] =	wrdreg s0;
	s12 =	sadd.s32 $0x1600, s5  }
0xf: {  	s13 =	sadd.s32 $0x3600, s5;
	[dreg:$0x4] =	wrdreg s12  }
0x10: {  	s14 =	sadd.s32 $0x5600, s5;
	[dreg:$0x5] =	wrdreg s13  }
0x11: {  	s15 =	sadd.s32 $0x7600, s5;
	[dreg:$0x6] =	wrdreg s14  }
0x12: {  	s16 =	sadd.s32 $0x9600, s5;
	[dreg:$0x7] =	wrdreg s15  }
0x13: {  	s17 =	sadd.s32 $0xB600, s5;
	[dreg:$0x8] =	wrdreg s16  }
0x14: {  	s18 =	sadd.s32 $0xD600, s5;
	[dreg:$0x9] =	wrdreg s17  }
0x15: {  	s19 =	sadd.s32 $0xF600, s5;
	[dreg:$0xa] =	wrdreg s18  }
0x16: {  	s20 =	sadd.s32 $0x11600, s5;
	[dreg:$0xb] =	wrdreg s19  }
0x17: {  	s21 =	sadd.s32 $0x13600, s5;
	[dreg:$0xc] =	wrdreg s20  }
0x18: {  	s22 =	sadd.s32 $0x15600, s5;
	[dreg:$0xd] =	wrdreg s21  }
0x19: {  	s23 =	sadd.s32 $0x17600, s5;
	[dreg:$0xe] =	wrdreg s22  }
0x1a: {  	s24 =	sadd.s32 $0x19600, s5;
	[dreg:$0xf] =	wrdreg s23  }
0x1b: {  	s25 =	sadd.s32 $0x1B600, s5;
	[dreg:$0x10] =	wrdreg s24  }
0x1c: {  	s26 =	sadd.s32 $0x1D600, s5;
	[dreg:$0x11] =	wrdreg s25  }
0x1d: {  	s4 =	sadd.s32 $0x1F600, s5;
	[dreg:$0x12] =	wrdreg s26  }
0x1e: {  	s5 =	simm.s32 $0x100;
	[dreg:$0x13] =	wrdreg s4  }
0x1f: {  	[dreg:$0x14] =	wrdreg s5  }
0x20: {  	s12 =	simm.s32 $0x400;
	s0 =	rddreg [dreg:$0x3]  }
0x21: {  	s13 =	simm.s32 $0x480;
	[dreg:$0x1a] =	wrdreg s12  }
0x22: {  	s14 =	simm.s32 $0x500;
	[dreg:$0x1b] =	wrdreg s13  }
0x23: {  	s15 =	simm.s32 $0x580;
	[dreg:$0x1c] =	wrdreg s14  }
0x24: {  	s16 =	simm.s32 $0x600;
	[dreg:$0x1d] =	wrdreg s15  }
0x25: {  	s17 =	simm.s32 $0x680;
	[dreg:$0x1e] =	wrdreg s16  }
0x26: {  	s18 =	simm.s32 $0x700;
	[dreg:$0x1f] =	wrdreg s17  }
0x27: {  	s19 =	simm.s32 $0x780;
	[smem:$0x7E0] =	sst s18  }
0x28: {  	s20 =	simm.s32 $0x800;
	[smem:$0x7E1] =	sst s19  }
0x29: {  	s21 =	simm.s32 $0x880;
	[smem:$0x7E2] =	sst s20  }
0x2a: {  	s22 =	simm.s32 $0x900;
	[smem:$0x7E3] =	sst s21  }
0x2b: {  	s23 =	simm.s32 $0x980;
	[smem:$0x7E4] =	sst s22  }
0x2c: {  	s24 =	simm.s32 $0xA00;
	[smem:$0x7E5] =	sst s23  }
0x2d: {  	s25 =	simm.s32 $0xA80;
	[smem:$0x7E6] =	sst s24  }
0x2e: {  	s26 =	simm.s32 $0xB00;
	[smem:$0x7E7] =	sst s25  }
0x2f: {  	s4 =	simm.s32 $0xB80;
	[smem:$0x7E8] =	sst s26  }
0x30: {  	s29 =	simm.s32 $0x1600;
	s5 =	simm.s32 $0xC00;
	[smem:$0x7E9] =	sst s4  }
0x31: {  	s30 =	simm.s32 $0x1680;
	[smem:$0x7EA] =	sst s5;
	s12 =	simm.s32 $0xF00  }
0x32: {  	s31 =	simm.s32 $0x1700;
	s13 =	simm.s32 $0xF80;
	[smem:$0x7F0] =	sst s12  }
0x33: {  	s28 =	simm.s32 $0x1980;
	s14 =	simm.s32 $0x1000;
	[smem:$0x7F1] =	sst s13  }
0x34: {  	p0 =	por $0x0, $0x0;
	s15 =	simm.s32 $0x1080;
	[smem:$0x7F2] =	sst s14  }
0x35: {  	s1 =	ssub.s32 $0x2, s1;
	s16 =	simm.s32 $0x1100;
	[smem:$0x7F3] =	sst s15  }
0x36: {  	s6 =	simm.s32 $0x80;
	s17 =	simm.s32 $0x1180;
	[smem:$0x7F4] =	sst s16  }
0x37: {  	s8 =	simm.s32 $0x6000;
	s19 =	simm.s32 $0x1200;
	[smem:$0x7F5] =	sst s17  }
0x38: {  	s9 =	simm.s32 $0xA000;
	s20 =	simm.s32 $0x1280;
	[smem:$0x7F6] =	sst s19  }
0x39: {  	s7 =	simm.s32 $0x1;
	s21 =	simm.s32 $0x1300;
	[smem:$0x7F7] =	sst s20  }
0x3a: {  	s10 =	simm.s32 $0xE000;
	s22 =	simm.s32 $0x1380;
	[smem:$0x7F8] =	sst s21  }
0x3b: {  	s4 =	sadd.s32 $0xC00, s3;
	s23 =	simm.s32 $0x1400;
	[smem:$0x7F9] =	sst s22  }
0x3c: {  	s18 =	sshrl.u32 s1, $0x1;
	s24 =	simm.s32 $0x1480;
	[smem:$0x7FA] =	sst s23  }
0x3d: {  	s3 =	simm.s32 $0x2;
	s25 =	simm.s32 $0x1500;
	[smem:$0x7FB] =	sst s24  }
0x3e: {  	s26 =	simm.s32 $0x1580;
	s1 =	ssub.s32 s1, s18;
	[smem:$0x7FC] =	sst s25  }
0x3f: {  	s5 =	simm.s32 $0x2000;
	[smem:$0x7FD] =	sst s26;
	s1 =	smax.u32 s1, $0x1  }
0x40: {  	s16 =	simm.s32 $0x1780;
	s24 =	simm.s32 $0x1800;
	p1 =	sne.s32 s1, $0x1  }
.Ltmp0:
0x41: {  	s25 =	simm.s32 $0x1880;
	s26 =	simm.s32 $0x1900;
	(pc) =	sbr.rel @!p1 .LBB2_1-.Ltmp0, $4  }
0x42: {  	s20 =	simm.s32 $0x1A00;
	s21 =	simm.s32 $0x1A80;
	s22 =	simm.s32 $0x1B00  }
0x43: {  	s23 =	simm.s32 $0x1B80;
	s17 =	simm.s32 $0x1C80;
	s18 =	simm.s32 $0x1D00  }
0x44: {  	s19 =	simm.s32 $0x1D80;
	s12 =	simm.s32 $0x1E00;
	s13 =	simm.s32 $0x1E80  }
0x45: {  	s14 =	simm.s32 $0x1F00;
	s15 =	simm.s32 $0x1F80;
	s1 =	sadd.s32 $0xFFFFFFFF, s1  }
0x46: {  	[tilespmem:s2], [sflag:$0x2] =	stream.linear.gather [hbm4b:s0+s2], $0x2000, $0x38;
	[tilespmem:$0x12000] =	vst v63  }
0x47: {  	_ =	swait.ge [sflag:s3], $0x2000  }
0x48: {  	[sflag:s3] =	ssyncset.done $0x0  }
0x49: {  	[sflag:s3] =	ssyncadd.s32 $0xFFFFE000  }
0x4a: {  	[tilespmem:s5], [sflag:$0x1] =	stream.indirect.gather [hbm4b:s4+s6], $0x80, s2, s6, $0xb8;
	[tilespmem:$0x12000] =	vst v63  }
0x4b: {  	_ = 	snop  }
0x4c: {  	[tilespmem:s8], [sflag:$0x1] =	stream.indirect.gather [hbm4b:s4+s6], $0x80, s6, s6, $0xb8;
	[tilespmem:$0x12000] =	vst v63  }
0x4d: {  	s0 =	rddreg [dreg:$0x14]  }
0x4e: {  	[tilespmem:s9], [sflag:$0x1] =	stream.indirect.gather [hbm4b:s4+s6], $0x80, s0, s6, $0xb8;
	[tilespmem:$0x12000] =	vst v63  }
0x4f: {  	s11 =	smov.u32 s1;
	s1 =	rddreg [dreg:$0x15]  }
0x50: {  	[tilespmem:s10], [sflag:$0x1] =	stream.indirect.gather [hbm4b:s4+s6], $0x80, s1, s6, $0xb8;
	[tilespmem:$0x12000] =	vst v63  }
0x51: {  	_ =	swait.ge [sflag:s7], $0x4000  }
0x52: {  	[sflag:s7] =	ssyncset.done $0x0  }
0x53: {  	[sflag:s7] =	ssyncadd.s32 $0xFFFFC000  }
0x54: {  	_ =	swait.ge [sflag:s7], $0x4000  }
0x55: {  	[sflag:s7] =	ssyncset.done $0x0  }
0x56: {  	[sflag:s7] =	ssyncadd.s32 $0xFFFFC000  }
0x57: {  	_ =	swait.ge [sflag:s7], $0x4000  }
0x58: {  	[sflag:s7] =	ssyncset.done $0x0  }
0x59: {  	[sflag:s7] =	ssyncadd.s32 $0xFFFFC000  }
0x5a: {  	_ =	swait.ge [sflag:s7], $0x4000  }
0x5b: {  	[sflag:s7] =	ssyncset.done $0x0  }
0x5c: {  	s1 =	rddreg [dreg:$0x4];
	[sflag:s7] =	ssyncadd.s32 $0xFFFFC000  }
0x5d: {  	[hbm4b:s1+s2] =	stream.linear.scatter [tilespmem:s5], [sflag:$0x2], $0x10000, $0x38;
	[tilespmem:$0x12000] =	vst v63  }
0x5e: {  	_ =	swait.ge [sflag:s3], $0x10000  }
0x5f: {  	[sflag:s3] =	ssyncset.done $0x0  }
0x60: {  	s0 =	rddreg [dreg:$0x16];
	[sflag:s3] =	ssyncadd.s32 $0xFFFF0000  }
0x61: {  	[tilespmem:s5], [sflag:$0x1] =	stream.indirect.gather [hbm4b:s4+s6], $0x80, s0, s6, $0xb8;
	[tilespmem:$0x12000] =	vst v63  }
0x62: {  	s1 =	rddreg [dreg:$0x17]  }
0x63: {  	[tilespmem:s8], [sflag:$0x1] =	stream.indirect.gather [hbm4b:s4+s6], $0x80, s1, s6, $0xb8;
	[tilespmem:$0x12000] =	vst v63  }
0x64: {  	s0 =	rddreg [dreg:$0x18]  }
0x65: {  	[tilespmem:s9], [sflag:$0x1] =	stream.indirect.gather [hbm4b:s4+s6], $0x80, s0, s6, $0xb8;
	[tilespmem:$0x12000] =	vst v63  }
0x66: {  	s1 =	rddreg [dreg:$0x19]  }
0x67: {  	[tilespmem:s10], [sflag:$0x1] =	stream.indirect.gather [hbm4b:s4+s6], $0x80, s1, s6, $0xb8;
	[tilespmem:$0x12000] =	vst v63  }
0x68: {  	_ =	swait.ge [sflag:s7], $0x4000  }
0x69: {  	[sflag:s7] =	ssyncset.done $0x0  }
0x6a: {  	[sflag:s7] =	ssyncadd.s32 $0xFFFFC000  }
0x6b: {  	_ =	swait.ge [sflag:s7], $0x4000  }
0x6c: {  	[sflag:s7] =	ssyncset.done $0x0  }
0x6d: {  	[sflag:s7] =	ssyncadd.s32 $0xFFFFC000  }
0x6e: {  	_ =	swait.ge [sflag:s7], $0x4000  }
0x6f: {  	[sflag:s7] =	ssyncset.done $0x0  }
0x70: {  	[sflag:s7] =	ssyncadd.s32 $0xFFFFC000  }
0x71: {  	_ =	swait.ge [sflag:s7], $0x4000  }
0x72: {  	[sflag:s7] =	ssyncset.done $0x0  }
0x73: {  	s1 =	rddreg [dreg:$0x5];
	[sflag:s7] =	ssyncadd.s32 $0xFFFFC000  }
0x74: {  	[hbm4b:s1+s2] =	stream.linear.scatter [tilespmem:s5], [sflag:$0x2], $0x10000, $0x38;
	[tilespmem:$0x12000] =	vst v63  }
0x75: {  	_ =	swait.ge [sflag:s3], $0x10000  }
0x76: {  	[sflag:s3] =	ssyncset.done $0x0  }
0x77: {  	s0 =	rddreg [dreg:$0x1a];
	[sflag:s3] =	ssyncadd.s32 $0xFFFF0000  }
0x78: {  	[tilespmem:s5], [sflag:$0x1] =	stream.indirect.gather [hbm4b:s4+s6], $0x80, s0, s6, $0xb8;
	[tilespmem:$0x12000] =	vst v63  }
0x79: {  	s1 =	rddreg [dreg:$0x1b]  }
0x7a: {  	[tilespmem:s8], [sflag:$0x1] =	stream.indirect.gather [hbm4b:s4+s6], $0x80, s1, s6, $0xb8;
	[tilespmem:$0x12000] =	vst v63  }
0x7b: {  	s0 =	rddreg [dreg:$0x1c]  }
0x7c: {  	[tilespmem:s9], [sflag:$0x1] =	stream.indirect.gather [hbm4b:s4+s6], $0x80, s0, s6, $0xb8;
	[tilespmem:$0x12000] =	vst v63  }
0x7d: {  	s1 =	rddreg [dreg:$0x1d]  }
0x7e: {  	[tilespmem:s10], [sflag:$0x1] =	stream.indirect.gather [hbm4b:s4+s6], $0x80, s1, s6, $0xb8;
	[tilespmem:$0x12000] =	vst v63  }
0x7f: {  	_ =	swait.ge [sflag:s7], $0x4000  }
0x80: {  	[sflag:s7] =	ssyncset.done $0x0  }
0x81: {  	[sflag:s7] =	ssyncadd.s32 $0xFFFFC000  }
0x82: {  	_ =	swait.ge [sflag:s7], $0x4000  }
0x83: {  	[sflag:s7] =	ssyncset.done $0x0  }
0x84: {  	[sflag:s7] =	ssyncadd.s32 $0xFFFFC000  }
0x85: {  	_ =	swait.ge [sflag:s7], $0x4000  }
0x86: {  	[sflag:s7] =	ssyncset.done $0x0  }
0x87: {  	[sflag:s7] =	ssyncadd.s32 $0xFFFFC000  }
0x88: {  	_ =	swait.ge [sflag:s7], $0x4000  }
0x89: {  	[sflag:s7] =	ssyncset.done $0x0  }
0x8a: {  	s1 =	rddreg [dreg:$0x6];
	[sflag:s7] =	ssyncadd.s32 $0xFFFFC000  }
0x8b: {  	[hbm4b:s1+s2] =	stream.linear.scatter [tilespmem:s5], [sflag:$0x2], $0x10000, $0x38;
	[tilespmem:$0x12000] =	vst v63  }
0x8c: {  	_ =	swait.ge [sflag:s3], $0x10000  }
0x8d: {  	s0 =	rddreg [dreg:$0x1e];
	[sflag:s3] =	ssyncset.done $0x0  }
0x8e: {  	s1 =	rddreg [dreg:$0x1f];
	[sflag:s3] =	ssyncadd.s32 $0xFFFF0000  }
0x8f: {  	[tilespmem:s5], [sflag:$0x1] =	stream.indirect.gather [hbm4b:s4+s6], $0x80, s0, s6, $0xb8;
	[tilespmem:$0x12000] =	vst v63  }
0x90: {  	s0 =	sld [smem:$0x7E0]  }
0x91: {  	[tilespmem:s8], [sflag:$0x1] =	stream.indirect.gather [hbm4b:s4+s6], $0x80, s1, s6, $0xb8;
	[tilespmem:$0x12000] =	vst v63  }
0x92: {  	s1 =	sld [smem:$0x7E1]  }
0x93: {  	[tilespmem:s9], [sflag:$0x1] =	stream.indirect.gather [hbm4b:s4+s6], $0x80, s0, s6, $0xb8;
	[tilespmem:$0x12000] =	vst v63  }
0x94: {  	_ = 	snop  }
0x95: {  	[tilespmem:s10], [sflag:$0x1] =	stream.indirect.gather [hbm4b:s4+s6], $0x80, s1, s6, $0xb8;
	[tilespmem:$0x12000] =	vst v63  }
0x96: {  	_ =	swait.ge [sflag:s7], $0x4000  }
0x97: {  	[sflag:s7] =	ssyncset.done $0x0  }
0x98: {  	[sflag:s7] =	ssyncadd.s32 $0xFFFFC000  }
0x99: {  	_ =	swait.ge [sflag:s7], $0x4000  }
0x9a: {  	[sflag:s7] =	ssyncset.done $0x0  }
0x9b: {  	[sflag:s7] =	ssyncadd.s32 $0xFFFFC000  }
0x9c: {  	_ =	swait.ge [sflag:s7], $0x4000  }
0x9d: {  	[sflag:s7] =	ssyncset.done $0x0  }
0x9e: {  	[sflag:s7] =	ssyncadd.s32 $0xFFFFC000  }
0x9f: {  	_ =	swait.ge [sflag:s7], $0x4000  }
0xa0: {  	[sflag:s7] =	ssyncset.done $0x0  }
0xa1: {  	s1 =	rddreg [dreg:$0x7];
	[sflag:s7] =	ssyncadd.s32 $0xFFFFC000  }
0xa2: {  	[hbm4b:s1+s2] =	stream.linear.scatter [tilespmem:s5], [sflag:$0x2], $0x10000, $0x38;
	[tilespmem:$0x12000] =	vst v63  }
0xa3: {  	_ =	swait.ge [sflag:s3], $0x10000  }
0xa4: {  	s0 =	sld [smem:$0x7E2]  }
0xa5: {  	[sflag:s3] =	ssyncset.done $0x0  }
0xa6: {  	s1 =	sld [smem:$0x7E3];
	[sflag:s3] =	ssyncadd.s32 $0xFFFF0000  }
0xa7: {  	[tilespmem:s5], [sflag:$0x1] =	stream.indirect.gather [hbm4b:s4+s6], $0x80, s0, s6, $0xb8;
	[tilespmem:$0x12000] =	vst v63  }
0xa8: {  	s0 =	sld [smem:$0x7E4]  }
0xa9: {  	[tilespmem:s8], [sflag:$0x1] =	stream.indirect.gather [hbm4b:s4+s6], $0x80, s1, s6, $0xb8;
	[tilespmem:$0x12000] =	vst v63  }
0xaa: {  	s1 =	sld [smem:$0x7E5]  }
0xab: {  	[tilespmem:s9], [sflag:$0x1] =	stream.indirect.gather [hbm4b:s4+s6], $0x80, s0, s6, $0xb8;
	[tilespmem:$0x12000] =	vst v63  }
0xac: {  	_ = 	snop  }
0xad: {  	[tilespmem:s10], [sflag:$0x1] =	stream.indirect.gather [hbm4b:s4+s6], $0x80, s1, s6, $0xb8;
	[tilespmem:$0x12000] =	vst v63  }
0xae: {  	_ =	swait.ge [sflag:s7], $0x4000  }
0xaf: {  	[sflag:s7] =	ssyncset.done $0x0  }
0xb0: {  	[sflag:s7] =	ssyncadd.s32 $0xFFFFC000  }
0xb1: {  	_ =	swait.ge [sflag:s7], $0x4000  }
0xb2: {  	[sflag:s7] =	ssyncset.done $0x0  }
0xb3: {  	[sflag:s7] =	ssyncadd.s32 $0xFFFFC000  }
0xb4: {  	_ =	swait.ge [sflag:s7], $0x4000  }
0xb5: {  	[sflag:s7] =	ssyncset.done $0x0  }
0xb6: {  	[sflag:s7] =	ssyncadd.s32 $0xFFFFC000  }
0xb7: {  	_ =	swait.ge [sflag:s7], $0x4000  }
0xb8: {  	[sflag:s7] =	ssyncset.done $0x0  }
0xb9: {  	s1 =	rddreg [dreg:$0x8];
	[sflag:s7] =	ssyncadd.s32 $0xFFFFC000  }
0xba: {  	[hbm4b:s1+s2] =	stream.linear.scatter [tilespmem:s5], [sflag:$0x2], $0x10000, $0x38;
	[tilespmem:$0x12000] =	vst v63  }
0xbb: {  	_ =	swait.ge [sflag:s3], $0x10000  }
0xbc: {  	s0 =	sld [smem:$0x7E6]  }
0xbd: {  	[sflag:s3] =	ssyncset.done $0x0  }
0xbe: {  	s1 =	sld [smem:$0x7E7];
	[sflag:s3] =	ssyncadd.s32 $0xFFFF0000  }
0xbf: {  	[tilespmem:s5], [sflag:$0x1] =	stream.indirect.gather [hbm4b:s4+s6], $0x80, s0, s6, $0xb8;
	[tilespmem:$0x12000] =	vst v63  }
0xc0: {  	s0 =	sld [smem:$0x7E8]  }
0xc1: {  	[tilespmem:s8], [sflag:$0x1] =	stream.indirect.gather [hbm4b:s4+s6], $0x80, s1, s6, $0xb8;
	[tilespmem:$0x12000] =	vst v63  }
0xc2: {  	s1 =	sld [smem:$0x7E9]  }
0xc3: {  	[tilespmem:s9], [sflag:$0x1] =	stream.indirect.gather [hbm4b:s4+s6], $0x80, s0, s6, $0xb8;
	[tilespmem:$0x12000] =	vst v63  }
0xc4: {  	_ = 	snop  }
0xc5: {  	[tilespmem:s10], [sflag:$0x1] =	stream.indirect.gather [hbm4b:s4+s6], $0x80, s1, s6, $0xb8;
	[tilespmem:$0x12000] =	vst v63  }
0xc6: {  	_ =	swait.ge [sflag:s7], $0x4000  }
0xc7: {  	[sflag:s7] =	ssyncset.done $0x0  }
0xc8: {  	[sflag:s7] =	ssyncadd.s32 $0xFFFFC000  }
0xc9: {  	_ =	swait.ge [sflag:s7], $0x4000  }
0xca: {  	[sflag:s7] =	ssyncset.done $0x0  }
0xcb: {  	[sflag:s7] =	ssyncadd.s32 $0xFFFFC000  }
0xcc: {  	_ =	swait.ge [sflag:s7], $0x4000  }
0xcd: {  	[sflag:s7] =	ssyncset.done $0x0  }
0xce: {  	[sflag:s7] =	ssyncadd.s32 $0xFFFFC000  }
0xcf: {  	_ =	swait.ge [sflag:s7], $0x4000  }
0xd0: {  	[sflag:s7] =	ssyncset.done $0x0  }
0xd1: {  	s1 =	rddreg [dreg:$0x9];
	[sflag:s7] =	ssyncadd.s32 $0xFFFFC000  }
0xd2: {  	[hbm4b:s1+s2] =	stream.linear.scatter [tilespmem:s5], [sflag:$0x2], $0x10000, $0x38;
	[tilespmem:$0x12000] =	vst v63  }
0xd3: {  	_ =	swait.ge [sflag:s3], $0x10000  }
0xd4: {  	s0 =	sld [smem:$0x7EA]  }
0xd5: {  	[sflag:s3] =	ssyncset.done $0x0  }
0xd6: {  	s1 =	sld [smem:$0x7EB];
	[sflag:s3] =	ssyncadd.s32 $0xFFFF0000  }
0xd7: {  	[tilespmem:s5], [sflag:$0x1] =	stream.indirect.gather [hbm4b:s4+s6], $0x80, s0, s6, $0xb8;
	[tilespmem:$0x12000] =	vst v63  }
0xd8: {  	s0 =	sld [smem:$0x7EC]  }
0xd9: {  	[tilespmem:s8], [sflag:$0x1] =	stream.indirect.gather [hbm4b:s4+s6], $0x80, s1, s6, $0xb8;
	[tilespmem:$0x12000] =	vst v63  }
0xda: {  	s1 =	sld [smem:$0x7ED]  }
0xdb: {  	[tilespmem:s9], [sflag:$0x1] =	stream.indirect.gather [hbm4b:s4+s6], $0x80, s0, s6, $0xb8;
	[tilespmem:$0x12000] =	vst v63  }
0xdc: {  	_ = 	snop  }
0xdd: {  	[tilespmem:s10], [sflag:$0x1] =	stream.indirect.gather [hbm4b:s4+s6], $0x80, s1, s6, $0xb8;
	[tilespmem:$0x12000] =	vst v63  }
0xde: {  	_ =	swait.ge [sflag:s7], $0x4000  }
0xdf: {  	[sflag:s7] =	ssyncset.done $0x0  }
0xe0: {  	[sflag:s7] =	ssyncadd.s32 $0xFFFFC000  }
0xe1: {  	_ =	swait.ge [sflag:s7], $0x4000  }
0xe2: {  	[sflag:s7] =	ssyncset.done $0x0  }
0xe3: {  	[sflag:s7] =	ssyncadd.s32 $0xFFFFC000  }
0xe4: {  	_ =	swait.ge [sflag:s7], $0x4000  }
0xe5: {  	[sflag:s7] =	ssyncset.done $0x0  }
0xe6: {  	[sflag:s7] =	ssyncadd.s32 $0xFFFFC000  }
0xe7: {  	_ =	swait.ge [sflag:s7], $0x4000  }
0xe8: {  	[sflag:s7] =	ssyncset.done $0x0  }
0xe9: {  	s1 =	rddreg [dreg:$0xa];
	[sflag:s7] =	ssyncadd.s32 $0xFFFFC000  }
0xea: {  	[hbm4b:s1+s2] =	stream.linear.scatter [tilespmem:s5], [sflag:$0x2], $0x10000, $0x38;
	[tilespmem:$0x12000] =	vst v63  }
0xeb: {  	_ =	swait.ge [sflag:s3], $0x10000  }
0xec: {  	s0 =	sld [smem:$0x7EE]  }
0xed: {  	[sflag:s3] =	ssyncset.done $0x0  }
0xee: {  	s1 =	sld [smem:$0x7EF];
	[sflag:s3] =	ssyncadd.s32 $0xFFFF0000  }
0xef: {  	[tilespmem:s5], [sflag:$0x1] =	stream.indirect.gather [hbm4b:s4+s6], $0x80, s0, s6, $0xb8;
	[tilespmem:$0x12000] =	vst v63  }
0xf0: {  	s0 =	sld [smem:$0x7F0]  }
0xf1: {  	[tilespmem:s8], [sflag:$0x1] =	stream.indirect.gather [hbm4b:s4+s6], $0x80, s1, s6, $0xb8;
	[tilespmem:$0x12000] =	vst v63  }
0xf2: {  	s1 =	sld [smem:$0x7F1]  }
0xf3: {  	[tilespmem:s9], [sflag:$0x1] =	stream.indirect.gather [hbm4b:s4+s6], $0x80, s0, s6, $0xb8;
	[tilespmem:$0x12000] =	vst v63  }
0xf4: {  	_ = 	snop  }
0xf5: {  	[tilespmem:s10], [sflag:$0x1] =	stream.indirect.gather [hbm4b:s4+s6], $0x80, s1, s6, $0xb8;
	[tilespmem:$0x12000] =	vst v63  }
0xf6: {  	_ =	swait.ge [sflag:s7], $0x4000  }
0xf7: {  	[sflag:s7] =	ssyncset.done $0x0  }
0xf8: {  	[sflag:s7] =	ssyncadd.s32 $0xFFFFC000  }
0xf9: {  	_ =	swait.ge [sflag:s7], $0x4000  }
0xfa: {  	[sflag:s7] =	ssyncset.done $0x0  }
0xfb: {  	[sflag:s7] =	ssyncadd.s32 $0xFFFFC000  }
0xfc: {  	_ =	swait.ge [sflag:s7], $0x4000  }
0xfd: {  	[sflag:s7] =	ssyncset.done $0x0  }
0xfe: {  	[sflag:s7] =	ssyncadd.s32 $0xFFFFC000  }
0xff: {  	_ =	swait.ge [sflag:s7], $0x4000  }
0x100: {  	[sflag:s7] =	ssyncset.done $0x0  }
0x101: {  	s1 =	rddreg [dreg:$0xb];
	[sflag:s7] =	ssyncadd.s32 $0xFFFFC000  }
0x102: {  	[hbm4b:s1+s2] =	stream.linear.scatter [tilespmem:s5], [sflag:$0x2], $0x10000, $0x38;
	[tilespmem:$0x12000] =	vst v63  }
0x103: {  	_ =	swait.ge [sflag:s3], $0x10000  }
0x104: {  	s0 =	sld [smem:$0x7F2]  }
0x105: {  	[sflag:s3] =	ssyncset.done $0x0  }
0x106: {  	s1 =	sld [smem:$0x7F3];
	[sflag:s3] =	ssyncadd.s32 $0xFFFF0000  }
0x107: {  	[tilespmem:s5], [sflag:$0x1] =	stream.indirect.gather [hbm4b:s4+s6], $0x80, s0, s6, $0xb8;
	[tilespmem:$0x12000] =	vst v63  }
0x108: {  	s0 =	sld [smem:$0x7F4]  }
0x109: {  	[tilespmem:s8], [sflag:$0x1] =	stream.indirect.gather [hbm4b:s4+s6], $0x80, s1, s6, $0xb8;
	[tilespmem:$0x12000] =	vst v63  }
0x10a: {  	s1 =	sld [smem:$0x7F5]  }
0x10b: {  	[tilespmem:s9], [sflag:$0x1] =	stream.indirect.gather [hbm4b:s4+s6], $0x80, s0, s6, $0xb8;
	[tilespmem:$0x12000] =	vst v63  }
0x10c: {  	_ = 	snop  }
0x10d: {  	[tilespmem:s10], [sflag:$0x1] =	stream.indirect.gather [hbm4b:s4+s6], $0x80, s1, s6, $0xb8;
	[tilespmem:$0x12000] =	vst v63  }
0x10e: {  	_ =	swait.ge [sflag:s7], $0x4000  }
0x10f: {  	[sflag:s7] =	ssyncset.done $0x0  }
0x110: {  	[sflag:s7] =	ssyncadd.s32 $0xFFFFC000  }
0x111: {  	_ =	swait.ge [sflag:s7], $0x4000  }
0x112: {  	[sflag:s7] =	ssyncset.done $0x0  }
0x113: {  	[sflag:s7] =	ssyncadd.s32 $0xFFFFC000  }
0x114: {  	_ =	swait.ge [sflag:s7], $0x4000  }
0x115: {  	[sflag:s7] =	ssyncset.done $0x0  }
0x116: {  	[sflag:s7] =	ssyncadd.s32 $0xFFFFC000  }
0x117: {  	_ =	swait.ge [sflag:s7], $0x4000  }
0x118: {  	[sflag:s7] =	ssyncset.done $0x0  }
0x119: {  	s1 =	rddreg [dreg:$0xc];
	[sflag:s7] =	ssyncadd.s32 $0xFFFFC000  }
0x11a: {  	[hbm4b:s1+s2] =	stream.linear.scatter [tilespmem:s5], [sflag:$0x2], $0x10000, $0x38;
	[tilespmem:$0x12000] =	vst v63  }
0x11b: {  	_ =	swait.ge [sflag:s3], $0x10000  }
0x11c: {  	s0 =	sld [smem:$0x7F6]  }
0x11d: {  	[sflag:s3] =	ssyncset.done $0x0  }
0x11e: {  	s1 =	sld [smem:$0x7F7];
	[sflag:s3] =	ssyncadd.s32 $0xFFFF0000  }
0x11f: {  	[tilespmem:s5], [sflag:$0x1] =	stream.indirect.gather [hbm4b:s4+s6], $0x80, s0, s6, $0xb8;
	[tilespmem:$0x12000] =	vst v63  }
0x120: {  	s0 =	sld [smem:$0x7F8]  }
0x121: {  	[tilespmem:s8], [sflag:$0x1] =	stream.indirect.gather [hbm4b:s4+s6], $0x80, s1, s6, $0xb8;
	[tilespmem:$0x12000] =	vst v63  }
0x122: {  	s1 =	sld [smem:$0x7F9]  }
0x123: {  	[tilespmem:s9], [sflag:$0x1] =	stream.indirect.gather [hbm4b:s4+s6], $0x80, s0, s6, $0xb8;
	[tilespmem:$0x12000] =	vst v63  }
0x124: {  	_ = 	snop  }
0x125: {  	[tilespmem:s10], [sflag:$0x1] =	stream.indirect.gather [hbm4b:s4+s6], $0x80, s1, s6, $0xb8;
	[tilespmem:$0x12000] =	vst v63  }
0x126: {  	_ =	swait.ge [sflag:s7], $0x4000  }
0x127: {  	[sflag:s7] =	ssyncset.done $0x0  }
0x128: {  	[sflag:s7] =	ssyncadd.s32 $0xFFFFC000  }
0x129: {  	_ =	swait.ge [sflag:s7], $0x4000  }
0x12a: {  	[sflag:s7] =	ssyncset.done $0x0  }
0x12b: {  	[sflag:s7] =	ssyncadd.s32 $0xFFFFC000  }
0x12c: {  	_ =	swait.ge [sflag:s7], $0x4000  }
0x12d: {  	[sflag:s7] =	ssyncset.done $0x0  }
0x12e: {  	[sflag:s7] =	ssyncadd.s32 $0xFFFFC000  }
0x12f: {  	_ =	swait.ge [sflag:s7], $0x4000  }
0x130: {  	[sflag:s7] =	ssyncset.done $0x0  }
0x131: {  	s1 =	rddreg [dreg:$0xd];
	[sflag:s7] =	ssyncadd.s32 $0xFFFFC000  }
0x132: {  	[hbm4b:s1+s2] =	stream.linear.scatter [tilespmem:s5], [sflag:$0x2], $0x10000, $0x38;
	[tilespmem:$0x12000] =	vst v63  }
0x133: {  	_ =	swait.ge [sflag:s3], $0x10000  }
0x134: {  	s0 =	sld [smem:$0x7FA]  }
0x135: {  	[sflag:s3] =	ssyncset.done $0x0  }
0x136: {  	s1 =	sld [smem:$0x7FB];
	[sflag:s3] =	ssyncadd.s32 $0xFFFF0000  }
0x137: {  	[tilespmem:s5], [sflag:$0x1] =	stream.indirect.gather [hbm4b:s4+s6], $0x80, s0, s6, $0xb8;
	[tilespmem:$0x12000] =	vst v63  }
0x138: {  	s0 =	sld [smem:$0x7FC]  }
0x139: {  	[tilespmem:s8], [sflag:$0x1] =	stream.indirect.gather [hbm4b:s4+s6], $0x80, s1, s6, $0xb8;
	[tilespmem:$0x12000] =	vst v63  }
0x13a: {  	s1 =	sld [smem:$0x7FD]  }
0x13b: {  	[tilespmem:s9], [sflag:$0x1] =	stream.indirect.gather [hbm4b:s4+s6], $0x80, s0, s6, $0xb8;
	[tilespmem:$0x12000] =	vst v63  }
0x13c: {  	_ = 	snop  }
0x13d: {  	[tilespmem:s10], [sflag:$0x1] =	stream.indirect.gather [hbm4b:s4+s6], $0x80, s1, s6, $0xb8;
	[tilespmem:$0x12000] =	vst v63  }
0x13e: {  	_ =	swait.ge [sflag:s7], $0x4000  }
0x13f: {  	[sflag:s7] =	ssyncset.done $0x0  }
0x140: {  	[sflag:s7] =	ssyncadd.s32 $0xFFFFC000  }
0x141: {  	_ =	swait.ge [sflag:s7], $0x4000  }
0x142: {  	[sflag:s7] =	ssyncset.done $0x0  }
0x143: {  	[sflag:s7] =	ssyncadd.s32 $0xFFFFC000  }
0x144: {  	_ =	swait.ge [sflag:s7], $0x4000  }
0x145: {  	[sflag:s7] =	ssyncset.done $0x0  }
0x146: {  	[sflag:s7] =	ssyncadd.s32 $0xFFFFC000  }
0x147: {  	_ =	swait.ge [sflag:s7], $0x4000  }
0x148: {  	[sflag:s7] =	ssyncset.done $0x0  }
0x149: {  	s1 =	rddreg [dreg:$0xe];
	[sflag:s7] =	ssyncadd.s32 $0xFFFFC000  }
0x14a: {  	[hbm4b:s1+s2] =	stream.linear.scatter [tilespmem:s5], [sflag:$0x2], $0x10000, $0x38;
	[tilespmem:$0x12000] =	vst v63  }
0x14b: {  	_ =	swait.ge [sflag:s3], $0x10000  }
0x14c: {  	[sflag:s3] =	ssyncset.done $0x0  }
0x14d: {  	[sflag:s3] =	ssyncadd.s32 $0xFFFF0000  }
0x14e: {  	[tilespmem:s5], [sflag:$0x1] =	stream.indirect.gather [hbm4b:s4+s6], $0x80, s29, s6, $0xb8;
	[tilespmem:$0x12000] =	vst v63  }
0x14f: {  	_ = 	snop  }
0x150: {  	[tilespmem:s8], [sflag:$0x1] =	stream.indirect.gather [hbm4b:s4+s6], $0x80, s30, s6, $0xb8;
	[tilespmem:$0x12000] =	vst v63  }
0x151: {  	_ = 	snop  }
0x152: {  	[tilespmem:s9], [sflag:$0x1] =	stream.indirect.gather [hbm4b:s4+s6], $0x80, s31, s6, $0xb8;
	[tilespmem:$0x12000] =	vst v63  }
0x153: {  	_ = 	snop  }
0x154: {  	[tilespmem:s10], [sflag:$0x1] =	stream.indirect.gather [hbm4b:s4+s6], $0x80, s16, s6, $0xb8;
	[tilespmem:$0x12000] =	vst v63  }
0x155: {  	_ =	swait.ge [sflag:s7], $0x4000  }
0x156: {  	[sflag:s7] =	ssyncset.done $0x0  }
0x157: {  	[sflag:s7] =	ssyncadd.s32 $0xFFFFC000  }
0x158: {  	_ =	swait.ge [sflag:s7], $0x4000  }
0x159: {  	[sflag:s7] =	ssyncset.done $0x0  }
0x15a: {  	[sflag:s7] =	ssyncadd.s32 $0xFFFFC000  }
0x15b: {  	_ =	swait.ge [sflag:s7], $0x4000  }
0x15c: {  	[sflag:s7] =	ssyncset.done $0x0  }
0x15d: {  	[sflag:s7] =	ssyncadd.s32 $0xFFFFC000  }
0x15e: {  	_ =	swait.ge [sflag:s7], $0x4000  }
0x15f: {  	[sflag:s7] =	ssyncset.done $0x0  }
0x160: {  	s1 =	rddreg [dreg:$0xf];
	[sflag:s7] =	ssyncadd.s32 $0xFFFFC000  }
0x161: {  	[hbm4b:s1+s2] =	stream.linear.scatter [tilespmem:s5], [sflag:$0x2], $0x10000, $0x38;
	[tilespmem:$0x12000] =	vst v63  }
0x162: {  	_ =	swait.ge [sflag:s3], $0x10000  }
0x163: {  	[sflag:s3] =	ssyncset.done $0x0  }
0x164: {  	[sflag:s3] =	ssyncadd.s32 $0xFFFF0000  }
0x165: {  	[tilespmem:s5], [sflag:$0x1] =	stream.indirect.gather [hbm4b:s4+s6], $0x80, s24, s6, $0xb8;
	[tilespmem:$0x12000] =	vst v63  }
0x166: {  	_ = 	snop  }
0x167: {  	[tilespmem:s8], [sflag:$0x1] =	stream.indirect.gather [hbm4b:s4+s6], $0x80, s25, s6, $0xb8;
	[tilespmem:$0x12000] =	vst v63  }
0x168: {  	_ = 	snop  }
0x169: {  	[tilespmem:s9], [sflag:$0x1] =	stream.indirect.gather [hbm4b:s4+s6], $0x80, s26, s6, $0xb8;
	[tilespmem:$0x12000] =	vst v63  }
0x16a: {  	_ = 	snop  }
0x16b: {  	[tilespmem:s10], [sflag:$0x1] =	stream.indirect.gather [hbm4b:s4+s6], $0x80, s28, s6, $0xb8;
	[tilespmem:$0x12000] =	vst v63  }
0x16c: {  	_ =	swait.ge [sflag:s7], $0x4000  }
0x16d: {  	[sflag:s7] =	ssyncset.done $0x0  }
0x16e: {  	[sflag:s7] =	ssyncadd.s32 $0xFFFFC000  }
0x16f: {  	_ =	swait.ge [sflag:s7], $0x4000  }
0x170: {  	[sflag:s7] =	ssyncset.done $0x0  }
0x171: {  	[sflag:s7] =	ssyncadd.s32 $0xFFFFC000  }
0x172: {  	_ =	swait.ge [sflag:s7], $0x4000  }
0x173: {  	[sflag:s7] =	ssyncset.done $0x0  }
0x174: {  	[sflag:s7] =	ssyncadd.s32 $0xFFFFC000  }
0x175: {  	_ =	swait.ge [sflag:s7], $0x4000  }
0x176: {  	[sflag:s7] =	ssyncset.done $0x0  }
0x177: {  	s1 =	rddreg [dreg:$0x10];
	[sflag:s7] =	ssyncadd.s32 $0xFFFFC000  }
0x178: {  	[hbm4b:s1+s2] =	stream.linear.scatter [tilespmem:s5], [sflag:$0x2], $0x10000, $0x38;
	[tilespmem:$0x12000] =	vst v63  }
0x179: {  	_ =	swait.ge [sflag:s3], $0x10000  }
0x17a: {  	[sflag:s3] =	ssyncset.done $0x0  }
0x17b: {  	[sflag:s3] =	ssyncadd.s32 $0xFFFF0000  }
0x17c: {  	[tilespmem:s5], [sflag:$0x1] =	stream.indirect.gather [hbm4b:s4+s6], $0x80, s20, s6, $0xb8;
	[tilespmem:$0x12000] =	vst v63  }
0x17d: {  	_ = 	snop  }
0x17e: {  	[tilespmem:s8], [sflag:$0x1] =	stream.indirect.gather [hbm4b:s4+s6], $0x80, s21, s6, $0xb8;
	[tilespmem:$0x12000] =	vst v63  }
0x17f: {  	_ = 	snop  }
0x180: {  	[tilespmem:s9], [sflag:$0x1] =	stream.indirect.gather [hbm4b:s4+s6], $0x80, s22, s6, $0xb8;
	[tilespmem:$0x12000] =	vst v63  }
0x181: {  	_ = 	snop  }
0x182: {  	[tilespmem:s10], [sflag:$0x1] =	stream.indirect.gather [hbm4b:s4+s6], $0x80, s23, s6, $0xb8;
	[tilespmem:$0x12000] =	vst v63  }
0x183: {  	_ =	swait.ge [sflag:s7], $0x4000  }
0x184: {  	[sflag:s7] =	ssyncset.done $0x0  }
0x185: {  	[sflag:s7] =	ssyncadd.s32 $0xFFFFC000  }
0x186: {  	_ =	swait.ge [sflag:s7], $0x4000  }
0x187: {  	[sflag:s7] =	ssyncset.done $0x0  }
0x188: {  	[sflag:s7] =	ssyncadd.s32 $0xFFFFC000  }
0x189: {  	_ =	swait.ge [sflag:s7], $0x4000  }
0x18a: {  	[sflag:s7] =	ssyncset.done $0x0  }
0x18b: {  	[sflag:s7] =	ssyncadd.s32 $0xFFFFC000  }
0x18c: {  	_ =	swait.ge [sflag:s7], $0x4000  }
0x18d: {  	[sflag:s7] =	ssyncset.done $0x0  }
0x18e: {  	s1 =	rddreg [dreg:$0x11];
	[sflag:s7] =	ssyncadd.s32 $0xFFFFC000  }
0x18f: {  	[hbm4b:s1+s2] =	stream.linear.scatter [tilespmem:s5], [sflag:$0x2], $0x10000, $0x38;
	[tilespmem:$0x12000] =	vst v63  }
0x190: {  	_ =	swait.ge [sflag:s3], $0x10000  }
0x191: {  	[sflag:s3] =	ssyncset.done $0x0  }
0x192: {  	s1 =	simm.s32 $0x1C00;
	[sflag:s3] =	ssyncadd.s32 $0xFFFF0000  }
0x193: {  	[tilespmem:s5], [sflag:$0x1] =	stream.indirect.gather [hbm4b:s4+s6], $0x80, s1, s6, $0xb8;
	[tilespmem:$0x12000] =	vst v63  }
0x194: {  	_ = 	snop  }
0x195: {  	[tilespmem:s8], [sflag:$0x1] =	stream.indirect.gather [hbm4b:s4+s6], $0x80, s17, s6, $0xb8;
	[tilespmem:$0x12000] =	vst v63  }
0x196: {  	_ = 	snop  }
0x197: {  	[tilespmem:s9], [sflag:$0x1] =	stream.indirect.gather [hbm4b:s4+s6], $0x80, s18, s6, $0xb8;
	[tilespmem:$0x12000] =	vst v63  }
0x198: {  	_ = 	snop  }
0x199: {  	[tilespmem:s10], [sflag:$0x1] =	stream.indirect.gather [hbm4b:s4+s6], $0x80, s19, s6, $0xb8;
	[tilespmem:$0x12000] =	vst v63  }
0x19a: {  	_ =	swait.ge [sflag:s7], $0x4000  }
0x19b: {  	[sflag:s7] =	ssyncset.done $0x0  }
0x19c: {  	[sflag:s7] =	ssyncadd.s32 $0xFFFFC000  }
0x19d: {  	_ =	swait.ge [sflag:s7], $0x4000  }
0x19e: {  	[sflag:s7] =	ssyncset.done $0x0  }
0x19f: {  	[sflag:s7] =	ssyncadd.s32 $0xFFFFC000  }
0x1a0: {  	_ =	swait.ge [sflag:s7], $0x4000  }
0x1a1: {  	[sflag:s7] =	ssyncset.done $0x0  }
0x1a2: {  	[sflag:s7] =	ssyncadd.s32 $0xFFFFC000  }
0x1a3: {  	_ =	swait.ge [sflag:s7], $0x4000  }
0x1a4: {  	[sflag:s7] =	ssyncset.done $0x0  }
0x1a5: {  	s1 =	rddreg [dreg:$0x12];
	[sflag:s7] =	ssyncadd.s32 $0xFFFFC000  }
0x1a6: {  	[hbm4b:s1+s2] =	stream.linear.scatter [tilespmem:s5], [sflag:$0x2], $0x10000, $0x38;
	[tilespmem:$0x12000] =	vst v63  }
0x1a7: {  	_ =	swait.ge [sflag:s3], $0x10000  }
0x1a8: {  	[sflag:s3] =	ssyncset.done $0x0  }
0x1a9: {  	[sflag:s3] =	ssyncadd.s32 $0xFFFF0000  }
0x1aa: {  	[tilespmem:s5], [sflag:$0x1] =	stream.indirect.gather [hbm4b:s4+s6], $0x80, s12, s6, $0xb8;
	[tilespmem:$0x12000] =	vst v63  }
0x1ab: {  	_ = 	snop  }
0x1ac: {  	[tilespmem:s8], [sflag:$0x1] =	stream.indirect.gather [hbm4b:s4+s6], $0x80, s13, s6, $0xb8;
	[tilespmem:$0x12000] =	vst v63  }
0x1ad: {  	_ = 	snop  }
0x1ae: {  	[tilespmem:s9], [sflag:$0x1] =	stream.indirect.gather [hbm4b:s4+s6], $0x80, s14, s6, $0xb8;
	[tilespmem:$0x12000] =	vst v63  }
0x1af: {  	_ = 	snop  }
0x1b0: {  	[tilespmem:s10], [sflag:$0x1] =	stream.indirect.gather [hbm4b:s4+s6], $0x80, s15, s6, $0xb8;
	[tilespmem:$0x12000] =	vst v63  }
0x1b1: {  	_ =	swait.ge [sflag:s7], $0x4000  }
0x1b2: {  	[sflag:s7] =	ssyncset.done $0x0  }
0x1b3: {  	[sflag:s7] =	ssyncadd.s32 $0xFFFFC000  }
0x1b4: {  	_ =	swait.ge [sflag:s7], $0x4000  }
0x1b5: {  	[sflag:s7] =	ssyncset.done $0x0  }
0x1b6: {  	[sflag:s7] =	ssyncadd.s32 $0xFFFFC000  }
0x1b7: {  	_ =	swait.ge [sflag:s7], $0x4000  }
0x1b8: {  	[sflag:s7] =	ssyncset.done $0x0  }
0x1b9: {  	[sflag:s7] =	ssyncadd.s32 $0xFFFFC000  }
0x1ba: {  	p1 =	sne.s32 s11, $0x1;
	_ =	swait.ge [sflag:s7], $0x4000  }
.Ltmp1:
0x1bb: {  	[sflag:s7] =	ssyncset.done $0x0;
	(pc) =	sbr.rel @!p1 .LBB2_3-.Ltmp1, $4  }
0x1bc: {  	s1 =	rddreg [dreg:$0x13];
	[sflag:s7] =	ssyncadd.s32 $0xFFFFC000  }
0x1bd: {  	[hbm4b:s1+s2] =	stream.linear.scatter [tilespmem:s5], [sflag:$0x2], $0x10000, $0x38;
	[tilespmem:$0x12000] =	vst v63  }
0x1be: {  	p0 =	por $0x1, $0x1;
	_ =	swait.ge [sflag:s3], $0x10000  }
0x1bf: {  	s1 =	sadd.s32 $0xFFFFFFFF, s11;
	s0 =	rddreg [dreg:$0x3];
	[sflag:s3] =	ssyncset.done $0x0  }
.LBB2_4:
0x1c0: {  	[sflag:s3] =	ssyncadd.s32 $0xFFFF0000  }
0x1c1: {  	[tilespmem:s2], [sflag:$0x2] =	stream.linear.gather [hbm4b:s0+s2], $0x2000, $0x38;
	[tilespmem:$0x12000] =	vst v63  }
0x1c2: {  	_ =	swait.ge [sflag:s3], $0x2000  }
0x1c3: {  	[sflag:s3] =	ssyncset.done $0x0  }
0x1c4: {  	[sflag:s3] =	ssyncadd.s32 $0xFFFFE000  }
0x1c5: {  	[tilespmem:s5], [sflag:$0x1] =	stream.indirect.gather [hbm4b:s4+s6], $0x80, s2, s6, $0xb8;
	[tilespmem:$0x12000] =	vst v63  }
0x1c6: {  	_ = 	snop  }
0x1c7: {  	[tilespmem:s8], [sflag:$0x1] =	stream.indirect.gather [hbm4b:s4+s6], $0x80, s6, s6, $0xb8;
	[tilespmem:$0x12000] =	vst v63  }
0x1c8: {  	s0 =	rddreg [dreg:$0x14]  }
0x1c9: {  	[tilespmem:s9], [sflag:$0x1] =	stream.indirect.gather [hbm4b:s4+s6], $0x80, s0, s6, $0xb8;
	[tilespmem:$0x12000] =	vst v63  }
0x1ca: {  	s11 =	rddreg [dreg:$0x15]  }
0x1cb: {  	[tilespmem:s10], [sflag:$0x1] =	stream.indirect.gather [hbm4b:s4+s6], $0x80, s11, s6, $0xb8;
	[tilespmem:$0x12000] =	vst v63  }
0x1cc: {  	_ =	swait.ge [sflag:s7], $0x4000  }
0x1cd: {  	[sflag:s7] =	ssyncset.done $0x0  }
0x1ce: {  	[sflag:s7] =	ssyncadd.s32 $0xFFFFC000  }
0x1cf: {  	_ =	swait.ge [sflag:s7], $0x4000  }
0x1d0: {  	[sflag:s7] =	ssyncset.done $0x0  }
0x1d1: {  	[sflag:s7] =	ssyncadd.s32 $0xFFFFC000  }
0x1d2: {  	_ =	swait.ge [sflag:s7], $0x4000  }
0x1d3: {  	[sflag:s7] =	ssyncset.done $0x0  }
0x1d4: {  	[sflag:s7] =	ssyncadd.s32 $0xFFFFC000  }
0x1d5: {  	_ =	swait.ge [sflag:s7], $0x4000  }
0x1d6: {  	[sflag:s7] =	ssyncset.done $0x0  }
0x1d7: {  	s11 =	rddreg [dreg:$0x4];
	[sflag:s7] =	ssyncadd.s32 $0xFFFFC000  }
0x1d8: {  	[hbm4b:s11+s2] =	stream.linear.scatter [tilespmem:s5], [sflag:$0x2], $0x10000, $0x38;
	[tilespmem:$0x12000] =	vst v63  }
0x1d9: {  	_ =	swait.ge [sflag:s3], $0x10000  }
0x1da: {  	[sflag:s3] =	ssyncset.done $0x0  }
0x1db: {  	s0 =	rddreg [dreg:$0x16];
	[sflag:s3] =	ssyncadd.s32 $0xFFFF0000  }
0x1dc: {  	[tilespmem:s5], [sflag:$0x1] =	stream.indirect.gather [hbm4b:s4+s6], $0x80, s0, s6, $0xb8;
	[tilespmem:$0x12000] =	vst v63  }
0x1dd: {  	s11 =	rddreg [dreg:$0x17]  }
0x1de: {  	[tilespmem:s8], [sflag:$0x1] =	stream.indirect.gather [hbm4b:s4+s6], $0x80, s11, s6, $0xb8;
	[tilespmem:$0x12000] =	vst v63  }
0x1df: {  	s0 =	rddreg [dreg:$0x18]  }
0x1e0: {  	[tilespmem:s9], [sflag:$0x1] =	stream.indirect.gather [hbm4b:s4+s6], $0x80, s0, s6, $0xb8;
	[tilespmem:$0x12000] =	vst v63  }
0x1e1: {  	s11 =	rddreg [dreg:$0x19]  }
0x1e2: {  	[tilespmem:s10], [sflag:$0x1] =	stream.indirect.gather [hbm4b:s4+s6], $0x80, s11, s6, $0xb8;
	[tilespmem:$0x12000] =	vst v63  }
0x1e3: {  	_ =	swait.ge [sflag:s7], $0x4000  }
0x1e4: {  	[sflag:s7] =	ssyncset.done $0x0  }
0x1e5: {  	[sflag:s7] =	ssyncadd.s32 $0xFFFFC000  }
0x1e6: {  	_ =	swait.ge [sflag:s7], $0x4000  }
0x1e7: {  	[sflag:s7] =	ssyncset.done $0x0  }
0x1e8: {  	[sflag:s7] =	ssyncadd.s32 $0xFFFFC000  }
0x1e9: {  	_ =	swait.ge [sflag:s7], $0x4000  }
0x1ea: {  	[sflag:s7] =	ssyncset.done $0x0  }
0x1eb: {  	[sflag:s7] =	ssyncadd.s32 $0xFFFFC000  }
0x1ec: {  	_ =	swait.ge [sflag:s7], $0x4000  }
0x1ed: {  	[sflag:s7] =	ssyncset.done $0x0  }
0x1ee: {  	s11 =	rddreg [dreg:$0x5];
	[sflag:s7] =	ssyncadd.s32 $0xFFFFC000  }
0x1ef: {  	[hbm4b:s11+s2] =	stream.linear.scatter [tilespmem:s5], [sflag:$0x2], $0x10000, $0x38;
	[tilespmem:$0x12000] =	vst v63  }
0x1f0: {  	_ =	swait.ge [sflag:s3], $0x10000  }
0x1f1: {  	[sflag:s3] =	ssyncset.done $0x0  }
0x1f2: {  	s0 =	rddreg [dreg:$0x1a];
	[sflag:s3] =	ssyncadd.s32 $0xFFFF0000  }
0x1f3: {  	[tilespmem:s5], [sflag:$0x1] =	stream.indirect.gather [hbm4b:s4+s6], $0x80, s0, s6, $0xb8;
	[tilespmem:$0x12000] =	vst v63  }
0x1f4: {  	s11 =	rddreg [dreg:$0x1b]  }
0x1f5: {  	[tilespmem:s8], [sflag:$0x1] =	stream.indirect.gather [hbm4b:s4+s6], $0x80, s11, s6, $0xb8;
	[tilespmem:$0x12000] =	vst v63  }
0x1f6: {  	s0 =	rddreg [dreg:$0x1c]  }
0x1f7: {  	[tilespmem:s9], [sflag:$0x1] =	stream.indirect.gather [hbm4b:s4+s6], $0x80, s0, s6, $0xb8;
	[tilespmem:$0x12000] =	vst v63  }
0x1f8: {  	s11 =	rddreg [dreg:$0x1d]  }
0x1f9: {  	[tilespmem:s10], [sflag:$0x1] =	stream.indirect.gather [hbm4b:s4+s6], $0x80, s11, s6, $0xb8;
	[tilespmem:$0x12000] =	vst v63  }
0x1fa: {  	_ =	swait.ge [sflag:s7], $0x4000  }
0x1fb: {  	[sflag:s7] =	ssyncset.done $0x0  }
0x1fc: {  	[sflag:s7] =	ssyncadd.s32 $0xFFFFC000  }
0x1fd: {  	_ =	swait.ge [sflag:s7], $0x4000  }
0x1fe: {  	[sflag:s7] =	ssyncset.done $0x0  }
0x1ff: {  	[sflag:s7] =	ssyncadd.s32 $0xFFFFC000  }
0x200: {  	_ =	swait.ge [sflag:s7], $0x4000  }
0x201: {  	[sflag:s7] =	ssyncset.done $0x0  }
0x202: {  	[sflag:s7] =	ssyncadd.s32 $0xFFFFC000  }
0x203: {  	_ =	swait.ge [sflag:s7], $0x4000  }
0x204: {  	[sflag:s7] =	ssyncset.done $0x0  }
0x205: {  	s11 =	rddreg [dreg:$0x6];
	[sflag:s7] =	ssyncadd.s32 $0xFFFFC000  }
0x206: {  	[hbm4b:s11+s2] =	stream.linear.scatter [tilespmem:s5], [sflag:$0x2], $0x10000, $0x38;
	[tilespmem:$0x12000] =	vst v63  }
0x207: {  	_ =	swait.ge [sflag:s3], $0x10000  }
0x208: {  	s0 =	rddreg [dreg:$0x1e];
	[sflag:s3] =	ssyncset.done $0x0  }
0x209: {  	s11 =	rddreg [dreg:$0x1f];
	[sflag:s3] =	ssyncadd.s32 $0xFFFF0000  }
0x20a: {  	[tilespmem:s5], [sflag:$0x1] =	stream.indirect.gather [hbm4b:s4+s6], $0x80, s0, s6, $0xb8;
	[tilespmem:$0x12000] =	vst v63  }
0x20b: {  	s0 =	sld [smem:$0x7E0]  }
0x20c: {  	[tilespmem:s8], [sflag:$0x1] =	stream.indirect.gather [hbm4b:s4+s6], $0x80, s11, s6, $0xb8;
	[tilespmem:$0x12000] =	vst v63  }
0x20d: {  	s11 =	sld [smem:$0x7E1]  }
0x20e: {  	[tilespmem:s9], [sflag:$0x1] =	stream.indirect.gather [hbm4b:s4+s6], $0x80, s0, s6, $0xb8;
	[tilespmem:$0x12000] =	vst v63  }
0x20f: {  	_ = 	snop  }
0x210: {  	[tilespmem:s10], [sflag:$0x1] =	stream.indirect.gather [hbm4b:s4+s6], $0x80, s11, s6, $0xb8;
	[tilespmem:$0x12000] =	vst v63  }
0x211: {  	_ =	swait.ge [sflag:s7], $0x4000  }
0x212: {  	[sflag:s7] =	ssyncset.done $0x0  }
0x213: {  	[sflag:s7] =	ssyncadd.s32 $0xFFFFC000  }
0x214: {  	_ =	swait.ge [sflag:s7], $0x4000  }
0x215: {  	[sflag:s7] =	ssyncset.done $0x0  }
0x216: {  	[sflag:s7] =	ssyncadd.s32 $0xFFFFC000  }
0x217: {  	_ =	swait.ge [sflag:s7], $0x4000  }
0x218: {  	[sflag:s7] =	ssyncset.done $0x0  }
0x219: {  	[sflag:s7] =	ssyncadd.s32 $0xFFFFC000  }
0x21a: {  	_ =	swait.ge [sflag:s7], $0x4000  }
0x21b: {  	[sflag:s7] =	ssyncset.done $0x0  }
0x21c: {  	s11 =	rddreg [dreg:$0x7];
	[sflag:s7] =	ssyncadd.s32 $0xFFFFC000  }
0x21d: {  	[hbm4b:s11+s2] =	stream.linear.scatter [tilespmem:s5], [sflag:$0x2], $0x10000, $0x38;
	[tilespmem:$0x12000] =	vst v63  }
0x21e: {  	_ =	swait.ge [sflag:s3], $0x10000  }
0x21f: {  	s0 =	sld [smem:$0x7E2]  }
0x220: {  	[sflag:s3] =	ssyncset.done $0x0  }
0x221: {  	s11 =	sld [smem:$0x7E3];
	[sflag:s3] =	ssyncadd.s32 $0xFFFF0000  }
0x222: {  	[tilespmem:s5], [sflag:$0x1] =	stream.indirect.gather [hbm4b:s4+s6], $0x80, s0, s6, $0xb8;
	[tilespmem:$0x12000] =	vst v63  }
0x223: {  	s0 =	sld [smem:$0x7E4]  }
0x224: {  	[tilespmem:s8], [sflag:$0x1] =	stream.indirect.gather [hbm4b:s4+s6], $0x80, s11, s6, $0xb8;
	[tilespmem:$0x12000] =	vst v63  }
0x225: {  	s11 =	sld [smem:$0x7E5]  }
0x226: {  	[tilespmem:s9], [sflag:$0x1] =	stream.indirect.gather [hbm4b:s4+s6], $0x80, s0, s6, $0xb8;
	[tilespmem:$0x12000] =	vst v63  }
0x227: {  	_ = 	snop  }
0x228: {  	[tilespmem:s10], [sflag:$0x1] =	stream.indirect.gather [hbm4b:s4+s6], $0x80, s11, s6, $0xb8;
	[tilespmem:$0x12000] =	vst v63  }
0x229: {  	_ =	swait.ge [sflag:s7], $0x4000  }
0x22a: {  	[sflag:s7] =	ssyncset.done $0x0  }
0x22b: {  	[sflag:s7] =	ssyncadd.s32 $0xFFFFC000  }
0x22c: {  	_ =	swait.ge [sflag:s7], $0x4000  }
0x22d: {  	[sflag:s7] =	ssyncset.done $0x0  }
0x22e: {  	[sflag:s7] =	ssyncadd.s32 $0xFFFFC000  }
0x22f: {  	_ =	swait.ge [sflag:s7], $0x4000  }
0x230: {  	[sflag:s7] =	ssyncset.done $0x0  }
0x231: {  	[sflag:s7] =	ssyncadd.s32 $0xFFFFC000  }
0x232: {  	_ =	swait.ge [sflag:s7], $0x4000  }
0x233: {  	[sflag:s7] =	ssyncset.done $0x0  }
0x234: {  	s11 =	rddreg [dreg:$0x8];
	[sflag:s7] =	ssyncadd.s32 $0xFFFFC000  }
0x235: {  	[hbm4b:s11+s2] =	stream.linear.scatter [tilespmem:s5], [sflag:$0x2], $0x10000, $0x38;
	[tilespmem:$0x12000] =	vst v63  }
0x236: {  	_ =	swait.ge [sflag:s3], $0x10000  }
0x237: {  	s0 =	sld [smem:$0x7E6]  }
0x238: {  	[sflag:s3] =	ssyncset.done $0x0  }
0x239: {  	s11 =	sld [smem:$0x7E7];
	[sflag:s3] =	ssyncadd.s32 $0xFFFF0000  }
0x23a: {  	[tilespmem:s5], [sflag:$0x1] =	stream.indirect.gather [hbm4b:s4+s6], $0x80, s0, s6, $0xb8;
	[tilespmem:$0x12000] =	vst v63  }
0x23b: {  	s0 =	sld [smem:$0x7E8]  }
0x23c: {  	[tilespmem:s8], [sflag:$0x1] =	stream.indirect.gather [hbm4b:s4+s6], $0x80, s11, s6, $0xb8;
	[tilespmem:$0x12000] =	vst v63  }
0x23d: {  	s11 =	sld [smem:$0x7E9]  }
0x23e: {  	[tilespmem:s9], [sflag:$0x1] =	stream.indirect.gather [hbm4b:s4+s6], $0x80, s0, s6, $0xb8;
	[tilespmem:$0x12000] =	vst v63  }
0x23f: {  	_ = 	snop  }
0x240: {  	[tilespmem:s10], [sflag:$0x1] =	stream.indirect.gather [hbm4b:s4+s6], $0x80, s11, s6, $0xb8;
	[tilespmem:$0x12000] =	vst v63  }
0x241: {  	_ =	swait.ge [sflag:s7], $0x4000  }
0x242: {  	[sflag:s7] =	ssyncset.done $0x0  }
0x243: {  	[sflag:s7] =	ssyncadd.s32 $0xFFFFC000  }
0x244: {  	_ =	swait.ge [sflag:s7], $0x4000  }
0x245: {  	[sflag:s7] =	ssyncset.done $0x0  }
0x246: {  	[sflag:s7] =	ssyncadd.s32 $0xFFFFC000  }
0x247: {  	_ =	swait.ge [sflag:s7], $0x4000  }
0x248: {  	[sflag:s7] =	ssyncset.done $0x0  }
0x249: {  	[sflag:s7] =	ssyncadd.s32 $0xFFFFC000  }
0x24a: {  	_ =	swait.ge [sflag:s7], $0x4000  }
0x24b: {  	[sflag:s7] =	ssyncset.done $0x0  }
0x24c: {  	s11 =	rddreg [dreg:$0x9];
	[sflag:s7] =	ssyncadd.s32 $0xFFFFC000  }
0x24d: {  	[hbm4b:s11+s2] =	stream.linear.scatter [tilespmem:s5], [sflag:$0x2], $0x10000, $0x38;
	[tilespmem:$0x12000] =	vst v63  }
0x24e: {  	_ =	swait.ge [sflag:s3], $0x10000  }
0x24f: {  	s0 =	sld [smem:$0x7EA]  }
0x250: {  	[sflag:s3] =	ssyncset.done $0x0  }
0x251: {  	s11 =	sld [smem:$0x7EB];
	[sflag:s3] =	ssyncadd.s32 $0xFFFF0000  }
0x252: {  	[tilespmem:s5], [sflag:$0x1] =	stream.indirect.gather [hbm4b:s4+s6], $0x80, s0, s6, $0xb8;
	[tilespmem:$0x12000] =	vst v63  }
0x253: {  	s0 =	sld [smem:$0x7EC]  }
0x254: {  	[tilespmem:s8], [sflag:$0x1] =	stream.indirect.gather [hbm4b:s4+s6], $0x80, s11, s6, $0xb8;
	[tilespmem:$0x12000] =	vst v63  }
0x255: {  	s11 =	sld [smem:$0x7ED]  }
0x256: {  	[tilespmem:s9], [sflag:$0x1] =	stream.indirect.gather [hbm4b:s4+s6], $0x80, s0, s6, $0xb8;
	[tilespmem:$0x12000] =	vst v63  }
0x257: {  	_ = 	snop  }
0x258: {  	[tilespmem:s10], [sflag:$0x1] =	stream.indirect.gather [hbm4b:s4+s6], $0x80, s11, s6, $0xb8;
	[tilespmem:$0x12000] =	vst v63  }
0x259: {  	_ =	swait.ge [sflag:s7], $0x4000  }
0x25a: {  	[sflag:s7] =	ssyncset.done $0x0  }
0x25b: {  	[sflag:s7] =	ssyncadd.s32 $0xFFFFC000  }
0x25c: {  	_ =	swait.ge [sflag:s7], $0x4000  }
0x25d: {  	[sflag:s7] =	ssyncset.done $0x0  }
0x25e: {  	[sflag:s7] =	ssyncadd.s32 $0xFFFFC000  }
0x25f: {  	_ =	swait.ge [sflag:s7], $0x4000  }
0x260: {  	[sflag:s7] =	ssyncset.done $0x0  }
0x261: {  	[sflag:s7] =	ssyncadd.s32 $0xFFFFC000  }
0x262: {  	_ =	swait.ge [sflag:s7], $0x4000  }
0x263: {  	[sflag:s7] =	ssyncset.done $0x0  }
0x264: {  	s11 =	rddreg [dreg:$0xa];
	[sflag:s7] =	ssyncadd.s32 $0xFFFFC000  }
0x265: {  	[hbm4b:s11+s2] =	stream.linear.scatter [tilespmem:s5], [sflag:$0x2], $0x10000, $0x38;
	[tilespmem:$0x12000] =	vst v63  }
0x266: {  	_ =	swait.ge [sflag:s3], $0x10000  }
0x267: {  	s0 =	sld [smem:$0x7EE]  }
0x268: {  	[sflag:s3] =	ssyncset.done $0x0  }
0x269: {  	s11 =	sld [smem:$0x7EF];
	[sflag:s3] =	ssyncadd.s32 $0xFFFF0000  }
0x26a: {  	[tilespmem:s5], [sflag:$0x1] =	stream.indirect.gather [hbm4b:s4+s6], $0x80, s0, s6, $0xb8;
	[tilespmem:$0x12000] =	vst v63  }
0x26b: {  	s0 =	sld [smem:$0x7F0]  }
0x26c: {  	[tilespmem:s8], [sflag:$0x1] =	stream.indirect.gather [hbm4b:s4+s6], $0x80, s11, s6, $0xb8;
	[tilespmem:$0x12000] =	vst v63  }
0x26d: {  	s11 =	sld [smem:$0x7F1]  }
0x26e: {  	[tilespmem:s9], [sflag:$0x1] =	stream.indirect.gather [hbm4b:s4+s6], $0x80, s0, s6, $0xb8;
	[tilespmem:$0x12000] =	vst v63  }
0x26f: {  	_ = 	snop  }
0x270: {  	[tilespmem:s10], [sflag:$0x1] =	stream.indirect.gather [hbm4b:s4+s6], $0x80, s11, s6, $0xb8;
	[tilespmem:$0x12000] =	vst v63  }
0x271: {  	_ =	swait.ge [sflag:s7], $0x4000  }
0x272: {  	[sflag:s7] =	ssyncset.done $0x0  }
0x273: {  	[sflag:s7] =	ssyncadd.s32 $0xFFFFC000  }
0x274: {  	_ =	swait.ge [sflag:s7], $0x4000  }
0x275: {  	[sflag:s7] =	ssyncset.done $0x0  }
0x276: {  	[sflag:s7] =	ssyncadd.s32 $0xFFFFC000  }
0x277: {  	_ =	swait.ge [sflag:s7], $0x4000  }
0x278: {  	[sflag:s7] =	ssyncset.done $0x0  }
0x279: {  	[sflag:s7] =	ssyncadd.s32 $0xFFFFC000  }
0x27a: {  	_ =	swait.ge [sflag:s7], $0x4000  }
0x27b: {  	[sflag:s7] =	ssyncset.done $0x0  }
0x27c: {  	s11 =	rddreg [dreg:$0xb];
	[sflag:s7] =	ssyncadd.s32 $0xFFFFC000  }
0x27d: {  	[hbm4b:s11+s2] =	stream.linear.scatter [tilespmem:s5], [sflag:$0x2], $0x10000, $0x38;
	[tilespmem:$0x12000] =	vst v63  }
0x27e: {  	_ =	swait.ge [sflag:s3], $0x10000  }
0x27f: {  	s0 =	sld [smem:$0x7F2]  }
0x280: {  	[sflag:s3] =	ssyncset.done $0x0  }
0x281: {  	s11 =	sld [smem:$0x7F3];
	[sflag:s3] =	ssyncadd.s32 $0xFFFF0000  }
0x282: {  	[tilespmem:s5], [sflag:$0x1] =	stream.indirect.gather [hbm4b:s4+s6], $0x80, s0, s6, $0xb8;
	[tilespmem:$0x12000] =	vst v63  }
0x283: {  	s0 =	sld [smem:$0x7F4]  }
0x284: {  	[tilespmem:s8], [sflag:$0x1] =	stream.indirect.gather [hbm4b:s4+s6], $0x80, s11, s6, $0xb8;
	[tilespmem:$0x12000] =	vst v63  }
0x285: {  	s11 =	sld [smem:$0x7F5]  }
0x286: {  	[tilespmem:s9], [sflag:$0x1] =	stream.indirect.gather [hbm4b:s4+s6], $0x80, s0, s6, $0xb8;
	[tilespmem:$0x12000] =	vst v63  }
0x287: {  	_ = 	snop  }
0x288: {  	[tilespmem:s10], [sflag:$0x1] =	stream.indirect.gather [hbm4b:s4+s6], $0x80, s11, s6, $0xb8;
	[tilespmem:$0x12000] =	vst v63  }
0x289: {  	_ =	swait.ge [sflag:s7], $0x4000  }
0x28a: {  	[sflag:s7] =	ssyncset.done $0x0  }
0x28b: {  	[sflag:s7] =	ssyncadd.s32 $0xFFFFC000  }
0x28c: {  	_ =	swait.ge [sflag:s7], $0x4000  }
0x28d: {  	[sflag:s7] =	ssyncset.done $0x0  }
0x28e: {  	[sflag:s7] =	ssyncadd.s32 $0xFFFFC000  }
0x28f: {  	_ =	swait.ge [sflag:s7], $0x4000  }
0x290: {  	[sflag:s7] =	ssyncset.done $0x0  }
0x291: {  	[sflag:s7] =	ssyncadd.s32 $0xFFFFC000  }
0x292: {  	_ =	swait.ge [sflag:s7], $0x4000  }
0x293: {  	[sflag:s7] =	ssyncset.done $0x0  }
0x294: {  	s11 =	rddreg [dreg:$0xc];
	[sflag:s7] =	ssyncadd.s32 $0xFFFFC000  }
0x295: {  	[hbm4b:s11+s2] =	stream.linear.scatter [tilespmem:s5], [sflag:$0x2], $0x10000, $0x38;
	[tilespmem:$0x12000] =	vst v63  }
0x296: {  	_ =	swait.ge [sflag:s3], $0x10000  }
0x297: {  	s0 =	sld [smem:$0x7F6]  }
0x298: {  	[sflag:s3] =	ssyncset.done $0x0  }
0x299: {  	s11 =	sld [smem:$0x7F7];
	[sflag:s3] =	ssyncadd.s32 $0xFFFF0000  }
0x29a: {  	[tilespmem:s5], [sflag:$0x1] =	stream.indirect.gather [hbm4b:s4+s6], $0x80, s0, s6, $0xb8;
	[tilespmem:$0x12000] =	vst v63  }
0x29b: {  	s0 =	sld [smem:$0x7F8]  }
0x29c: {  	[tilespmem:s8], [sflag:$0x1] =	stream.indirect.gather [hbm4b:s4+s6], $0x80, s11, s6, $0xb8;
	[tilespmem:$0x12000] =	vst v63  }
0x29d: {  	s11 =	sld [smem:$0x7F9]  }
0x29e: {  	[tilespmem:s9], [sflag:$0x1] =	stream.indirect.gather [hbm4b:s4+s6], $0x80, s0, s6, $0xb8;
	[tilespmem:$0x12000] =	vst v63  }
0x29f: {  	_ = 	snop  }
0x2a0: {  	[tilespmem:s10], [sflag:$0x1] =	stream.indirect.gather [hbm4b:s4+s6], $0x80, s11, s6, $0xb8;
	[tilespmem:$0x12000] =	vst v63  }
0x2a1: {  	_ =	swait.ge [sflag:s7], $0x4000  }
0x2a2: {  	[sflag:s7] =	ssyncset.done $0x0  }
0x2a3: {  	[sflag:s7] =	ssyncadd.s32 $0xFFFFC000  }
0x2a4: {  	_ =	swait.ge [sflag:s7], $0x4000  }
0x2a5: {  	[sflag:s7] =	ssyncset.done $0x0  }
0x2a6: {  	[sflag:s7] =	ssyncadd.s32 $0xFFFFC000  }
0x2a7: {  	_ =	swait.ge [sflag:s7], $0x4000  }
0x2a8: {  	[sflag:s7] =	ssyncset.done $0x0  }
0x2a9: {  	[sflag:s7] =	ssyncadd.s32 $0xFFFFC000  }
0x2aa: {  	_ =	swait.ge [sflag:s7], $0x4000  }
0x2ab: {  	[sflag:s7] =	ssyncset.done $0x0  }
0x2ac: {  	s11 =	rddreg [dreg:$0xd];
	[sflag:s7] =	ssyncadd.s32 $0xFFFFC000  }
0x2ad: {  	[hbm4b:s11+s2] =	stream.linear.scatter [tilespmem:s5], [sflag:$0x2], $0x10000, $0x38;
	[tilespmem:$0x12000] =	vst v63  }
0x2ae: {  	_ =	swait.ge [sflag:s3], $0x10000  }
0x2af: {  	s0 =	sld [smem:$0x7FA]  }
0x2b0: {  	[sflag:s3] =	ssyncset.done $0x0  }
0x2b1: {  	s11 =	sld [smem:$0x7FB];
	[sflag:s3] =	ssyncadd.s32 $0xFFFF0000  }
0x2b2: {  	[tilespmem:s5], [sflag:$0x1] =	stream.indirect.gather [hbm4b:s4+s6], $0x80, s0, s6, $0xb8;
	[tilespmem:$0x12000] =	vst v63  }
0x2b3: {  	s0 =	sld [smem:$0x7FC]  }
0x2b4: {  	[tilespmem:s8], [sflag:$0x1] =	stream.indirect.gather [hbm4b:s4+s6], $0x80, s11, s6, $0xb8;
	[tilespmem:$0x12000] =	vst v63  }
0x2b5: {  	s11 =	sld [smem:$0x7FD]  }
0x2b6: {  	[tilespmem:s9], [sflag:$0x1] =	stream.indirect.gather [hbm4b:s4+s6], $0x80, s0, s6, $0xb8;
	[tilespmem:$0x12000] =	vst v63  }
0x2b7: {  	_ = 	snop  }
0x2b8: {  	[tilespmem:s10], [sflag:$0x1] =	stream.indirect.gather [hbm4b:s4+s6], $0x80, s11, s6, $0xb8;
	[tilespmem:$0x12000] =	vst v63  }
0x2b9: {  	_ =	swait.ge [sflag:s7], $0x4000  }
0x2ba: {  	[sflag:s7] =	ssyncset.done $0x0  }
0x2bb: {  	[sflag:s7] =	ssyncadd.s32 $0xFFFFC000  }
0x2bc: {  	_ =	swait.ge [sflag:s7], $0x4000  }
0x2bd: {  	[sflag:s7] =	ssyncset.done $0x0  }
0x2be: {  	[sflag:s7] =	ssyncadd.s32 $0xFFFFC000  }
0x2bf: {  	_ =	swait.ge [sflag:s7], $0x4000  }
0x2c0: {  	[sflag:s7] =	ssyncset.done $0x0  }
0x2c1: {  	[sflag:s7] =	ssyncadd.s32 $0xFFFFC000  }
0x2c2: {  	_ =	swait.ge [sflag:s7], $0x4000  }
0x2c3: {  	[sflag:s7] =	ssyncset.done $0x0  }
0x2c4: {  	s11 =	rddreg [dreg:$0xe];
	[sflag:s7] =	ssyncadd.s32 $0xFFFFC000  }
0x2c5: {  	[hbm4b:s11+s2] =	stream.linear.scatter [tilespmem:s5], [sflag:$0x2], $0x10000, $0x38;
	[tilespmem:$0x12000] =	vst v63  }
0x2c6: {  	_ =	swait.ge [sflag:s3], $0x10000  }
0x2c7: {  	[sflag:s3] =	ssyncset.done $0x0  }
0x2c8: {  	[sflag:s3] =	ssyncadd.s32 $0xFFFF0000  }
0x2c9: {  	[tilespmem:s5], [sflag:$0x1] =	stream.indirect.gather [hbm4b:s4+s6], $0x80, s29, s6, $0xb8;
	[tilespmem:$0x12000] =	vst v63  }
0x2ca: {  	_ = 	snop  }
0x2cb: {  	[tilespmem:s8], [sflag:$0x1] =	stream.indirect.gather [hbm4b:s4+s6], $0x80, s30, s6, $0xb8;
	[tilespmem:$0x12000] =	vst v63  }
0x2cc: {  	_ = 	snop  }
0x2cd: {  	[tilespmem:s9], [sflag:$0x1] =	stream.indirect.gather [hbm4b:s4+s6], $0x80, s31, s6, $0xb8;
	[tilespmem:$0x12000] =	vst v63  }
0x2ce: {  	_ = 	snop  }
0x2cf: {  	[tilespmem:s10], [sflag:$0x1] =	stream.indirect.gather [hbm4b:s4+s6], $0x80, s16, s6, $0xb8;
	[tilespmem:$0x12000] =	vst v63  }
0x2d0: {  	_ =	swait.ge [sflag:s7], $0x4000  }
0x2d1: {  	[sflag:s7] =	ssyncset.done $0x0  }
0x2d2: {  	[sflag:s7] =	ssyncadd.s32 $0xFFFFC000  }
0x2d3: {  	_ =	swait.ge [sflag:s7], $0x4000  }
0x2d4: {  	[sflag:s7] =	ssyncset.done $0x0  }
0x2d5: {  	[sflag:s7] =	ssyncadd.s32 $0xFFFFC000  }
0x2d6: {  	_ =	swait.ge [sflag:s7], $0x4000  }
0x2d7: {  	[sflag:s7] =	ssyncset.done $0x0  }
0x2d8: {  	[sflag:s7] =	ssyncadd.s32 $0xFFFFC000  }
0x2d9: {  	_ =	swait.ge [sflag:s7], $0x4000  }
0x2da: {  	[sflag:s7] =	ssyncset.done $0x0  }
0x2db: {  	s11 =	rddreg [dreg:$0xf];
	[sflag:s7] =	ssyncadd.s32 $0xFFFFC000  }
0x2dc: {  	[hbm4b:s11+s2] =	stream.linear.scatter [tilespmem:s5], [sflag:$0x2], $0x10000, $0x38;
	[tilespmem:$0x12000] =	vst v63  }
0x2dd: {  	_ =	swait.ge [sflag:s3], $0x10000  }
0x2de: {  	[sflag:s3] =	ssyncset.done $0x0  }
0x2df: {  	[sflag:s3] =	ssyncadd.s32 $0xFFFF0000  }
0x2e0: {  	[tilespmem:s5], [sflag:$0x1] =	stream.indirect.gather [hbm4b:s4+s6], $0x80, s24, s6, $0xb8;
	[tilespmem:$0x12000] =	vst v63  }
0x2e1: {  	_ = 	snop  }
0x2e2: {  	[tilespmem:s8], [sflag:$0x1] =	stream.indirect.gather [hbm4b:s4+s6], $0x80, s25, s6, $0xb8;
	[tilespmem:$0x12000] =	vst v63  }
0x2e3: {  	_ = 	snop  }
0x2e4: {  	[tilespmem:s9], [sflag:$0x1] =	stream.indirect.gather [hbm4b:s4+s6], $0x80, s26, s6, $0xb8;
	[tilespmem:$0x12000] =	vst v63  }
0x2e5: {  	_ = 	snop  }
0x2e6: {  	[tilespmem:s10], [sflag:$0x1] =	stream.indirect.gather [hbm4b:s4+s6], $0x80, s28, s6, $0xb8;
	[tilespmem:$0x12000] =	vst v63  }
0x2e7: {  	_ =	swait.ge [sflag:s7], $0x4000  }
0x2e8: {  	[sflag:s7] =	ssyncset.done $0x0  }
0x2e9: {  	[sflag:s7] =	ssyncadd.s32 $0xFFFFC000  }
0x2ea: {  	_ =	swait.ge [sflag:s7], $0x4000  }
0x2eb: {  	[sflag:s7] =	ssyncset.done $0x0  }
0x2ec: {  	[sflag:s7] =	ssyncadd.s32 $0xFFFFC000  }
0x2ed: {  	_ =	swait.ge [sflag:s7], $0x4000  }
0x2ee: {  	[sflag:s7] =	ssyncset.done $0x0  }
0x2ef: {  	[sflag:s7] =	ssyncadd.s32 $0xFFFFC000  }
0x2f0: {  	_ =	swait.ge [sflag:s7], $0x4000  }
0x2f1: {  	[sflag:s7] =	ssyncset.done $0x0  }
0x2f2: {  	s11 =	rddreg [dreg:$0x10];
	[sflag:s7] =	ssyncadd.s32 $0xFFFFC000  }
0x2f3: {  	[hbm4b:s11+s2] =	stream.linear.scatter [tilespmem:s5], [sflag:$0x2], $0x10000, $0x38;
	[tilespmem:$0x12000] =	vst v63  }
0x2f4: {  	_ =	swait.ge [sflag:s3], $0x10000  }
0x2f5: {  	[sflag:s3] =	ssyncset.done $0x0  }
0x2f6: {  	[sflag:s3] =	ssyncadd.s32 $0xFFFF0000  }
0x2f7: {  	[tilespmem:s5], [sflag:$0x1] =	stream.indirect.gather [hbm4b:s4+s6], $0x80, s20, s6, $0xb8;
	[tilespmem:$0x12000] =	vst v63  }
0x2f8: {  	_ = 	snop  }
0x2f9: {  	[tilespmem:s8], [sflag:$0x1] =	stream.indirect.gather [hbm4b:s4+s6], $0x80, s21, s6, $0xb8;
	[tilespmem:$0x12000] =	vst v63  }
0x2fa: {  	_ = 	snop  }
0x2fb: {  	[tilespmem:s9], [sflag:$0x1] =	stream.indirect.gather [hbm4b:s4+s6], $0x80, s22, s6, $0xb8;
	[tilespmem:$0x12000] =	vst v63  }
0x2fc: {  	_ = 	snop  }
0x2fd: {  	[tilespmem:s10], [sflag:$0x1] =	stream.indirect.gather [hbm4b:s4+s6], $0x80, s23, s6, $0xb8;
	[tilespmem:$0x12000] =	vst v63  }
0x2fe: {  	_ =	swait.ge [sflag:s7], $0x4000  }
0x2ff: {  	[sflag:s7] =	ssyncset.done $0x0  }
0x300: {  	[sflag:s7] =	ssyncadd.s32 $0xFFFFC000  }
0x301: {  	_ =	swait.ge [sflag:s7], $0x4000  }
0x302: {  	[sflag:s7] =	ssyncset.done $0x0  }
0x303: {  	[sflag:s7] =	ssyncadd.s32 $0xFFFFC000  }
0x304: {  	_ =	swait.ge [sflag:s7], $0x4000  }
0x305: {  	[sflag:s7] =	ssyncset.done $0x0  }
0x306: {  	[sflag:s7] =	ssyncadd.s32 $0xFFFFC000  }
0x307: {  	_ =	swait.ge [sflag:s7], $0x4000  }
0x308: {  	[sflag:s7] =	ssyncset.done $0x0  }
0x309: {  	s11 =	rddreg [dreg:$0x11];
	[sflag:s7] =	ssyncadd.s32 $0xFFFFC000  }
0x30a: {  	[hbm4b:s11+s2] =	stream.linear.scatter [tilespmem:s5], [sflag:$0x2], $0x10000, $0x38;
	[tilespmem:$0x12000] =	vst v63  }
0x30b: {  	_ =	swait.ge [sflag:s3], $0x10000  }
0x30c: {  	[sflag:s3] =	ssyncset.done $0x0  }
0x30d: {  	s11 =	simm.s32 $0x1C00;
	[sflag:s3] =	ssyncadd.s32 $0xFFFF0000  }
0x30e: {  	[tilespmem:s5], [sflag:$0x1] =	stream.indirect.gather [hbm4b:s4+s6], $0x80, s11, s6, $0xb8;
	[tilespmem:$0x12000] =	vst v63  }
0x30f: {  	_ = 	snop  }
0x310: {  	[tilespmem:s8], [sflag:$0x1] =	stream.indirect.gather [hbm4b:s4+s6], $0x80, s17, s6, $0xb8;
	[tilespmem:$0x12000] =	vst v63  }
0x311: {  	_ = 	snop  }
0x312: {  	[tilespmem:s9], [sflag:$0x1] =	stream.indirect.gather [hbm4b:s4+s6], $0x80, s18, s6, $0xb8;
	[tilespmem:$0x12000] =	vst v63  }
0x313: {  	_ = 	snop  }
0x314: {  	[tilespmem:s10], [sflag:$0x1] =	stream.indirect.gather [hbm4b:s4+s6], $0x80, s19, s6, $0xb8;
	[tilespmem:$0x12000] =	vst v63  }
0x315: {  	_ =	swait.ge [sflag:s7], $0x4000  }
0x316: {  	[sflag:s7] =	ssyncset.done $0x0  }
0x317: {  	[sflag:s7] =	ssyncadd.s32 $0xFFFFC000  }
0x318: {  	_ =	swait.ge [sflag:s7], $0x4000  }
0x319: {  	[sflag:s7] =	ssyncset.done $0x0  }
0x31a: {  	[sflag:s7] =	ssyncadd.s32 $0xFFFFC000  }
0x31b: {  	_ =	swait.ge [sflag:s7], $0x4000  }
0x31c: {  	[sflag:s7] =	ssyncset.done $0x0  }
0x31d: {  	[sflag:s7] =	ssyncadd.s32 $0xFFFFC000  }
0x31e: {  	_ =	swait.ge [sflag:s7], $0x4000  }
0x31f: {  	[sflag:s7] =	ssyncset.done $0x0  }
0x320: {  	s11 =	rddreg [dreg:$0x12];
	[sflag:s7] =	ssyncadd.s32 $0xFFFFC000  }
0x321: {  	[hbm4b:s11+s2] =	stream.linear.scatter [tilespmem:s5], [sflag:$0x2], $0x10000, $0x38;
	[tilespmem:$0x12000] =	vst v63  }
0x322: {  	_ =	swait.ge [sflag:s3], $0x10000  }
0x323: {  	[sflag:s3] =	ssyncset.done $0x0  }
0x324: {  	[sflag:s3] =	ssyncadd.s32 $0xFFFF0000  }
0x325: {  	[tilespmem:s5], [sflag:$0x1] =	stream.indirect.gather [hbm4b:s4+s6], $0x80, s12, s6, $0xb8;
	[tilespmem:$0x12000] =	vst v63  }
0x326: {  	_ = 	snop  }
0x327: {  	[tilespmem:s8], [sflag:$0x1] =	stream.indirect.gather [hbm4b:s4+s6], $0x80, s13, s6, $0xb8;
	[tilespmem:$0x12000] =	vst v63  }
0x328: {  	_ = 	snop  }
0x329: {  	[tilespmem:s9], [sflag:$0x1] =	stream.indirect.gather [hbm4b:s4+s6], $0x80, s14, s6, $0xb8;
	[tilespmem:$0x12000] =	vst v63  }
0x32a: {  	_ = 	snop  }
0x32b: {  	[tilespmem:s10], [sflag:$0x1] =	stream.indirect.gather [hbm4b:s4+s6], $0x80, s15, s6, $0xb8;
	[tilespmem:$0x12000] =	vst v63  }
0x32c: {  	_ =	swait.ge [sflag:s7], $0x4000  }
0x32d: {  	[sflag:s7] =	ssyncset.done $0x0  }
0x32e: {  	[sflag:s7] =	ssyncadd.s32 $0xFFFFC000  }
0x32f: {  	_ =	swait.ge [sflag:s7], $0x4000  }
0x330: {  	[sflag:s7] =	ssyncset.done $0x0  }
0x331: {  	[sflag:s7] =	ssyncadd.s32 $0xFFFFC000  }
0x332: {  	_ =	swait.ge [sflag:s7], $0x4000  }
0x333: {  	[sflag:s7] =	ssyncset.done $0x0  }
0x334: {  	[sflag:s7] =	ssyncadd.s32 $0xFFFFC000  }
0x335: {  	p1 =	sne.s32 s1, $0x1;
	_ =	swait.ge [sflag:s7], $0x4000  }
.Ltmp2:
0x336: {  	[sflag:s7] =	ssyncset.done $0x0;
	(pc) =	sbr.rel @p1 .LBB2_4-.Ltmp2, $4  }
0x337: {  	s11 =	rddreg [dreg:$0x13];
	[sflag:s7] =	ssyncadd.s32 $0xFFFFC000  }
0x338: {  	[hbm4b:s11+s2] =	stream.linear.scatter [tilespmem:s5], [sflag:$0x2], $0x10000, $0x38;
	[tilespmem:$0x12000] =	vst v63  }
0x339: {  	_ =	swait.ge [sflag:s3], $0x10000  }
0x33a: {  	s1 =	sadd.s32 $0xFFFFFFFF, s1;
	s0 =	rddreg [dreg:$0x3];
	[sflag:s3] =	ssyncset.done $0x0  }
0x33b: {  	s15 =	simm.s32 $0x1780;
	s31 =	simm.s32 $0x1700  }
0x33c: {  	s30 =	simm.s32 $0x1680;
	s29 =	simm.s32 $0x1600;
	s28 =	simm.s32 $0x1980  }
0x33d: {  	s26 =	simm.s32 $0x1900;
	s25 =	simm.s32 $0x1880;
	s24 =	simm.s32 $0x1800  }
0x33e: {  	s23 =	simm.s32 $0x1B80;
	s22 =	simm.s32 $0x1B00;
	s21 =	simm.s32 $0x1A80  }
0x33f: {  	s20 =	simm.s32 $0x1A00;
	s19 =	simm.s32 $0x1D80;
	s18 =	simm.s32 $0x1D00  }
0x340: {  	s17 =	simm.s32 $0x1C80;
	s16 =	simm.s32 $0x1C00;
	s14 =	simm.s32 $0x1F00  }
0x341: {  	s13 =	simm.s32 $0x1E80;
	s12 =	simm.s32 $0x1E00;
	s11 =	stileid.u32  }
.LBB2_6:
0x342: {  	[sflag:s3] =	ssyncadd.s32 @p0 $0xFFFF0000  }
0x343: {  	[tilespmem:s2], [sflag:$0x2] =	stream.linear.gather [hbm4b:s0+s2], $0x2000, $0x38;
	[tilespmem:$0x12000] =	vst v63  }
0x344: {  	_ =	swait.ge [sflag:s3], $0x2000  }
0x345: {  	[sflag:s3] =	ssyncset.done $0x0  }
0x346: {  	[sflag:s3] =	ssyncadd.s32 $0xFFFFE000  }
0x347: {  	[tilespmem:s5], [sflag:$0x1] =	stream.indirect.gather [hbm4b:s4+s6], $0x80, s2, s6, $0xb8;
	[tilespmem:$0x12000] =	vst v63  }
0x348: {  	_ = 	snop  }
0x349: {  	[tilespmem:s8], [sflag:$0x1] =	stream.indirect.gather [hbm4b:s4+s6], $0x80, s6, s6, $0xb8;
	[tilespmem:$0x12000] =	vst v63  }
0x34a: {  	s0 =	rddreg [dreg:$0x14]  }
0x34b: {  	[tilespmem:s9], [sflag:$0x1] =	stream.indirect.gather [hbm4b:s4+s6], $0x80, s0, s6, $0xb8;
	[tilespmem:$0x12000] =	vst v63  }
0x34c: {  	s1 =	rddreg [dreg:$0x15]  }
0x34d: {  	[tilespmem:s10], [sflag:$0x1] =	stream.indirect.gather [hbm4b:s4+s6], $0x80, s1, s6, $0xb8;
	[tilespmem:$0x12000] =	vst v63  }
0x34e: {  	_ =	swait.ge [sflag:s7], $0x4000  }
0x34f: {  	[sflag:s7] =	ssyncset.done $0x0  }
0x350: {  	[sflag:s7] =	ssyncadd.s32 $0xFFFFC000  }
0x351: {  	_ =	swait.ge [sflag:s7], $0x4000  }
0x352: {  	[sflag:s7] =	ssyncset.done $0x0  }
0x353: {  	[sflag:s7] =	ssyncadd.s32 $0xFFFFC000  }
0x354: {  	_ =	swait.ge [sflag:s7], $0x4000  }
0x355: {  	[sflag:s7] =	ssyncset.done $0x0  }
0x356: {  	[sflag:s7] =	ssyncadd.s32 $0xFFFFC000  }
0x357: {  	_ =	swait.ge [sflag:s7], $0x4000  }
0x358: {  	[sflag:s7] =	ssyncset.done $0x0  }
0x359: {  	s1 =	rddreg [dreg:$0x4];
	[sflag:s7] =	ssyncadd.s32 $0xFFFFC000  }
0x35a: {  	[hbm4b:s1+s2] =	stream.linear.scatter [tilespmem:s5], [sflag:$0x2], $0x10000, $0x38;
	[tilespmem:$0x12000] =	vst v63  }
0x35b: {  	_ =	swait.ge [sflag:s3], $0x10000  }
0x35c: {  	[sflag:s3] =	ssyncset.done $0x0  }
0x35d: {  	s0 =	rddreg [dreg:$0x16];
	[sflag:s3] =	ssyncadd.s32 $0xFFFF0000  }
0x35e: {  	[tilespmem:s5], [sflag:$0x1] =	stream.indirect.gather [hbm4b:s4+s6], $0x80, s0, s6, $0xb8;
	[tilespmem:$0x12000] =	vst v63  }
0x35f: {  	s1 =	rddreg [dreg:$0x17]  }
0x360: {  	[tilespmem:s8], [sflag:$0x1] =	stream.indirect.gather [hbm4b:s4+s6], $0x80, s1, s6, $0xb8;
	[tilespmem:$0x12000] =	vst v63  }
0x361: {  	s0 =	rddreg [dreg:$0x18]  }
0x362: {  	[tilespmem:s9], [sflag:$0x1] =	stream.indirect.gather [hbm4b:s4+s6], $0x80, s0, s6, $0xb8;
	[tilespmem:$0x12000] =	vst v63  }
0x363: {  	s1 =	rddreg [dreg:$0x19]  }
0x364: {  	[tilespmem:s10], [sflag:$0x1] =	stream.indirect.gather [hbm4b:s4+s6], $0x80, s1, s6, $0xb8;
	[tilespmem:$0x12000] =	vst v63  }
0x365: {  	_ =	swait.ge [sflag:s7], $0x4000  }
0x366: {  	[sflag:s7] =	ssyncset.done $0x0  }
0x367: {  	[sflag:s7] =	ssyncadd.s32 $0xFFFFC000  }
0x368: {  	_ =	swait.ge [sflag:s7], $0x4000  }
0x369: {  	[sflag:s7] =	ssyncset.done $0x0  }
0x36a: {  	[sflag:s7] =	ssyncadd.s32 $0xFFFFC000  }
0x36b: {  	_ =	swait.ge [sflag:s7], $0x4000  }
0x36c: {  	[sflag:s7] =	ssyncset.done $0x0  }
0x36d: {  	[sflag:s7] =	ssyncadd.s32 $0xFFFFC000  }
0x36e: {  	_ =	swait.ge [sflag:s7], $0x4000  }
0x36f: {  	[sflag:s7] =	ssyncset.done $0x0  }
0x370: {  	s1 =	rddreg [dreg:$0x5];
	[sflag:s7] =	ssyncadd.s32 $0xFFFFC000  }
0x371: {  	[hbm4b:s1+s2] =	stream.linear.scatter [tilespmem:s5], [sflag:$0x2], $0x10000, $0x38;
	[tilespmem:$0x12000] =	vst v63  }
0x372: {  	_ =	swait.ge [sflag:s3], $0x10000  }
0x373: {  	[sflag:s3] =	ssyncset.done $0x0  }
0x374: {  	s0 =	rddreg [dreg:$0x1a];
	[sflag:s3] =	ssyncadd.s32 $0xFFFF0000  }
0x375: {  	[tilespmem:s5], [sflag:$0x1] =	stream.indirect.gather [hbm4b:s4+s6], $0x80, s0, s6, $0xb8;
	[tilespmem:$0x12000] =	vst v63  }
0x376: {  	s1 =	rddreg [dreg:$0x1b]  }
0x377: {  	[tilespmem:s8], [sflag:$0x1] =	stream.indirect.gather [hbm4b:s4+s6], $0x80, s1, s6, $0xb8;
	[tilespmem:$0x12000] =	vst v63  }
0x378: {  	s0 =	rddreg [dreg:$0x1c]  }
0x379: {  	[tilespmem:s9], [sflag:$0x1] =	stream.indirect.gather [hbm4b:s4+s6], $0x80, s0, s6, $0xb8;
	[tilespmem:$0x12000] =	vst v63  }
0x37a: {  	s1 =	rddreg [dreg:$0x1d]  }
0x37b: {  	[tilespmem:s10], [sflag:$0x1] =	stream.indirect.gather [hbm4b:s4+s6], $0x80, s1, s6, $0xb8;
	[tilespmem:$0x12000] =	vst v63  }
0x37c: {  	_ =	swait.ge [sflag:s7], $0x4000  }
0x37d: {  	[sflag:s7] =	ssyncset.done $0x0  }
0x37e: {  	[sflag:s7] =	ssyncadd.s32 $0xFFFFC000  }
0x37f: {  	_ =	swait.ge [sflag:s7], $0x4000  }
0x380: {  	[sflag:s7] =	ssyncset.done $0x0  }
0x381: {  	[sflag:s7] =	ssyncadd.s32 $0xFFFFC000  }
0x382: {  	_ =	swait.ge [sflag:s7], $0x4000  }
0x383: {  	[sflag:s7] =	ssyncset.done $0x0  }
0x384: {  	[sflag:s7] =	ssyncadd.s32 $0xFFFFC000  }
0x385: {  	_ =	swait.ge [sflag:s7], $0x4000  }
0x386: {  	[sflag:s7] =	ssyncset.done $0x0  }
0x387: {  	s1 =	rddreg [dreg:$0x6];
	[sflag:s7] =	ssyncadd.s32 $0xFFFFC000  }
0x388: {  	[hbm4b:s1+s2] =	stream.linear.scatter [tilespmem:s5], [sflag:$0x2], $0x10000, $0x38;
	[tilespmem:$0x12000] =	vst v63  }
0x389: {  	_ =	swait.ge [sflag:s3], $0x10000  }
0x38a: {  	s0 =	rddreg [dreg:$0x1e];
	[sflag:s3] =	ssyncset.done $0x0  }
0x38b: {  	s1 =	rddreg [dreg:$0x1f];
	[sflag:s3] =	ssyncadd.s32 $0xFFFF0000  }
0x38c: {  	[tilespmem:s5], [sflag:$0x1] =	stream.indirect.gather [hbm4b:s4+s6], $0x80, s0, s6, $0xb8;
	[tilespmem:$0x12000] =	vst v63  }
0x38d: {  	s0 =	sld [smem:$0x7E0]  }
0x38e: {  	[tilespmem:s8], [sflag:$0x1] =	stream.indirect.gather [hbm4b:s4+s6], $0x80, s1, s6, $0xb8;
	[tilespmem:$0x12000] =	vst v63  }
0x38f: {  	s1 =	sld [smem:$0x7E1]  }
0x390: {  	[tilespmem:s9], [sflag:$0x1] =	stream.indirect.gather [hbm4b:s4+s6], $0x80, s0, s6, $0xb8;
	[tilespmem:$0x12000] =	vst v63  }
0x391: {  	_ = 	snop  }
0x392: {  	[tilespmem:s10], [sflag:$0x1] =	stream.indirect.gather [hbm4b:s4+s6], $0x80, s1, s6, $0xb8;
	[tilespmem:$0x12000] =	vst v63  }
0x393: {  	_ =	swait.ge [sflag:s7], $0x4000  }
0x394: {  	[sflag:s7] =	ssyncset.done $0x0  }
0x395: {  	[sflag:s7] =	ssyncadd.s32 $0xFFFFC000  }
0x396: {  	_ =	swait.ge [sflag:s7], $0x4000  }
0x397: {  	[sflag:s7] =	ssyncset.done $0x0  }
0x398: {  	[sflag:s7] =	ssyncadd.s32 $0xFFFFC000  }
0x399: {  	_ =	swait.ge [sflag:s7], $0x4000  }
0x39a: {  	[sflag:s7] =	ssyncset.done $0x0  }
0x39b: {  	[sflag:s7] =	ssyncadd.s32 $0xFFFFC000  }
0x39c: {  	_ =	swait.ge [sflag:s7], $0x4000  }
0x39d: {  	[sflag:s7] =	ssyncset.done $0x0  }
0x39e: {  	s1 =	rddreg [dreg:$0x7];
	[sflag:s7] =	ssyncadd.s32 $0xFFFFC000  }
0x39f: {  	[hbm4b:s1+s2] =	stream.linear.scatter [tilespmem:s5], [sflag:$0x2], $0x10000, $0x38;
	[tilespmem:$0x12000] =	vst v63  }
0x3a0: {  	_ =	swait.ge [sflag:s3], $0x10000  }
0x3a1: {  	s0 =	sld [smem:$0x7E2]  }
0x3a2: {  	[sflag:s3] =	ssyncset.done $0x0  }
0x3a3: {  	s1 =	sld [smem:$0x7E3];
	[sflag:s3] =	ssyncadd.s32 $0xFFFF0000  }
0x3a4: {  	[tilespmem:s5], [sflag:$0x1] =	stream.indirect.gather [hbm4b:s4+s6], $0x80, s0, s6, $0xb8;
	[tilespmem:$0x12000] =	vst v63  }
0x3a5: {  	s0 =	sld [smem:$0x7E4]  }
0x3a6: {  	[tilespmem:s8], [sflag:$0x1] =	stream.indirect.gather [hbm4b:s4+s6], $0x80, s1, s6, $0xb8;
	[tilespmem:$0x12000] =	vst v63  }
0x3a7: {  	s1 =	sld [smem:$0x7E5]  }
0x3a8: {  	[tilespmem:s9], [sflag:$0x1] =	stream.indirect.gather [hbm4b:s4+s6], $0x80, s0, s6, $0xb8;
	[tilespmem:$0x12000] =	vst v63  }
0x3a9: {  	_ = 	snop  }
0x3aa: {  	[tilespmem:s10], [sflag:$0x1] =	stream.indirect.gather [hbm4b:s4+s6], $0x80, s1, s6, $0xb8;
	[tilespmem:$0x12000] =	vst v63  }
0x3ab: {  	_ =	swait.ge [sflag:s7], $0x4000  }
0x3ac: {  	[sflag:s7] =	ssyncset.done $0x0  }
0x3ad: {  	[sflag:s7] =	ssyncadd.s32 $0xFFFFC000  }
0x3ae: {  	_ =	swait.ge [sflag:s7], $0x4000  }
0x3af: {  	[sflag:s7] =	ssyncset.done $0x0  }
0x3b0: {  	[sflag:s7] =	ssyncadd.s32 $0xFFFFC000  }
0x3b1: {  	_ =	swait.ge [sflag:s7], $0x4000  }
0x3b2: {  	[sflag:s7] =	ssyncset.done $0x0  }
0x3b3: {  	[sflag:s7] =	ssyncadd.s32 $0xFFFFC000  }
0x3b4: {  	_ =	swait.ge [sflag:s7], $0x4000  }
0x3b5: {  	[sflag:s7] =	ssyncset.done $0x0  }
0x3b6: {  	s1 =	rddreg [dreg:$0x8];
	[sflag:s7] =	ssyncadd.s32 $0xFFFFC000  }
0x3b7: {  	[hbm4b:s1+s2] =	stream.linear.scatter [tilespmem:s5], [sflag:$0x2], $0x10000, $0x38;
	[tilespmem:$0x12000] =	vst v63  }
0x3b8: {  	_ =	swait.ge [sflag:s3], $0x10000  }
0x3b9: {  	s0 =	sld [smem:$0x7E6]  }
0x3ba: {  	[sflag:s3] =	ssyncset.done $0x0  }
0x3bb: {  	s1 =	sld [smem:$0x7E7];
	[sflag:s3] =	ssyncadd.s32 $0xFFFF0000  }
0x3bc: {  	[tilespmem:s5], [sflag:$0x1] =	stream.indirect.gather [hbm4b:s4+s6], $0x80, s0, s6, $0xb8;
	[tilespmem:$0x12000] =	vst v63  }
0x3bd: {  	s0 =	sld [smem:$0x7E8]  }
0x3be: {  	[tilespmem:s8], [sflag:$0x1] =	stream.indirect.gather [hbm4b:s4+s6], $0x80, s1, s6, $0xb8;
	[tilespmem:$0x12000] =	vst v63  }
0x3bf: {  	s1 =	sld [smem:$0x7E9]  }
0x3c0: {  	[tilespmem:s9], [sflag:$0x1] =	stream.indirect.gather [hbm4b:s4+s6], $0x80, s0, s6, $0xb8;
	[tilespmem:$0x12000] =	vst v63  }
0x3c1: {  	_ = 	snop  }
0x3c2: {  	[tilespmem:s10], [sflag:$0x1] =	stream.indirect.gather [hbm4b:s4+s6], $0x80, s1, s6, $0xb8;
	[tilespmem:$0x12000] =	vst v63  }
0x3c3: {  	_ =	swait.ge [sflag:s7], $0x4000  }
0x3c4: {  	[sflag:s7] =	ssyncset.done $0x0  }
0x3c5: {  	[sflag:s7] =	ssyncadd.s32 $0xFFFFC000  }
0x3c6: {  	_ =	swait.ge [sflag:s7], $0x4000  }
0x3c7: {  	[sflag:s7] =	ssyncset.done $0x0  }
0x3c8: {  	[sflag:s7] =	ssyncadd.s32 $0xFFFFC000  }
0x3c9: {  	_ =	swait.ge [sflag:s7], $0x4000  }
0x3ca: {  	[sflag:s7] =	ssyncset.done $0x0  }
0x3cb: {  	[sflag:s7] =	ssyncadd.s32 $0xFFFFC000  }
0x3cc: {  	_ =	swait.ge [sflag:s7], $0x4000  }
0x3cd: {  	[sflag:s7] =	ssyncset.done $0x0  }
0x3ce: {  	s1 =	rddreg [dreg:$0x9];
	[sflag:s7] =	ssyncadd.s32 $0xFFFFC000  }
0x3cf: {  	[hbm4b:s1+s2] =	stream.linear.scatter [tilespmem:s5], [sflag:$0x2], $0x10000, $0x38;
	[tilespmem:$0x12000] =	vst v63  }
0x3d0: {  	_ =	swait.ge [sflag:s3], $0x10000  }
0x3d1: {  	s0 =	sld [smem:$0x7EA]  }
0x3d2: {  	[sflag:s3] =	ssyncset.done $0x0  }
0x3d3: {  	s1 =	sld [smem:$0x7EB];
	[sflag:s3] =	ssyncadd.s32 $0xFFFF0000  }
0x3d4: {  	[tilespmem:s5], [sflag:$0x1] =	stream.indirect.gather [hbm4b:s4+s6], $0x80, s0, s6, $0xb8;
	[tilespmem:$0x12000] =	vst v63  }
0x3d5: {  	s0 =	sld [smem:$0x7EC]  }
0x3d6: {  	[tilespmem:s8], [sflag:$0x1] =	stream.indirect.gather [hbm4b:s4+s6], $0x80, s1, s6, $0xb8;
	[tilespmem:$0x12000] =	vst v63  }
0x3d7: {  	s1 =	sld [smem:$0x7ED]  }
0x3d8: {  	[tilespmem:s9], [sflag:$0x1] =	stream.indirect.gather [hbm4b:s4+s6], $0x80, s0, s6, $0xb8;
	[tilespmem:$0x12000] =	vst v63  }
0x3d9: {  	_ = 	snop  }
0x3da: {  	[tilespmem:s10], [sflag:$0x1] =	stream.indirect.gather [hbm4b:s4+s6], $0x80, s1, s6, $0xb8;
	[tilespmem:$0x12000] =	vst v63  }
0x3db: {  	_ =	swait.ge [sflag:s7], $0x4000  }
0x3dc: {  	[sflag:s7] =	ssyncset.done $0x0  }
0x3dd: {  	[sflag:s7] =	ssyncadd.s32 $0xFFFFC000  }
0x3de: {  	_ =	swait.ge [sflag:s7], $0x4000  }
0x3df: {  	[sflag:s7] =	ssyncset.done $0x0  }
0x3e0: {  	[sflag:s7] =	ssyncadd.s32 $0xFFFFC000  }
0x3e1: {  	_ =	swait.ge [sflag:s7], $0x4000  }
0x3e2: {  	[sflag:s7] =	ssyncset.done $0x0  }
0x3e3: {  	[sflag:s7] =	ssyncadd.s32 $0xFFFFC000  }
0x3e4: {  	_ =	swait.ge [sflag:s7], $0x4000  }
0x3e5: {  	[sflag:s7] =	ssyncset.done $0x0  }
0x3e6: {  	s1 =	rddreg [dreg:$0xa];
	[sflag:s7] =	ssyncadd.s32 $0xFFFFC000  }
0x3e7: {  	[hbm4b:s1+s2] =	stream.linear.scatter [tilespmem:s5], [sflag:$0x2], $0x10000, $0x38;
	[tilespmem:$0x12000] =	vst v63  }
0x3e8: {  	_ =	swait.ge [sflag:s3], $0x10000  }
0x3e9: {  	s0 =	sld [smem:$0x7EE]  }
0x3ea: {  	[sflag:s3] =	ssyncset.done $0x0  }
0x3eb: {  	s1 =	sld [smem:$0x7EF];
	[sflag:s3] =	ssyncadd.s32 $0xFFFF0000  }
0x3ec: {  	[tilespmem:s5], [sflag:$0x1] =	stream.indirect.gather [hbm4b:s4+s6], $0x80, s0, s6, $0xb8;
	[tilespmem:$0x12000] =	vst v63  }
0x3ed: {  	s0 =	sld [smem:$0x7F0]  }
0x3ee: {  	[tilespmem:s8], [sflag:$0x1] =	stream.indirect.gather [hbm4b:s4+s6], $0x80, s1, s6, $0xb8;
	[tilespmem:$0x12000] =	vst v63  }
0x3ef: {  	s1 =	sld [smem:$0x7F1]  }
0x3f0: {  	[tilespmem:s9], [sflag:$0x1] =	stream.indirect.gather [hbm4b:s4+s6], $0x80, s0, s6, $0xb8;
	[tilespmem:$0x12000] =	vst v63  }
0x3f1: {  	_ = 	snop  }
0x3f2: {  	[tilespmem:s10], [sflag:$0x1] =	stream.indirect.gather [hbm4b:s4+s6], $0x80, s1, s6, $0xb8;
	[tilespmem:$0x12000] =	vst v63  }
0x3f3: {  	_ =	swait.ge [sflag:s7], $0x4000  }
0x3f4: {  	[sflag:s7] =	ssyncset.done $0x0  }
0x3f5: {  	[sflag:s7] =	ssyncadd.s32 $0xFFFFC000  }
0x3f6: {  	_ =	swait.ge [sflag:s7], $0x4000  }
0x3f7: {  	[sflag:s7] =	ssyncset.done $0x0  }
0x3f8: {  	[sflag:s7] =	ssyncadd.s32 $0xFFFFC000  }
0x3f9: {  	_ =	swait.ge [sflag:s7], $0x4000  }
0x3fa: {  	[sflag:s7] =	ssyncset.done $0x0  }
0x3fb: {  	[sflag:s7] =	ssyncadd.s32 $0xFFFFC000  }
0x3fc: {  	_ =	swait.ge [sflag:s7], $0x4000  }
0x3fd: {  	[sflag:s7] =	ssyncset.done $0x0  }
0x3fe: {  	s1 =	rddreg [dreg:$0xb];
	[sflag:s7] =	ssyncadd.s32 $0xFFFFC000  }
0x3ff: {  	[hbm4b:s1+s2] =	stream.linear.scatter [tilespmem:s5], [sflag:$0x2], $0x10000, $0x38;
	[tilespmem:$0x12000] =	vst v63  }
0x400: {  	_ =	swait.ge [sflag:s3], $0x10000  }
0x401: {  	s0 =	sld [smem:$0x7F2]  }
0x402: {  	[sflag:s3] =	ssyncset.done $0x0  }
0x403: {  	s1 =	sld [smem:$0x7F3];
	[sflag:s3] =	ssyncadd.s32 $0xFFFF0000  }
0x404: {  	[tilespmem:s5], [sflag:$0x1] =	stream.indirect.gather [hbm4b:s4+s6], $0x80, s0, s6, $0xb8;
	[tilespmem:$0x12000] =	vst v63  }
0x405: {  	s0 =	sld [smem:$0x7F4]  }
0x406: {  	[tilespmem:s8], [sflag:$0x1] =	stream.indirect.gather [hbm4b:s4+s6], $0x80, s1, s6, $0xb8;
	[tilespmem:$0x12000] =	vst v63  }
0x407: {  	s1 =	sld [smem:$0x7F5]  }
0x408: {  	[tilespmem:s9], [sflag:$0x1] =	stream.indirect.gather [hbm4b:s4+s6], $0x80, s0, s6, $0xb8;
	[tilespmem:$0x12000] =	vst v63  }
0x409: {  	_ = 	snop  }
0x40a: {  	[tilespmem:s10], [sflag:$0x1] =	stream.indirect.gather [hbm4b:s4+s6], $0x80, s1, s6, $0xb8;
	[tilespmem:$0x12000] =	vst v63  }
0x40b: {  	_ =	swait.ge [sflag:s7], $0x4000  }
0x40c: {  	[sflag:s7] =	ssyncset.done $0x0  }
0x40d: {  	[sflag:s7] =	ssyncadd.s32 $0xFFFFC000  }
0x40e: {  	_ =	swait.ge [sflag:s7], $0x4000  }
0x40f: {  	[sflag:s7] =	ssyncset.done $0x0  }
0x410: {  	[sflag:s7] =	ssyncadd.s32 $0xFFFFC000  }
0x411: {  	_ =	swait.ge [sflag:s7], $0x4000  }
0x412: {  	[sflag:s7] =	ssyncset.done $0x0  }
0x413: {  	[sflag:s7] =	ssyncadd.s32 $0xFFFFC000  }
0x414: {  	_ =	swait.ge [sflag:s7], $0x4000  }
0x415: {  	[sflag:s7] =	ssyncset.done $0x0  }
0x416: {  	s1 =	rddreg [dreg:$0xc];
	[sflag:s7] =	ssyncadd.s32 $0xFFFFC000  }
0x417: {  	[hbm4b:s1+s2] =	stream.linear.scatter [tilespmem:s5], [sflag:$0x2], $0x10000, $0x38;
	[tilespmem:$0x12000] =	vst v63  }
0x418: {  	_ =	swait.ge [sflag:s3], $0x10000  }
0x419: {  	s0 =	sld [smem:$0x7F6]  }
0x41a: {  	[sflag:s3] =	ssyncset.done $0x0  }
0x41b: {  	s1 =	sld [smem:$0x7F7];
	[sflag:s3] =	ssyncadd.s32 $0xFFFF0000  }
0x41c: {  	[tilespmem:s5], [sflag:$0x1] =	stream.indirect.gather [hbm4b:s4+s6], $0x80, s0, s6, $0xb8;
	[tilespmem:$0x12000] =	vst v63  }
0x41d: {  	s0 =	sld [smem:$0x7F8]  }
0x41e: {  	[tilespmem:s8], [sflag:$0x1] =	stream.indirect.gather [hbm4b:s4+s6], $0x80, s1, s6, $0xb8;
	[tilespmem:$0x12000] =	vst v63  }
0x41f: {  	s1 =	sld [smem:$0x7F9]  }
0x420: {  	[tilespmem:s9], [sflag:$0x1] =	stream.indirect.gather [hbm4b:s4+s6], $0x80, s0, s6, $0xb8;
	[tilespmem:$0x12000] =	vst v63  }
0x421: {  	_ = 	snop  }
0x422: {  	[tilespmem:s10], [sflag:$0x1] =	stream.indirect.gather [hbm4b:s4+s6], $0x80, s1, s6, $0xb8;
	[tilespmem:$0x12000] =	vst v63  }
0x423: {  	_ =	swait.ge [sflag:s7], $0x4000  }
0x424: {  	[sflag:s7] =	ssyncset.done $0x0  }
0x425: {  	[sflag:s7] =	ssyncadd.s32 $0xFFFFC000  }
0x426: {  	_ =	swait.ge [sflag:s7], $0x4000  }
0x427: {  	[sflag:s7] =	ssyncset.done $0x0  }
0x428: {  	[sflag:s7] =	ssyncadd.s32 $0xFFFFC000  }
0x429: {  	_ =	swait.ge [sflag:s7], $0x4000  }
0x42a: {  	[sflag:s7] =	ssyncset.done $0x0  }
0x42b: {  	[sflag:s7] =	ssyncadd.s32 $0xFFFFC000  }
0x42c: {  	_ =	swait.ge [sflag:s7], $0x4000  }
0x42d: {  	[sflag:s7] =	ssyncset.done $0x0  }
0x42e: {  	s1 =	rddreg [dreg:$0xd];
	[sflag:s7] =	ssyncadd.s32 $0xFFFFC000  }
0x42f: {  	[hbm4b:s1+s2] =	stream.linear.scatter [tilespmem:s5], [sflag:$0x2], $0x10000, $0x38;
	[tilespmem:$0x12000] =	vst v63  }
0x430: {  	_ =	swait.ge [sflag:s3], $0x10000  }
0x431: {  	s0 =	sld [smem:$0x7FA]  }
0x432: {  	[sflag:s3] =	ssyncset.done $0x0  }
0x433: {  	s1 =	sld [smem:$0x7FB];
	[sflag:s3] =	ssyncadd.s32 $0xFFFF0000  }
0x434: {  	[tilespmem:s5], [sflag:$0x1] =	stream.indirect.gather [hbm4b:s4+s6], $0x80, s0, s6, $0xb8;
	[tilespmem:$0x12000] =	vst v63  }
0x435: {  	s0 =	sld [smem:$0x7FC]  }
0x436: {  	[tilespmem:s8], [sflag:$0x1] =	stream.indirect.gather [hbm4b:s4+s6], $0x80, s1, s6, $0xb8;
	[tilespmem:$0x12000] =	vst v63  }
0x437: {  	s1 =	sld [smem:$0x7FD]  }
0x438: {  	[tilespmem:s9], [sflag:$0x1] =	stream.indirect.gather [hbm4b:s4+s6], $0x80, s0, s6, $0xb8;
	[tilespmem:$0x12000] =	vst v63  }
0x439: {  	_ = 	snop  }
0x43a: {  	[tilespmem:s10], [sflag:$0x1] =	stream.indirect.gather [hbm4b:s4+s6], $0x80, s1, s6, $0xb8;
	[tilespmem:$0x12000] =	vst v63  }
0x43b: {  	_ =	swait.ge [sflag:s7], $0x4000  }
0x43c: {  	[sflag:s7] =	ssyncset.done $0x0  }
0x43d: {  	[sflag:s7] =	ssyncadd.s32 $0xFFFFC000  }
0x43e: {  	_ =	swait.ge [sflag:s7], $0x4000  }
0x43f: {  	[sflag:s7] =	ssyncset.done $0x0  }
0x440: {  	[sflag:s7] =	ssyncadd.s32 $0xFFFFC000  }
0x441: {  	_ =	swait.ge [sflag:s7], $0x4000  }
0x442: {  	[sflag:s7] =	ssyncset.done $0x0  }
0x443: {  	[sflag:s7] =	ssyncadd.s32 $0xFFFFC000  }
0x444: {  	_ =	swait.ge [sflag:s7], $0x4000  }
0x445: {  	[sflag:s7] =	ssyncset.done $0x0  }
0x446: {  	s1 =	rddreg [dreg:$0xe];
	[sflag:s7] =	ssyncadd.s32 $0xFFFFC000  }
0x447: {  	[hbm4b:s1+s2] =	stream.linear.scatter [tilespmem:s5], [sflag:$0x2], $0x10000, $0x38;
	[tilespmem:$0x12000] =	vst v63  }
0x448: {  	_ =	swait.ge [sflag:s3], $0x10000  }
0x449: {  	[sflag:s3] =	ssyncset.done $0x0  }
0x44a: {  	[sflag:s3] =	ssyncadd.s32 $0xFFFF0000  }
0x44b: {  	[tilespmem:s5], [sflag:$0x1] =	stream.indirect.gather [hbm4b:s4+s6], $0x80, s29, s6, $0xb8;
	[tilespmem:$0x12000] =	vst v63  }
0x44c: {  	_ = 	snop  }
0x44d: {  	[tilespmem:s8], [sflag:$0x1] =	stream.indirect.gather [hbm4b:s4+s6], $0x80, s30, s6, $0xb8;
	[tilespmem:$0x12000] =	vst v63  }
0x44e: {  	_ = 	snop  }
0x44f: {  	[tilespmem:s9], [sflag:$0x1] =	stream.indirect.gather [hbm4b:s4+s6], $0x80, s31, s6, $0xb8;
	[tilespmem:$0x12000] =	vst v63  }
0x450: {  	_ = 	snop  }
0x451: {  	[tilespmem:s10], [sflag:$0x1] =	stream.indirect.gather [hbm4b:s4+s6], $0x80, s15, s6, $0xb8;
	[tilespmem:$0x12000] =	vst v63  }
0x452: {  	_ =	swait.ge [sflag:s7], $0x4000  }
0x453: {  	[sflag:s7] =	ssyncset.done $0x0  }
0x454: {  	[sflag:s7] =	ssyncadd.s32 $0xFFFFC000  }
0x455: {  	_ =	swait.ge [sflag:s7], $0x4000  }
0x456: {  	[sflag:s7] =	ssyncset.done $0x0  }
0x457: {  	[sflag:s7] =	ssyncadd.s32 $0xFFFFC000  }
0x458: {  	_ =	swait.ge [sflag:s7], $0x4000  }
0x459: {  	[sflag:s7] =	ssyncset.done $0x0  }
0x45a: {  	[sflag:s7] =	ssyncadd.s32 $0xFFFFC000  }
0x45b: {  	_ =	swait.ge [sflag:s7], $0x4000  }
0x45c: {  	[sflag:s7] =	ssyncset.done $0x0  }
0x45d: {  	s15 =	rddreg [dreg:$0xf];
	[sflag:s7] =	ssyncadd.s32 $0xFFFFC000  }
0x45e: {  	[hbm4b:s15+s2] =	stream.linear.scatter [tilespmem:s5], [sflag:$0x2], $0x10000, $0x38;
	[tilespmem:$0x12000] =	vst v63  }
0x45f: {  	_ =	swait.ge [sflag:s3], $0x10000  }
0x460: {  	[sflag:s3] =	ssyncset.done $0x0  }
0x461: {  	[sflag:s3] =	ssyncadd.s32 $0xFFFF0000  }
0x462: {  	[tilespmem:s5], [sflag:$0x1] =	stream.indirect.gather [hbm4b:s4+s6], $0x80, s24, s6, $0xb8;
	[tilespmem:$0x12000] =	vst v63  }
0x463: {  	_ = 	snop  }
0x464: {  	[tilespmem:s8], [sflag:$0x1] =	stream.indirect.gather [hbm4b:s4+s6], $0x80, s25, s6, $0xb8;
	[tilespmem:$0x12000] =	vst v63  }
0x465: {  	_ = 	snop  }
0x466: {  	[tilespmem:s9], [sflag:$0x1] =	stream.indirect.gather [hbm4b:s4+s6], $0x80, s26, s6, $0xb8;
	[tilespmem:$0x12000] =	vst v63  }
0x467: {  	_ = 	snop  }
0x468: {  	[tilespmem:s10], [sflag:$0x1] =	stream.indirect.gather [hbm4b:s4+s6], $0x80, s28, s6, $0xb8;
	[tilespmem:$0x12000] =	vst v63  }
0x469: {  	_ =	swait.ge [sflag:s7], $0x4000  }
0x46a: {  	[sflag:s7] =	ssyncset.done $0x0  }
0x46b: {  	[sflag:s7] =	ssyncadd.s32 $0xFFFFC000  }
0x46c: {  	_ =	swait.ge [sflag:s7], $0x4000  }
0x46d: {  	[sflag:s7] =	ssyncset.done $0x0  }
0x46e: {  	[sflag:s7] =	ssyncadd.s32 $0xFFFFC000  }
0x46f: {  	_ =	swait.ge [sflag:s7], $0x4000  }
0x470: {  	[sflag:s7] =	ssyncset.done $0x0  }
0x471: {  	[sflag:s7] =	ssyncadd.s32 $0xFFFFC000  }
0x472: {  	_ =	swait.ge [sflag:s7], $0x4000  }
0x473: {  	[sflag:s7] =	ssyncset.done $0x0  }
0x474: {  	s26 =	rddreg [dreg:$0x10];
	[sflag:s7] =	ssyncadd.s32 $0xFFFFC000  }
0x475: {  	[hbm4b:s26+s2] =	stream.linear.scatter [tilespmem:s5], [sflag:$0x2], $0x10000, $0x38;
	[tilespmem:$0x12000] =	vst v63  }
0x476: {  	_ =	swait.ge [sflag:s3], $0x10000  }
0x477: {  	[sflag:s3] =	ssyncset.done $0x0  }
0x478: {  	[sflag:s3] =	ssyncadd.s32 $0xFFFF0000  }
0x479: {  	[tilespmem:s5], [sflag:$0x1] =	stream.indirect.gather [hbm4b:s4+s6], $0x80, s20, s6, $0xb8;
	[tilespmem:$0x12000] =	vst v63  }
0x47a: {  	_ = 	snop  }
0x47b: {  	[tilespmem:s8], [sflag:$0x1] =	stream.indirect.gather [hbm4b:s4+s6], $0x80, s21, s6, $0xb8;
	[tilespmem:$0x12000] =	vst v63  }
0x47c: {  	_ = 	snop  }
0x47d: {  	[tilespmem:s9], [sflag:$0x1] =	stream.indirect.gather [hbm4b:s4+s6], $0x80, s22, s6, $0xb8;
	[tilespmem:$0x12000] =	vst v63  }
0x47e: {  	_ = 	snop  }
0x47f: {  	[tilespmem:s10], [sflag:$0x1] =	stream.indirect.gather [hbm4b:s4+s6], $0x80, s23, s6, $0xb8;
	[tilespmem:$0x12000] =	vst v63  }
0x480: {  	_ =	swait.ge [sflag:s7], $0x4000  }
0x481: {  	[sflag:s7] =	ssyncset.done $0x0  }
0x482: {  	[sflag:s7] =	ssyncadd.s32 $0xFFFFC000  }
0x483: {  	_ =	swait.ge [sflag:s7], $0x4000  }
0x484: {  	[sflag:s7] =	ssyncset.done $0x0  }
0x485: {  	[sflag:s7] =	ssyncadd.s32 $0xFFFFC000  }
0x486: {  	_ =	swait.ge [sflag:s7], $0x4000  }
0x487: {  	[sflag:s7] =	ssyncset.done $0x0  }
0x488: {  	[sflag:s7] =	ssyncadd.s32 $0xFFFFC000  }
0x489: {  	_ =	swait.ge [sflag:s7], $0x4000  }
0x48a: {  	[sflag:s7] =	ssyncset.done $0x0  }
0x48b: {  	s28 =	rddreg [dreg:$0x11];
	[sflag:s7] =	ssyncadd.s32 $0xFFFFC000  }
0x48c: {  	[hbm4b:s28+s2] =	stream.linear.scatter [tilespmem:s5], [sflag:$0x2], $0x10000, $0x38;
	[tilespmem:$0x12000] =	vst v63  }
0x48d: {  	_ =	swait.ge [sflag:s3], $0x10000  }
0x48e: {  	[sflag:s3] =	ssyncset.done $0x0  }
0x48f: {  	[sflag:s3] =	ssyncadd.s32 $0xFFFF0000  }
0x490: {  	[tilespmem:s5], [sflag:$0x1] =	stream.indirect.gather [hbm4b:s4+s6], $0x80, s16, s6, $0xb8;
	[tilespmem:$0x12000] =	vst v63  }
0x491: {  	_ = 	snop  }
0x492: {  	[tilespmem:s8], [sflag:$0x1] =	stream.indirect.gather [hbm4b:s4+s6], $0x80, s17, s6, $0xb8;
	[tilespmem:$0x12000] =	vst v63  }
0x493: {  	_ = 	snop  }
0x494: {  	[tilespmem:s9], [sflag:$0x1] =	stream.indirect.gather [hbm4b:s4+s6], $0x80, s18, s6, $0xb8;
	[tilespmem:$0x12000] =	vst v63  }
0x495: {  	_ = 	snop  }
0x496: {  	[tilespmem:s10], [sflag:$0x1] =	stream.indirect.gather [hbm4b:s4+s6], $0x80, s19, s6, $0xb8;
	[tilespmem:$0x12000] =	vst v63  }
0x497: {  	_ =	swait.ge [sflag:s7], $0x4000  }
0x498: {  	[sflag:s7] =	ssyncset.done $0x0  }
0x499: {  	[sflag:s7] =	ssyncadd.s32 $0xFFFFC000  }
0x49a: {  	_ =	swait.ge [sflag:s7], $0x4000  }
0x49b: {  	[sflag:s7] =	ssyncset.done $0x0  }
0x49c: {  	[sflag:s7] =	ssyncadd.s32 $0xFFFFC000  }
0x49d: {  	_ =	swait.ge [sflag:s7], $0x4000  }
0x49e: {  	[sflag:s7] =	ssyncset.done $0x0  }
0x49f: {  	[sflag:s7] =	ssyncadd.s32 $0xFFFFC000  }
0x4a0: {  	_ =	swait.ge [sflag:s7], $0x4000  }
0x4a1: {  	[sflag:s7] =	ssyncset.done $0x0  }
0x4a2: {  	s29 =	rddreg [dreg:$0x12];
	[sflag:s7] =	ssyncadd.s32 $0xFFFFC000  }
0x4a3: {  	[hbm4b:s29+s2] =	stream.linear.scatter [tilespmem:s5], [sflag:$0x2], $0x10000, $0x38;
	[tilespmem:$0x12000] =	vst v63  }
0x4a4: {  	_ =	swait.ge [sflag:s3], $0x10000  }
0x4a5: {  	[sflag:s3] =	ssyncset.done $0x0  }
0x4a6: {  	[sflag:s3] =	ssyncadd.s32 $0xFFFF0000  }
0x4a7: {  	[tilespmem:s5], [sflag:$0x1] =	stream.indirect.gather [hbm4b:s4+s6], $0x80, s12, s6, $0xb8;
	[tilespmem:$0x12000] =	vst v63  }
0x4a8: {  	_ = 	snop  }
0x4a9: {  	[tilespmem:s8], [sflag:$0x1] =	stream.indirect.gather [hbm4b:s4+s6], $0x80, s13, s6, $0xb8;
	[tilespmem:$0x12000] =	vst v63  }
0x4aa: {  	_ = 	snop  }
0x4ab: {  	[tilespmem:s9], [sflag:$0x1] =	stream.indirect.gather [hbm4b:s4+s6], $0x80, s14, s6, $0xb8;
	[tilespmem:$0x12000] =	vst v63  }
0x4ac: {  	s30 =	simm.s32 $0x1F80  }
0x4ad: {  	[tilespmem:s10], [sflag:$0x1] =	stream.indirect.gather [hbm4b:s4+s6], $0x80, s30, s6, $0xb8;
	[tilespmem:$0x12000] =	vst v63  }
0x4ae: {  	_ =	swait.ge [sflag:s7], $0x4000  }
0x4af: {  	[sflag:s7] =	ssyncset.done $0x0  }
0x4b0: {  	[sflag:s7] =	ssyncadd.s32 $0xFFFFC000  }
0x4b1: {  	_ =	swait.ge [sflag:s7], $0x4000  }
0x4b2: {  	[sflag:s7] =	ssyncset.done $0x0  }
0x4b3: {  	[sflag:s7] =	ssyncadd.s32 $0xFFFFC000  }
0x4b4: {  	_ =	swait.ge [sflag:s7], $0x4000  }
0x4b5: {  	[sflag:s7] =	ssyncset.done $0x0  }
0x4b6: {  	[sflag:s7] =	ssyncadd.s32 $0xFFFFC000  }
0x4b7: {  	_ =	swait.ge [sflag:s7], $0x4000  }
0x4b8: {  	[sflag:s7] =	ssyncset.done $0x0  }
0x4b9: {  	s31 =	rddreg [dreg:$0x13];
	[sflag:s7] =	ssyncadd.s32 $0xFFFFC000  }
0x4ba: {  	[hbm4b:s31+s2] =	stream.linear.scatter [tilespmem:s5], [sflag:$0x2], $0x10000, $0x38;
	[tilespmem:$0x12000] =	vst v63  }
0x4bb: {  	_ =	swait.ge [sflag:s3], $0x10000  }
0x4bc: {  	[sflag:s3] =	ssyncset.done $0x0  }
0x4bd: {  	[sflag:s3] =	ssyncadd.s32 $0xFFFF0000  }
0x4be: {  	_ =	sfence.sel $0x180000  }
0x4bf: {  	[bflag:$0x0] =	sbarrier.arrive $0xFFFF  }
0x4c0: {  	_ =	strace $0x90000047  }
0x4c1: {  	[bflag:$0x2] =	sbarrier.arrive $0xFFFF  }
0x4c2: {  	p0 =	sne.s32 s11, $0x0;
	s0 =	rddreg [dreg:$0x2]  }
0x4c3: {  	s0 =	sadd.s32 @!p0 $0x100000, s0  }
0x4c4: {  	[sflag:s0] =	ssyncadd.tile.s32 @!p0 $0x1;
	_ =	shalt  }
.LBB2_1:
0x4c5: {  	s15 =	simm.s32 $0x1780;
	s31 =	simm.s32 $0x1700  }
0x4c6: {  	s30 =	simm.s32 $0x1680;
	s29 =	simm.s32 $0x1600;
	s28 =	simm.s32 $0x1980  }
.Ltmp3:
0x4c7: {  	s26 =	simm.s32 $0x1900;
	s25 =	simm.s32 $0x1880;
	(pc) =	sbr.rel .LBB2_6-.Ltmp3, $4  }
0x4c8: {  	s24 =	simm.s32 $0x1800;
	s23 =	simm.s32 $0x1B80;
	s22 =	simm.s32 $0x1B00  }
0x4c9: {  	s21 =	simm.s32 $0x1A80;
	s20 =	simm.s32 $0x1A00;
	s19 =	simm.s32 $0x1D80  }
0x4ca: {  	s18 =	simm.s32 $0x1D00;
	s17 =	simm.s32 $0x1C80;
	s16 =	simm.s32 $0x1C00  }
0x4cb: {  	s14 =	simm.s32 $0x1F00;
	s13 =	simm.s32 $0x1E80;
	s12 =	simm.s32 $0x1E00  }
.LBB2_3:
0x4cc: {  	s15 =	simm.s32 $0x1780;
	s31 =	simm.s32 $0x1700;
	s30 =	simm.s32 $0x1680  }
0x4cd: {  	s29 =	simm.s32 $0x1600;
	s28 =	simm.s32 $0x1980;
	s26 =	simm.s32 $0x1900  }
.Ltmp4:
0x4ce: {  	s25 =	simm.s32 $0x1880;
	s24 =	simm.s32 $0x1800;
	(pc) =	sbr.rel .LBB2_6-.Ltmp4, $4  }
0x4cf: {  	s23 =	simm.s32 $0x1B80;
	s22 =	simm.s32 $0x1B00;
	s21 =	simm.s32 $0x1A80  }
0x4d0: {  	s20 =	simm.s32 $0x1A00;
	s19 =	simm.s32 $0x1D80;
	s18 =	simm.s32 $0x1D00  }
0x4d1: {  	s17 =	simm.s32 $0x1C80;
	s16 =	simm.s32 $0x1C00;
	s14 =	simm.s32 $0x1F00  }
0x4d2: {  	s13 =	simm.s32 $0x1E80;
	s12 =	simm.s32 $0x1E00;
	s11 =	stileid.u32  }
.Lfunc_end2:
_tile_overlayer_lowered:
.L_overlay_start_2:
0x4d3: {  	(tag) =	ssettag $0x2  }
0x4d4: {  	s0 =	rddreg [dreg:$0x0];
	s2 =	stileid.u32  }
0x4d5: {  	s1 =	rddreg [dreg:$0x1];
	p0 =	sne.s32 s2, $0x0  }
0x4d6: {  	s3 =	rddreg [dreg:$0x2];
	[bflag:$0x3] =	sbarrier.arrive $0xFFFF;
	s2 =	simm.s32 @!p0 $0x1C02  }
0x4d7: {  	[timem:s3], [sflag:s2] =	dma.local @!p0 [hbm:s0], s1  }
0x4d8: {  	s0 =	simm.s32 @!p0 $0x2  }
0x4d9: {  	_ =	swait.ge @!p0 [sflag:s0], s1  }
0x4da: {  	s1 =	ssub.s32 @!p0 $0x0, s1;
	[sflag:s0] =	ssyncset.done @!p0 $0x0  }
0x4db: {  	[sflag:s0] =	ssyncadd.s32 @!p0 s1  }
0x4dc: {  	[bflag:$0x3] =	sbarrier.arrive $0xFFFF  }
0x4dd: {  	_ =	shalt  }

</sc_bundles>
